<compile_context>
chip_gen: v7x
topology: tpu7x:2x2x1
jax: 0.10.2.dev20260603
libtpu: 0.0.44.dev20260713+nightly
codegen_flags: <defaults>
</compile_context>

<pallas_src>
import functools

import jax
import jax.numpy as jnp
from jax import lax
from jax.experimental import pallas as pl
from jax.experimental.pallas import tpu as pltpu
from jax.experimental.pallas import tpu_sc as plsc

N = 10000
E = 320000
R = 16
NB_BASES = 8
D = 128
L16 = 16

NC, NS = 2, 16
NW = NC * NS
C = 128
WCHUNKS = (-(-E // (C * NW)) + 7) // 8 * 8
NCHUNKS = WCHUNKS * NW
E_PAD = NCHUNKS * C
N_ACC = 10240
ROWS_PER_TILE = N_ACC // NS

@functools.lru_cache(maxsize=None)
def _sc_mesh():
    return plsc.VectorSubcoreMesh(
        core_axis_name="c", subcore_axis_name="s", num_cores=NC, num_subcores=NS)


BN_HR = 5000
NB_HR = N // BN_HR


def _hr_body(comb_ref, bases_ref, h_ref, out_ref, h_scr):
    r = pl.program_id(1)

    @pl.when(r == 0)
    def _():
        h_scr[...] = h_ref[...].astype(jnp.bfloat16)

    w = comb_ref[r, 0] * bases_ref[0]
    for b in range(1, NB_BASES):
        w += comb_ref[r, b] * bases_ref[b]
    out_ref[...] = jnp.dot(h_scr[...], w.astype(jnp.bfloat16),
                           preferred_element_type=jnp.float32)


_hr_call = pl.pallas_call(
    _hr_body,
    grid=(NB_HR, R),
    in_specs=[
        pl.BlockSpec(memory_space=pltpu.SMEM),
        pl.BlockSpec((NB_BASES, D, D), lambda nb, r: (0, 0, 0)),
        pl.BlockSpec((BN_HR, D), lambda nb, r: (nb, 0)),
    ],
    out_specs=pl.BlockSpec((BN_HR, D), lambda nb, r: (r * NB_HR + nb, 0)),
    out_shape=jax.ShapeDtypeStruct((R * N, D), jnp.float32),
    scratch_shapes=[pltpu.VMEM((BN_HR, D), jnp.bfloat16)],
)


GRP = 16
NGRP = WCHUNKS // GRP
ZR = 64
HALF = WCHUNKS // 2


@functools.lru_cache(maxsize=None)
def _make_edge_kernel():
    scratch = [
        pltpu.VMEM((HALF, C), jnp.int32),
        pltpu.VMEM((HALF, C), jnp.int32),
        pltpu.VMEM((C, D), jnp.float32),
        pltpu.VMEM((C, D), jnp.float32),
        pltpu.VMEM_SHARED((N_ACC, D), jnp.float32),
        pltpu.SemaphoreType.DMA,
        pltpu.SemaphoreType.DMA,
    ]

    def body(gidxr, dstr, hr, part_o,
             gidx_v, dst_v, rows0, rows1, acc_sh, sem0, sem1):
        c = lax.axis_index("c")
        s = lax.axis_index("s")
        wid = c * NS + s

        def _zb(i, carry):
            for j in range(D // L16):
                rows0[i, pl.ds(j * L16, L16)] = jnp.zeros((L16,), jnp.float32)
            return carry
        lax.fori_loop(0, C, _zb, 0)
        base_row = s * ROWS_PER_TILE
        for k in range(ROWS_PER_TILE // C):
            pltpu.sync_copy(rows0, acc_sh.at[pl.ds(base_row + k * C, C)])
        plsc.subcore_barrier()

        def _half(h, carry):
            r0 = pl.multiple_of(wid * WCHUNKS + h * HALF, 8)
            pltpu.sync_copy(gidxr.at[pl.ds(r0, HALF)], gidx_v)
            pltpu.sync_copy(dstr.at[pl.ds(r0, HALF)], dst_v)
            pltpu.async_copy(hr.at[gidx_v.at[0]], rows0, sem0)

            def _pair(g, carry2):
                k0 = 2 * g
                pltpu.async_copy(hr.at[gidx_v.at[k0 + 1]], rows1, sem1)
                pltpu.make_async_copy(hr.at[gidx_v.at[k0]], rows0, sem0).wait()
                pltpu.sync_copy(rows0, acc_sh.at[dst_v.at[k0]], add=True)

                @pl.when(g < HALF // 2 - 1)
                def _():
                    pltpu.async_copy(hr.at[gidx_v.at[k0 + 2]], rows0, sem0)
                pltpu.make_async_copy(hr.at[gidx_v.at[k0 + 1]], rows1,
                                      sem1).wait()
                pltpu.sync_copy(rows1, acc_sh.at[dst_v.at[k0 + 1]], add=True)
                return carry2
            lax.fori_loop(0, HALF // 2, _pair, 0)
            return carry
        lax.fori_loop(0, 2, _half, 0)
        plsc.subcore_barrier()

        pltpu.sync_copy(acc_sh.at[pl.ds(base_row, ROWS_PER_TILE)],
                        part_o.at[c, pl.ds(base_row, ROWS_PER_TILE)])

    return pl.kernel(body,
                     out_type=jax.ShapeDtypeStruct((NC, N_ACC, D), jnp.float32),
                     mesh=_sc_mesh(), scratch_types=scratch)


def _upd_hr_body(comb_ref, bases_ref, cnt_ref, p_ref, h_ref, ws_ref, ws2_ref,
                 hr_ref, y1_ref, inv_ref, h1_scr):
    r = pl.program_id(1)

    @pl.when(r == 0)
    def _():
        deg = cnt_ref[0] + cnt_ref[1]
        inv = 1.0 / jnp.maximum(deg, 1.0)
        agg = (p_ref[0] + p_ref[1]) * inv
        h1 = jnp.maximum(
            agg + jnp.dot(h_ref[...], ws_ref[...],
                          preferred_element_type=jnp.float32), 0.0)
        h1b = h1.astype(jnp.bfloat16)
        h1_scr[...] = h1b
        y1_ref[...] = jnp.dot(h1b, ws2_ref[...].astype(jnp.bfloat16),
                              preferred_element_type=jnp.float32)
        inv_ref[...] = inv * jnp.ones((1, D), jnp.float32)

    w = comb_ref[r, 0] * bases_ref[0]
    for b in range(1, NB_BASES):
        w += comb_ref[r, b] * bases_ref[b]
    hr_ref[...] = jnp.dot(h1_scr[...], w.astype(jnp.bfloat16),
                          preferred_element_type=jnp.float32)


_upd_hr_call = pl.pallas_call(
    _upd_hr_body,
    grid=(NB_HR, R),
    in_specs=[
        pl.BlockSpec(memory_space=pltpu.SMEM),
        pl.BlockSpec((NB_BASES, D, D), lambda nb, r: (0, 0, 0)),
        pl.BlockSpec((NC, BN_HR, 1), lambda nb, r: (0, nb, 0)),
        pl.BlockSpec((NC, BN_HR, D), lambda nb, r: (0, nb, 0)),
        pl.BlockSpec((BN_HR, D), lambda nb, r: (nb, 0)),
        pl.BlockSpec((D, D), lambda nb, r: (0, 0)),
        pl.BlockSpec((D, D), lambda nb, r: (0, 0)),
    ],
    out_specs=[
        pl.BlockSpec((BN_HR, D), lambda nb, r: (r * NB_HR + nb, 0)),
        pl.BlockSpec((BN_HR, D), lambda nb, r: (nb, 0)),
        pl.BlockSpec((BN_HR, D), lambda nb, r: (nb, 0)),
    ],
    out_shape=[jax.ShapeDtypeStruct((R * N, D), jnp.float32),
               jax.ShapeDtypeStruct((N, D), jnp.float32),
               jax.ShapeDtypeStruct((N, D), jnp.float32)],
    scratch_shapes=[pltpu.VMEM((BN_HR, D), jnp.bfloat16)],
)


@functools.lru_cache(maxsize=None)
def _make_cnt_kernel():
    scratch = [
        pltpu.VMEM((GRP, C), jnp.int32),
        pltpu.VMEM((C,), jnp.float32),
        pltpu.VMEM((ROWS_PER_TILE,), jnp.float32),
        pltpu.VMEM_SHARED((N_ACC,), jnp.float32),
    ]

    def body(dstr, cnt_o, dst_v, ones_v, zero_v, cnt_sh):
        c = lax.axis_index("c")
        s = lax.axis_index("s")
        wid = c * NS + s

        def _ob(i, carry):
            ones_v[pl.ds((i % (C // L16)) * L16, L16)] = jnp.ones(
                (L16,), jnp.float32)
            zero_v[pl.ds(i * L16, L16)] = jnp.zeros((L16,), jnp.float32)
            return carry
        lax.fori_loop(0, ROWS_PER_TILE // L16, _ob, 0)

        base_row = s * ROWS_PER_TILE
        pltpu.sync_copy(zero_v, cnt_sh.at[pl.ds(base_row, ROWS_PER_TILE)])
        plsc.subcore_barrier()

        def _grp(g, carry):
            r0 = pl.multiple_of(wid * WCHUNKS + g * GRP, GRP)
            pltpu.sync_copy(dstr.at[pl.ds(r0, GRP)], dst_v)

            def _eb(k, carry2):
                pltpu.sync_copy(ones_v, cnt_sh.at[dst_v.at[k]], add=True)
                return carry2
            lax.fori_loop(0, GRP, _eb, 0)
            return carry
        lax.fori_loop(0, NGRP, _grp, 0)
        plsc.subcore_barrier()

        pltpu.sync_copy(cnt_sh.at[pl.ds(base_row, ROWS_PER_TILE)],
                        cnt_o.at[c, pl.ds(base_row, ROWS_PER_TILE)])

    return pl.kernel(
        body,
        out_type=jax.ShapeDtypeStruct((NC, N_ACC), jnp.float32),
        mesh=_sc_mesh(), scratch_types=scratch)


def _gidx_body(src_ref, typ_ref, out_ref):
    out_ref[...] = typ_ref[...] * N + src_ref[...]


_gidx_call = pl.pallas_call(
    _gidx_body,
    grid=(4,),
    in_specs=[pl.BlockSpec((NCHUNKS // 4, C), lambda i: (i, 0)),
              pl.BlockSpec((NCHUNKS // 4, C), lambda i: (i, 0))],
    out_specs=pl.BlockSpec((NCHUNKS // 4, C), lambda i: (i, 0)),
    out_shape=jax.ShapeDtypeStruct((NCHUNKS, C), jnp.int32),
)


NG = 4096
GPW = NG // NW


def _out_body(part2, inv_b, y1, idx_hbm, out_hbm,
              idx_v, p0_v, p1_v, i_v, y_v, sem):
    c = lax.axis_index("c")
    s = lax.axis_index("s")
    wid = c * NS + s
    base = pl.multiple_of(wid * GPW, GPW)
    pltpu.sync_copy(idx_hbm.at[pl.ds(base, GPW)], idx_v)
    cp0 = pltpu.async_copy(part2.at[0].at[idx_v], p0_v, sem)
    cp1 = pltpu.async_copy(part2.at[1].at[idx_v], p1_v, sem)
    cp2 = pltpu.async_copy(inv_b.at[idx_v], i_v, sem)
    cp3 = pltpu.async_copy(y1.at[idx_v], y_v, sem)
    cp0.wait(); cp1.wait(); cp2.wait(); cp3.wait()

    def _row(i, carry):
        for j in range(D // L16):
            sl = pl.ds(j * L16, L16)
            p0_v[i, sl] = jnp.maximum(
                (p0_v[i, sl] + p1_v[i, sl]) * i_v[i, sl] + y_v[i, sl], 0.0)
        return carry
    lax.fori_loop(0, GPW, _row, 0)
    pltpu.sync_copy(p0_v, out_hbm.at[pl.ds(base, GPW)])


@functools.lru_cache(maxsize=None)
def _make_out_kernel():
    return pl.kernel(
        _out_body,
        out_type=jax.ShapeDtypeStruct((NG, D), jnp.float32),
        mesh=_sc_mesh(),
        scratch_types=[
            pltpu.VMEM((GPW,), jnp.int32),
            pltpu.VMEM((GPW, D), jnp.float32),
            pltpu.VMEM((GPW, D), jnp.float32),
            pltpu.VMEM((GPW, D), jnp.float32),
            pltpu.VMEM((GPW, D), jnp.float32),
            pltpu.SemaphoreType.DMA,
        ],
    )


def kernel(x, bases, comb, w_self, edge_index, edge_type, indices):
    src, dst = edge_index[0], edge_index[1]
    padn = E_PAD - E
    ar = jnp.arange(padn, dtype=jnp.int32)
    src_p = jnp.concatenate([src, (ar * 7919) % N]).reshape(NCHUNKS, C)
    typ_p = jnp.concatenate([edge_type, ar % R]).reshape(NCHUNKS, C)
    dst_p = jnp.concatenate([dst, N + ar % (N_ACC - N)]).reshape(NCHUNKS, C)

    gidx_p = _gidx_call(src_p, typ_p)
    cnt = _make_cnt_kernel()(dst_p).reshape(NC, N_ACC, 1)
    hr = _hr_call(comb[0], bases[0], x)
    part = _make_edge_kernel()(gidx_p, dst_p, hr)
    hr2, y1, inv_b = _upd_hr_call(comb[1], bases[1], cnt, part, x,
                                  w_self[0], w_self[1])
    part2 = _make_edge_kernel()(gidx_p, dst_p, hr2)
    return _make_out_kernel()(part2, inv_b, y1, indices)

# --- scband reference (transcript-rebuilt; emitter-appended) ---
"""Pipeline reference for scband-rgcnrepresentations-79044578116389 (READ-ONLY COPY).

The authoritative reference and input builder live on the scoring server;
editing this copy changes nothing except your own understanding.
"""

import jax, jax.numpy as jnp
import numpy as np

N_ENT, N_EDGE, N_REL, N_BASES, D, N_LAYERS = 10000, 320000, 16, 8, 128, 2


def setup_inputs(seed: int = 0) -> dict:
    key = jax.random.key(seed)
    ks = jax.random.split(key, 8)
    x = jax.random.normal(ks[0], (N_ENT, D), dtype=jnp.float32) * 0.02
    bases = jax.random.normal(ks[1], (N_LAYERS, N_BASES, D, D), dtype=jnp.float32) * (1.0 / np.sqrt(D))
    comb = jax.random.normal(ks[2], (N_LAYERS, N_REL, N_BASES), dtype=jnp.float32) * (1.0 / np.sqrt(N_BASES))
    w_self = jax.random.normal(ks[3], (N_LAYERS, D, D), dtype=jnp.float32) * (1.0 / np.sqrt(D))
    edge_index = jax.random.randint(ks[4], (2, N_EDGE), 0, N_ENT, dtype=jnp.int32)
    edge_type = jax.random.randint(ks[5], (N_EDGE,), 0, N_REL, dtype=jnp.int32)
    indices = jax.random.randint(ks[6], (4096,), 0, N_ENT, dtype=jnp.int32)
    return {"x": x, "bases": bases, "comb": comb, "w_self": w_self,
            "edge_index": edge_index, "edge_type": edge_type, "indices": indices}


def reference(x, bases, comb, w_self, edge_index, edge_type, indices):
    # RGCNRepresentations: enrich base entity embeddings with num_layers of
    # relational message passing (basis decomposition, inverse in-degree
    # edge weights, self-loop), then select requested indices.
    n = x.shape[0]
    src, dst = edge_index[0], edge_index[1]
    # inverse_indegree_edge_weights: 1 / in_degree(target) per edge
    cnt = jnp.bincount(dst, length=n)
    ew = (1.0 / jnp.maximum(cnt, 1).astype(jnp.float32))[dst]
    h = x
    for layer in range(bases.shape[0]):
        # basis decomposition: W_r = sum_b comb[r,b] * bases[b]
        w = jnp.einsum('rb,bio->rio', comb[layer], bases[layer])  # [R, D, D]
        # transformed node states per relation, then gather per-edge messages
        hr = jnp.einsum('ni,rio->rno', h, w)                       # [R, N, D]
        msg = hr[edge_type, src]                                    # [E, D] gather
        agg = jax.ops.segment_sum(msg * ew[:, None], dst, num_segments=n)  # scatter-add
        h = jax.nn.relu(agg + h @ w_self[layer])
    return h[indices]

if __name__ == "__main__":
    import jax
    _d = setup_inputs()
    print(jax.jit(kernel)(*tuple(_d.values())))

</pallas_src>

<mosaic_0001>
#map = affine_map<(d0, d1) -> (0, 0)>
#map1 = affine_map<(d0, d1) -> (0, 0, 0)>
module attributes {stable_mosaic.version = 14 : i64} {
  func.func @body(%arg0: i32, %arg1: i32, %arg2: memref<2560x128xi32, #tpu.memory_space<hbm>>, %arg3: memref<2560x128xi32, #tpu.memory_space<hbm>>, %arg4: memref<160000x128xf32, #tpu.memory_space<hbm>>, %arg5: memref<2x10240x128xf32, #tpu.memory_space<hbm>>, %arg6: memref<40x128xi32, #tpu.memory_space<vmem>>, %arg7: memref<40x128xi32, #tpu.memory_space<vmem>>, %arg8: memref<128x128xf32, #tpu.memory_space<vmem>>, %arg9: memref<128x128xf32, #tpu.memory_space<vmem>>, %arg10: memref<10240x128xf32, #tpu.memory_space<vmem_shared>>, %arg11: memref<!tpu.dma_semaphore, #tpu.memory_space<semaphore_mem>>, %arg12: memref<!tpu.dma_semaphore, #tpu.memory_space<semaphore_mem>>) attributes {dimension_semantics = [#tpu.dimension_semantics<core_parallel>, #tpu.dimension_semantics<subcore_parallel>], iteration_bounds = array<i64: 2, 16>, scalar_prefetch = 0 : i64, scratch_operands = 7 : i64, tpu.core_type = #tpu.core_type<sc_vector_subcore>, window_params = [{transform_indices = #map}, {transform_indices = #map}, {transform_indices = #map}, {transform_indices = #map1}]} {
    %mul3A = arith.constant 16 : i32
    %mul3A_0 = arith.muli %arg0, %mul3A : i32
    %add3A = arith.addi %mul3A_0, %arg1 : i32
    %scan3A = arith.constant 0 : i32
    %scan3A_1 = arith.constant 0 : i32
    %scan3A_2 = arith.constant 128 : i32
    %scan3A_3 = arith.addi %scan3A_1, %scan3A_2 : i32
    %scan3A_4 = arith.constant 1 : i32
    scf.for %scan3A_25 = %scan3A_1 to %scan3A_3 step %scan3A_4  : i32 {
      %broadcast_in_dim3A = arith.constant 0.000000e+00 : f32
      %broadcast_in_dim3A_26 = vector.broadcast %broadcast_in_dim3A : f32 to vector<16xf32>
      %swap3A = arith.index_cast %scan3A_25 : i32 to index
      %swap3A_27 = arith.constant 0 : index
      %swap3A_28 = tpu.vector_load %arg8[%swap3A, %swap3A_27] {strides = array<i32>} : memref<128x128xf32, #tpu.memory_space<vmem>>, vector<1x16xf32>,
      %swap3A_29 = vector.shape_cast %swap3A_28 : vector<1x16xf32> to vector<16xf32>
      %swap3A_30 = vector.shape_cast %broadcast_in_dim3A_26 : vector<16xf32> to vector<1x16xf32>
      tpu.vector_store %arg8[%swap3A, %swap3A_27], %swap3A_30 {strides = array<i32>} : memref<128x128xf32, #tpu.memory_space<vmem>>, vector<1x16xf32>,
      %broadcast_in_dim3A_31 = arith.constant 0.000000e+00 : f32
      %broadcast_in_dim3A_32 = vector.broadcast %broadcast_in_dim3A_31 : f32 to vector<16xf32>
      %swap3A_33 = arith.index_cast %scan3A_25 : i32 to index
      %swap3A_34 = arith.constant 16 : index
      %swap3A_35 = tpu.vector_load %arg8[%swap3A_33, %swap3A_34] {strides = array<i32>} : memref<128x128xf32, #tpu.memory_space<vmem>>, vector<1x16xf32>,
      %swap3A_36 = vector.shape_cast %swap3A_35 : vector<1x16xf32> to vector<16xf32>
      %swap3A_37 = vector.shape_cast %broadcast_in_dim3A_32 : vector<16xf32> to vector<1x16xf32>
      tpu.vector_store %arg8[%swap3A_33, %swap3A_34], %swap3A_37 {strides = array<i32>} : memref<128x128xf32, #tpu.memory_space<vmem>>, vector<1x16xf32>,
      %broadcast_in_dim3A_38 = arith.constant 0.000000e+00 : f32
      %broadcast_in_dim3A_39 = vector.broadcast %broadcast_in_dim3A_38 : f32 to vector<16xf32>
      %swap3A_40 = arith.index_cast %scan3A_25 : i32 to index
      %swap3A_41 = arith.constant 32 : index
      %swap3A_42 = tpu.vector_load %arg8[%swap3A_40, %swap3A_41] {strides = array<i32>} : memref<128x128xf32, #tpu.memory_space<vmem>>, vector<1x16xf32>,
      %swap3A_43 = vector.shape_cast %swap3A_42 : vector<1x16xf32> to vector<16xf32>
      %swap3A_44 = vector.shape_cast %broadcast_in_dim3A_39 : vector<16xf32> to vector<1x16xf32>
      tpu.vector_store %arg8[%swap3A_40, %swap3A_41], %swap3A_44 {strides = array<i32>} : memref<128x128xf32, #tpu.memory_space<vmem>>, vector<1x16xf32>,
      %broadcast_in_dim3A_45 = arith.constant 0.000000e+00 : f32
      %broadcast_in_dim3A_46 = vector.broadcast %broadcast_in_dim3A_45 : f32 to vector<16xf32>
      %swap3A_47 = arith.index_cast %scan3A_25 : i32 to index
      %swap3A_48 = arith.constant 48 : index
      %swap3A_49 = tpu.vector_load %arg8[%swap3A_47, %swap3A_48] {strides = array<i32>} : memref<128x128xf32, #tpu.memory_space<vmem>>, vector<1x16xf32>,
      %swap3A_50 = vector.shape_cast %swap3A_49 : vector<1x16xf32> to vector<16xf32>
      %swap3A_51 = vector.shape_cast %broadcast_in_dim3A_46 : vector<16xf32> to vector<1x16xf32>
      tpu.vector_store %arg8[%swap3A_47, %swap3A_48], %swap3A_51 {strides = array<i32>} : memref<128x128xf32, #tpu.memory_space<vmem>>, vector<1x16xf32>,
      %broadcast_in_dim3A_52 = arith.constant 0.000000e+00 : f32
      %broadcast_in_dim3A_53 = vector.broadcast %broadcast_in_dim3A_52 : f32 to vector<16xf32>
      %swap3A_54 = arith.index_cast %scan3A_25 : i32 to index
      %swap3A_55 = arith.constant 64 : index
      %swap3A_56 = tpu.vector_load %arg8[%swap3A_54, %swap3A_55] {strides = array<i32>} : memref<128x128xf32, #tpu.memory_space<vmem>>, vector<1x16xf32>,
      %swap3A_57 = vector.shape_cast %swap3A_56 : vector<1x16xf32> to vector<16xf32>
      %swap3A_58 = vector.shape_cast %broadcast_in_dim3A_53 : vector<16xf32> to vector<1x16xf32>
      tpu.vector_store %arg8[%swap3A_54, %swap3A_55], %swap3A_58 {strides = array<i32>} : memref<128x128xf32, #tpu.memory_space<vmem>>, vector<1x16xf32>,
      %broadcast_in_dim3A_59 = arith.constant 0.000000e+00 : f32
      %broadcast_in_dim3A_60 = vector.broadcast %broadcast_in_dim3A_59 : f32 to vector<16xf32>
      %swap3A_61 = arith.index_cast %scan3A_25 : i32 to index
      %swap3A_62 = arith.constant 80 : index
      %swap3A_63 = tpu.vector_load %arg8[%swap3A_61, %swap3A_62] {strides = array<i32>} : memref<128x128xf32, #tpu.memory_space<vmem>>, vector<1x16xf32>,
      %swap3A_64 = vector.shape_cast %swap3A_63 : vector<1x16xf32> to vector<16xf32>
      %swap3A_65 = vector.shape_cast %broadcast_in_dim3A_60 : vector<16xf32> to vector<1x16xf32>
      tpu.vector_store %arg8[%swap3A_61, %swap3A_62], %swap3A_65 {strides = array<i32>} : memref<128x128xf32, #tpu.memory_space<vmem>>, vector<1x16xf32>,
      %broadcast_in_dim3A_66 = arith.constant 0.000000e+00 : f32
      %broadcast_in_dim3A_67 = vector.broadcast %broadcast_in_dim3A_66 : f32 to vector<16xf32>
      %swap3A_68 = arith.index_cast %scan3A_25 : i32 to index
      %swap3A_69 = arith.constant 96 : index
      %swap3A_70 = tpu.vector_load %arg8[%swap3A_68, %swap3A_69] {strides = array<i32>} : memref<128x128xf32, #tpu.memory_space<vmem>>, vector<1x16xf32>,
      %swap3A_71 = vector.shape_cast %swap3A_70 : vector<1x16xf32> to vector<16xf32>
      %swap3A_72 = vector.shape_cast %broadcast_in_dim3A_67 : vector<16xf32> to vector<1x16xf32>
      tpu.vector_store %arg8[%swap3A_68, %swap3A_69], %swap3A_72 {strides = array<i32>} : memref<128x128xf32, #tpu.memory_space<vmem>>, vector<1x16xf32>,
      %broadcast_in_dim3A_73 = arith.constant 0.000000e+00 : f32
      %broadcast_in_dim3A_74 = vector.broadcast %broadcast_in_dim3A_73 : f32 to vector<16xf32>
      %swap3A_75 = arith.index_cast %scan3A_25 : i32 to index
      %swap3A_76 = arith.constant 112 : index
      %swap3A_77 = tpu.vector_load %arg8[%swap3A_75, %swap3A_76] {strides = array<i32>} : memref<128x128xf32, #tpu.memory_space<vmem>>, vector<1x16xf32>,
      %swap3A_78 = vector.shape_cast %swap3A_77 : vector<1x16xf32> to vector<16xf32>
      %swap3A_79 = vector.shape_cast %broadcast_in_dim3A_74 : vector<16xf32> to vector<1x16xf32>
      tpu.vector_store %arg8[%swap3A_75, %swap3A_76], %swap3A_79 {strides = array<i32>} : memref<128x128xf32, #tpu.memory_space<vmem>>, vector<1x16xf32>,
    }
    %scan3A_5 = arith.constant 128 : i32
    %mul3A_6 = arith.constant 640 : i32
    %mul3A_7 = arith.muli %arg1, %mul3A_6 : i32
    %add3A_8 = arith.constant 0 : i32
    %add3A_9 = arith.addi %mul3A_7, %add3A_8 : i32
    "tpu.region"() ({
      %run_scoped3A = tpu.sem_alloc : memref<!tpu.dma_semaphore, #tpu.memory_space<semaphore_mem>>
      %dma_start3A = arith.constant 0 : i32
      %dma_start3A_25 = tpu.memref_slice %arg10[%add3A_9, %dma_start3A] : memref<10240x128xf32, #tpu.memory_space<vmem_shared>> -> memref<128x128xf32, #tpu.memory_space<vmem_shared>>
      %dma_start3A_26 = arith.constant 0 : i32
      %dma_start3A_27 = tpu.memref_slice %arg10[%add3A_9, %dma_start3A_26] : memref<10240x128xf32, #tpu.memory_space<vmem_shared>> -> memref<128x128xf32, #tpu.memory_space<vmem_shared>>
      tpu.enqueue_dma source(%arg8 : memref<128x128xf32, #tpu.memory_space<vmem>>) target(%dma_start3A_27 : memref<128x128xf32, #tpu.memory_space<vmem_shared>>) target_semaphore(%run_scoped3A : memref<!tpu.dma_semaphore, #tpu.memory_space<semaphore_mem>>)
      %dma_wait3A = arith.constant 0 : i32
      %dma_wait3A_28 = tpu.memref_slice %arg10[%add3A_9, %dma_wait3A] : memref<10240x128xf32, #tpu.memory_space<vmem_shared>> -> memref<128x128xf32, #tpu.memory_space<vmem_shared>>
      %dma_wait3A_29 = arith.constant 0 : i32
      %dma_wait3A_30 = tpu.memref_slice %arg10[%add3A_9, %dma_wait3A_29] : memref<10240x128xf32, #tpu.memory_space<vmem_shared>> -> memref<128x128xf32, #tpu.memory_space<vmem_shared>>
      tpu.wait_dma2 semaphore(%run_scoped3A : memref<!tpu.dma_semaphore, #tpu.memory_space<semaphore_mem>>) src(%arg8 : memref<128x128xf32, #tpu.memory_space<vmem>>) dst(%dma_wait3A_30 : memref<128x128xf32, #tpu.memory_space<vmem_shared>>)
      tpu.yield
    }) : () -> ()
    %add3A_10 = arith.constant 128 : i32
    %add3A_11 = arith.addi %mul3A_7, %add3A_10 : i32
    "tpu.region"() ({
      %run_scoped3A = tpu.sem_alloc : memref<!tpu.dma_semaphore, #tpu.memory_space<semaphore_mem>>
      %dma_start3A = arith.constant 0 : i32
      %dma_start3A_25 = tpu.memref_slice %arg10[%add3A_11, %dma_start3A] : memref<10240x128xf32, #tpu.memory_space<vmem_shared>> -> memref<128x128xf32, #tpu.memory_space<vmem_shared>>
      %dma_start3A_26 = arith.constant 0 : i32
      %dma_start3A_27 = tpu.memref_slice %arg10[%add3A_11, %dma_start3A_26] : memref<10240x128xf32, #tpu.memory_space<vmem_shared>> -> memref<128x128xf32, #tpu.memory_space<vmem_shared>>
      tpu.enqueue_dma source(%arg8 : memref<128x128xf32, #tpu.memory_space<vmem>>) target(%dma_start3A_27 : memref<128x128xf32, #tpu.memory_space<vmem_shared>>) target_semaphore(%run_scoped3A : memref<!tpu.dma_semaphore, #tpu.memory_space<semaphore_mem>>)
      %dma_wait3A = arith.constant 0 : i32
      %dma_wait3A_28 = tpu.memref_slice %arg10[%add3A_11, %dma_wait3A] : memref<10240x128xf32, #tpu.memory_space<vmem_shared>> -> memref<128x128xf32, #tpu.memory_space<vmem_shared>>
      %dma_wait3A_29 = arith.constant 0 : i32
      %dma_wait3A_30 = tpu.memref_slice %arg10[%add3A_11, %dma_wait3A_29] : memref<10240x128xf32, #tpu.memory_space<vmem_shared>> -> memref<128x128xf32, #tpu.memory_space<vmem_shared>>
      tpu.wait_dma2 semaphore(%run_scoped3A : memref<!tpu.dma_semaphore, #tpu.memory_space<semaphore_mem>>) src(%arg8 : memref<128x128xf32, #tpu.memory_space<vmem>>) dst(%dma_wait3A_30 : memref<128x128xf32, #tpu.memory_space<vmem_shared>>)
      tpu.yield
    }) : () -> ()
    %add3A_12 = arith.constant 256 : i32
    %add3A_13 = arith.addi %mul3A_7, %add3A_12 : i32
    "tpu.region"() ({
      %run_scoped3A = tpu.sem_alloc : memref<!tpu.dma_semaphore, #tpu.memory_space<semaphore_mem>>
      %dma_start3A = arith.constant 0 : i32
      %dma_start3A_25 = tpu.memref_slice %arg10[%add3A_13, %dma_start3A] : memref<10240x128xf32, #tpu.memory_space<vmem_shared>> -> memref<128x128xf32, #tpu.memory_space<vmem_shared>>
      %dma_start3A_26 = arith.constant 0 : i32
      %dma_start3A_27 = tpu.memref_slice %arg10[%add3A_13, %dma_start3A_26] : memref<10240x128xf32, #tpu.memory_space<vmem_shared>> -> memref<128x128xf32, #tpu.memory_space<vmem_shared>>
      tpu.enqueue_dma source(%arg8 : memref<128x128xf32, #tpu.memory_space<vmem>>) target(%dma_start3A_27 : memref<128x128xf32, #tpu.memory_space<vmem_shared>>) target_semaphore(%run_scoped3A : memref<!tpu.dma_semaphore, #tpu.memory_space<semaphore_mem>>)
      %dma_wait3A = arith.constant 0 : i32
      %dma_wait3A_28 = tpu.memref_slice %arg10[%add3A_13, %dma_wait3A] : memref<10240x128xf32, #tpu.memory_space<vmem_shared>> -> memref<128x128xf32, #tpu.memory_space<vmem_shared>>
      %dma_wait3A_29 = arith.constant 0 : i32
      %dma_wait3A_30 = tpu.memref_slice %arg10[%add3A_13, %dma_wait3A_29] : memref<10240x128xf32, #tpu.memory_space<vmem_shared>> -> memref<128x128xf32, #tpu.memory_space<vmem_shared>>
      tpu.wait_dma2 semaphore(%run_scoped3A : memref<!tpu.dma_semaphore, #tpu.memory_space<semaphore_mem>>) src(%arg8 : memref<128x128xf32, #tpu.memory_space<vmem>>) dst(%dma_wait3A_30 : memref<128x128xf32, #tpu.memory_space<vmem_shared>>)
      tpu.yield
    }) : () -> ()
    %add3A_14 = arith.constant 384 : i32
    %add3A_15 = arith.addi %mul3A_7, %add3A_14 : i32
    "tpu.region"() ({
      %run_scoped3A = tpu.sem_alloc : memref<!tpu.dma_semaphore, #tpu.memory_space<semaphore_mem>>
      %dma_start3A = arith.constant 0 : i32
      %dma_start3A_25 = tpu.memref_slice %arg10[%add3A_15, %dma_start3A] : memref<10240x128xf32, #tpu.memory_space<vmem_shared>> -> memref<128x128xf32, #tpu.memory_space<vmem_shared>>
      %dma_start3A_26 = arith.constant 0 : i32
      %dma_start3A_27 = tpu.memref_slice %arg10[%add3A_15, %dma_start3A_26] : memref<10240x128xf32, #tpu.memory_space<vmem_shared>> -> memref<128x128xf32, #tpu.memory_space<vmem_shared>>
      tpu.enqueue_dma source(%arg8 : memref<128x128xf32, #tpu.memory_space<vmem>>) target(%dma_start3A_27 : memref<128x128xf32, #tpu.memory_space<vmem_shared>>) target_semaphore(%run_scoped3A : memref<!tpu.dma_semaphore, #tpu.memory_space<semaphore_mem>>)
      %dma_wait3A = arith.constant 0 : i32
      %dma_wait3A_28 = tpu.memref_slice %arg10[%add3A_15, %dma_wait3A] : memref<10240x128xf32, #tpu.memory_space<vmem_shared>> -> memref<128x128xf32, #tpu.memory_space<vmem_shared>>
      %dma_wait3A_29 = arith.constant 0 : i32
      %dma_wait3A_30 = tpu.memref_slice %arg10[%add3A_15, %dma_wait3A_29] : memref<10240x128xf32, #tpu.memory_space<vmem_shared>> -> memref<128x128xf32, #tpu.memory_space<vmem_shared>>
      tpu.wait_dma2 semaphore(%run_scoped3A : memref<!tpu.dma_semaphore, #tpu.memory_space<semaphore_mem>>) src(%arg8 : memref<128x128xf32, #tpu.memory_space<vmem>>) dst(%dma_wait3A_30 : memref<128x128xf32, #tpu.memory_space<vmem_shared>>)
      tpu.yield
    }) : () -> ()
    %add3A_16 = arith.constant 512 : i32
    %add3A_17 = arith.addi %mul3A_7, %add3A_16 : i32
    "tpu.region"() ({
      %run_scoped3A = tpu.sem_alloc : memref<!tpu.dma_semaphore, #tpu.memory_space<semaphore_mem>>
      %dma_start3A = arith.constant 0 : i32
      %dma_start3A_25 = tpu.memref_slice %arg10[%add3A_17, %dma_start3A] : memref<10240x128xf32, #tpu.memory_space<vmem_shared>> -> memref<128x128xf32, #tpu.memory_space<vmem_shared>>
      %dma_start3A_26 = arith.constant 0 : i32
      %dma_start3A_27 = tpu.memref_slice %arg10[%add3A_17, %dma_start3A_26] : memref<10240x128xf32, #tpu.memory_space<vmem_shared>> -> memref<128x128xf32, #tpu.memory_space<vmem_shared>>
      tpu.enqueue_dma source(%arg8 : memref<128x128xf32, #tpu.memory_space<vmem>>) target(%dma_start3A_27 : memref<128x128xf32, #tpu.memory_space<vmem_shared>>) target_semaphore(%run_scoped3A : memref<!tpu.dma_semaphore, #tpu.memory_space<semaphore_mem>>)
      %dma_wait3A = arith.constant 0 : i32
      %dma_wait3A_28 = tpu.memref_slice %arg10[%add3A_17, %dma_wait3A] : memref<10240x128xf32, #tpu.memory_space<vmem_shared>> -> memref<128x128xf32, #tpu.memory_space<vmem_shared>>
      %dma_wait3A_29 = arith.constant 0 : i32
      %dma_wait3A_30 = tpu.memref_slice %arg10[%add3A_17, %dma_wait3A_29] : memref<10240x128xf32, #tpu.memory_space<vmem_shared>> -> memref<128x128xf32, #tpu.memory_space<vmem_shared>>
      tpu.wait_dma2 semaphore(%run_scoped3A : memref<!tpu.dma_semaphore, #tpu.memory_space<semaphore_mem>>) src(%arg8 : memref<128x128xf32, #tpu.memory_space<vmem>>) dst(%dma_wait3A_30 : memref<128x128xf32, #tpu.memory_space<vmem_shared>>)
      tpu.yield
    }) : () -> ()
    %barrier3A = arith.constant 0 : index
    tpu.barrier barrier_id(%barrier3A)
    %scan3A_18 = arith.constant 0 : i32
    %scan3A_19 = arith.constant 0 : i32
    %scan3A_20 = arith.constant 2 : i32
    %scan3A_21 = arith.addi %scan3A_19, %scan3A_20 : i32
    %scan3A_22 = arith.constant 1 : i32
    scf.for %scan3A_25 = %scan3A_19 to %scan3A_21 step %scan3A_22  : i32 {
      %mul3A_26 = arith.constant 80 : i32
      %mul3A_27 = arith.muli %add3A, %mul3A_26 : i32
      %mul3A_28 = arith.constant 40 : i32
      %mul3A_29 = arith.muli %scan3A_25, %mul3A_28 : i32
      %add3A_30 = arith.addi %mul3A_27, %mul3A_29 : i32
      %multiple_of3A = tpu.assume_multiple %add3A_30, 8 : i32
      "tpu.region"() ({
        %run_scoped3A = tpu.sem_alloc : memref<!tpu.dma_semaphore, #tpu.memory_space<semaphore_mem>>
        %dma_start3A_43 = arith.constant 0 : i32
        %dma_start3A_44 = tpu.memref_slice %arg2[%multiple_of3A, %dma_start3A_43] : memref<2560x128xi32, #tpu.memory_space<hbm>> -> memref<40x128xi32, #tpu.memory_space<hbm>>
        %dma_start3A_45 = arith.constant 0 : i32
        %dma_start3A_46 = tpu.memref_slice %arg2[%multiple_of3A, %dma_start3A_45] : memref<2560x128xi32, #tpu.memory_space<hbm>> -> memref<40x128xi32, #tpu.memory_space<hbm>>
        tpu.enqueue_dma source(%dma_start3A_46 : memref<40x128xi32, #tpu.memory_space<hbm>>) target(%arg6 : memref<40x128xi32, #tpu.memory_space<vmem>>) target_semaphore(%run_scoped3A : memref<!tpu.dma_semaphore, #tpu.memory_space<semaphore_mem>>)
        %dma_wait3A = arith.constant 0 : i32
        %dma_wait3A_47 = tpu.memref_slice %arg2[%multiple_of3A, %dma_wait3A] : memref<2560x128xi32, #tpu.memory_space<hbm>> -> memref<40x128xi32, #tpu.memory_space<hbm>>
        %dma_wait3A_48 = arith.constant 0 : i32
        %dma_wait3A_49 = tpu.memref_slice %arg2[%multiple_of3A, %dma_wait3A_48] : memref<2560x128xi32, #tpu.memory_space<hbm>> -> memref<40x128xi32, #tpu.memory_space<hbm>>
        tpu.wait_dma2 semaphore(%run_scoped3A : memref<!tpu.dma_semaphore, #tpu.memory_space<semaphore_mem>>) src(%dma_wait3A_49 : memref<40x128xi32, #tpu.memory_space<hbm>>) dst(%arg6 : memref<40x128xi32, #tpu.memory_space<vmem>>)
        tpu.yield
      }) : () -> ()
      "tpu.region"() ({
        %run_scoped3A = tpu.sem_alloc : memref<!tpu.dma_semaphore, #tpu.memory_space<semaphore_mem>>
        %dma_start3A_43 = arith.constant 0 : i32
        %dma_start3A_44 = tpu.memref_slice %arg3[%multiple_of3A, %dma_start3A_43] : memref<2560x128xi32, #tpu.memory_space<hbm>> -> memref<40x128xi32, #tpu.memory_space<hbm>>
        %dma_start3A_45 = arith.constant 0 : i32
        %dma_start3A_46 = tpu.memref_slice %arg3[%multiple_of3A, %dma_start3A_45] : memref<2560x128xi32, #tpu.memory_space<hbm>> -> memref<40x128xi32, #tpu.memory_space<hbm>>
        tpu.enqueue_dma source(%dma_start3A_46 : memref<40x128xi32, #tpu.memory_space<hbm>>) target(%arg7 : memref<40x128xi32, #tpu.memory_space<vmem>>) target_semaphore(%run_scoped3A : memref<!tpu.dma_semaphore, #tpu.memory_space<semaphore_mem>>)
        %dma_wait3A = arith.constant 0 : i32
        %dma_wait3A_47 = tpu.memref_slice %arg3[%multiple_of3A, %dma_wait3A] : memref<2560x128xi32, #tpu.memory_space<hbm>> -> memref<40x128xi32, #tpu.memory_space<hbm>>
        %dma_wait3A_48 = arith.constant 0 : i32
        %dma_wait3A_49 = tpu.memref_slice %arg3[%multiple_of3A, %dma_wait3A_48] : memref<2560x128xi32, #tpu.memory_space<hbm>> -> memref<40x128xi32, #tpu.memory_space<hbm>>
        tpu.wait_dma2 semaphore(%run_scoped3A : memref<!tpu.dma_semaphore, #tpu.memory_space<semaphore_mem>>) src(%dma_wait3A_49 : memref<40x128xi32, #tpu.memory_space<hbm>>) dst(%arg7 : memref<40x128xi32, #tpu.memory_space<vmem>>)
        tpu.yield
      }) : () -> ()
      %dma_start3A = arith.constant 0 : i32
      %dma_start3A_31 = arith.constant 0 : i32
      %dma_start3A_32 = tpu.memref_slice %arg6[%dma_start3A, %dma_start3A_31] : memref<40x128xi32, #tpu.memory_space<vmem>> -> memref<1x128xi32, #tpu.memory_space<vmem>>
      %dma_start3A_33 = tpu.memref_squeeze %dma_start3A_32 : memref<1x128xi32, #tpu.memory_space<vmem>> -> memref<128xi32, #tpu.memory_space<vmem>>
      %dma_start3A_34 = arith.constant 0 : i32
      %dma_start3A_35 = arith.constant 0 : i32
      %dma_start3A_36 = tpu.memref_slice %arg4[%dma_start3A_34, %dma_start3A_35] : memref<160000x128xf32, #tpu.memory_space<hbm>> -> memref<160000x128xf32, #tpu.memory_space<hbm>>
      tpu.enqueue_indirect_dma source(%dma_start3A_36 : memref<160000x128xf32, #tpu.memory_space<hbm>>) target(%arg8 : memref<128x128xf32, #tpu.memory_space<vmem>>) offsets(%dma_start3A_33 : memref<128xi32, #tpu.memory_space<vmem>>) semaphore(%arg11 : memref<!tpu.dma_semaphore, #tpu.memory_space<semaphore_mem>>)
      %scan3A_37 = arith.constant 0 : i32
      %scan3A_38 = arith.constant 0 : i32
      %scan3A_39 = arith.constant 20 : i32
      %scan3A_40 = arith.addi %scan3A_38, %scan3A_39 : i32
      %scan3A_41 = arith.constant 1 : i32
      scf.for %scan3A_43 = %scan3A_38 to %scan3A_40 step %scan3A_41  : i32 {
        %mul3A_44 = arith.constant 2 : i32
        %mul3A_45 = arith.muli %mul3A_44, %scan3A_43 : i32
        %add3A_46 = arith.constant 1 : i32
        %add3A_47 = arith.addi %mul3A_45, %add3A_46 : i32
        %dma_start3A_48 = arith.constant 0 : i32
        %dma_start3A_49 = tpu.memref_slice %arg6[%add3A_47, %dma_start3A_48] : memref<40x128xi32, #tpu.memory_space<vmem>> -> memref<1x128xi32, #tpu.memory_space<vmem>>
        %dma_start3A_50 = tpu.memref_squeeze %dma_start3A_49 : memref<1x128xi32, #tpu.memory_space<vmem>> -> memref<128xi32, #tpu.memory_space<vmem>>
        %dma_start3A_51 = arith.constant 0 : i32
        %dma_start3A_52 = arith.constant 0 : i32
        %dma_start3A_53 = tpu.memref_slice %arg4[%dma_start3A_51, %dma_start3A_52] : memref<160000x128xf32, #tpu.memory_space<hbm>> -> memref<160000x128xf32, #tpu.memory_space<hbm>>
        tpu.enqueue_indirect_dma source(%dma_start3A_53 : memref<160000x128xf32, #tpu.memory_space<hbm>>) target(%arg9 : memref<128x128xf32, #tpu.memory_space<vmem>>) offsets(%dma_start3A_50 : memref<128xi32, #tpu.memory_space<vmem>>) semaphore(%arg12 : memref<!tpu.dma_semaphore, #tpu.memory_space<semaphore_mem>>)
        %dma_wait3A = arith.constant 0 : i32
        %dma_wait3A_54 = tpu.memref_slice %arg6[%mul3A_45, %dma_wait3A] : memref<40x128xi32, #tpu.memory_space<vmem>> -> memref<1x128xi32, #tpu.memory_space<vmem>>
        %dma_wait3A_55 = tpu.memref_squeeze %dma_wait3A_54 : memref<1x128xi32, #tpu.memory_space<vmem>> -> memref<128xi32, #tpu.memory_space<vmem>>
        %dma_wait3A_56 = arith.constant 0 : i32
        %dma_wait3A_57 = arith.constant 0 : i32
        %dma_wait3A_58 = tpu.memref_slice %arg4[%dma_wait3A_56, %dma_wait3A_57] : memref<160000x128xf32, #tpu.memory_space<hbm>> -> memref<160000x128xf32, #tpu.memory_space<hbm>>
        tpu.wait_indirect_dma semaphore(%arg11 : memref<!tpu.dma_semaphore, #tpu.memory_space<semaphore_mem>>) src(%dma_wait3A_58 : memref<160000x128xf32, #tpu.memory_space<hbm>>) dst(%arg8 : memref<128x128xf32, #tpu.memory_space<vmem>>)
        "tpu.region"() ({
          %run_scoped3A = tpu.sem_alloc : memref<!tpu.dma_semaphore, #tpu.memory_space<semaphore_mem>>
          %dma_start3A_71 = arith.constant 0 : i32
          %dma_start3A_72 = tpu.memref_slice %arg7[%mul3A_45, %dma_start3A_71] : memref<40x128xi32, #tpu.memory_space<vmem>> -> memref<1x128xi32, #tpu.memory_space<vmem>>
          %dma_start3A_73 = tpu.memref_squeeze %dma_start3A_72 : memref<1x128xi32, #tpu.memory_space<vmem>> -> memref<128xi32, #tpu.memory_space<vmem>>
          %dma_start3A_74 = arith.constant 0 : i32
          %dma_start3A_75 = arith.constant 0 : i32
          %dma_start3A_76 = tpu.memref_slice %arg10[%dma_start3A_74, %dma_start3A_75] : memref<10240x128xf32, #tpu.memory_space<vmem_shared>> -> memref<10240x128xf32, #tpu.memory_space<vmem_shared>>
          tpu.enqueue_indirect_dma source(%arg8 : memref<128x128xf32, #tpu.memory_space<vmem>>) target(%dma_start3A_76 : memref<10240x128xf32, #tpu.memory_space<vmem_shared>>) offsets(%dma_start3A_73 : memref<128xi32, #tpu.memory_space<vmem>>) semaphore(%run_scoped3A : memref<!tpu.dma_semaphore, #tpu.memory_space<semaphore_mem>>) {add = true}
          %dma_wait3A_77 = arith.constant 0 : i32
          %dma_wait3A_78 = tpu.memref_slice %arg7[%mul3A_45, %dma_wait3A_77] : memref<40x128xi32, #tpu.memory_space<vmem>> -> memref<1x128xi32, #tpu.memory_space<vmem>>
          %dma_wait3A_79 = tpu.memref_squeeze %dma_wait3A_78 : memref<1x128xi32, #tpu.memory_space<vmem>> -> memref<128xi32, #tpu.memory_space<vmem>>
          %dma_wait3A_80 = arith.constant 0 : i32
          %dma_wait3A_81 = arith.constant 0 : i32
          %dma_wait3A_82 = tpu.memref_slice %arg10[%dma_wait3A_80, %dma_wait3A_81] : memref<10240x128xf32, #tpu.memory_space<vmem_shared>> -> memref<10240x128xf32, #tpu.memory_space<vmem_shared>>
          tpu.wait_indirect_dma semaphore(%run_scoped3A : memref<!tpu.dma_semaphore, #tpu.memory_space<semaphore_mem>>) src(%arg8 : memref<128x128xf32, #tpu.memory_space<vmem>>) dst(%dma_wait3A_82 : memref<10240x128xf32, #tpu.memory_space<vmem_shared>>)
          tpu.yield
        }) : () -> ()
        %lt3A = arith.constant 19 : i32
        %lt3A_59 = arith.cmpi slt, %scan3A_43, %lt3A : i32
        %convert_element_type3A = arith.extui %lt3A_59 : i1 to i32
        %cond3A = arith.constant 0 : i32
        %cond3A_60 = arith.cmpi ne, %convert_element_type3A, %cond3A : i32
        scf.if %cond3A_60 {
          %add3A_71 = arith.constant 2 : i32
          %add3A_72 = arith.addi %mul3A_45, %add3A_71 : i32
          %dma_start3A_73 = arith.constant 0 : i32
          %dma_start3A_74 = tpu.memref_slice %arg6[%add3A_72, %dma_start3A_73] : memref<40x128xi32, #tpu.memory_space<vmem>> -> memref<1x128xi32, #tpu.memory_space<vmem>>
          %dma_start3A_75 = tpu.memref_squeeze %dma_start3A_74 : memref<1x128xi32, #tpu.memory_space<vmem>> -> memref<128xi32, #tpu.memory_space<vmem>>
          %dma_start3A_76 = arith.constant 0 : i32
          %dma_start3A_77 = arith.constant 0 : i32
          %dma_start3A_78 = tpu.memref_slice %arg4[%dma_start3A_76, %dma_start3A_77] : memref<160000x128xf32, #tpu.memory_space<hbm>> -> memref<160000x128xf32, #tpu.memory_space<hbm>>
          tpu.enqueue_indirect_dma source(%dma_start3A_78 : memref<160000x128xf32, #tpu.memory_space<hbm>>) target(%arg8 : memref<128x128xf32, #tpu.memory_space<vmem>>) offsets(%dma_start3A_75 : memref<128xi32, #tpu.memory_space<vmem>>) semaphore(%arg11 : memref<!tpu.dma_semaphore, #tpu.memory_space<semaphore_mem>>)
        } else {
        }
        %add3A_61 = arith.constant 1 : i32
        %add3A_62 = arith.addi %mul3A_45, %add3A_61 : i32
        %dma_wait3A_63 = arith.constant 0 : i32
        %dma_wait3A_64 = tpu.memref_slice %arg6[%add3A_62, %dma_wait3A_63] : memref<40x128xi32, #tpu.memory_space<vmem>> -> memref<1x128xi32, #tpu.memory_space<vmem>>
        %dma_wait3A_65 = tpu.memref_squeeze %dma_wait3A_64 : memref<1x128xi32, #tpu.memory_space<vmem>> -> memref<128xi32, #tpu.memory_space<vmem>>
        %dma_wait3A_66 = arith.constant 0 : i32
        %dma_wait3A_67 = arith.constant 0 : i32
        %dma_wait3A_68 = tpu.memref_slice %arg4[%dma_wait3A_66, %dma_wait3A_67] : memref<160000x128xf32, #tpu.memory_space<hbm>> -> memref<160000x128xf32, #tpu.memory_space<hbm>>
        tpu.wait_indirect_dma semaphore(%arg12 : memref<!tpu.dma_semaphore, #tpu.memory_space<semaphore_mem>>) src(%dma_wait3A_68 : memref<160000x128xf32, #tpu.memory_space<hbm>>) dst(%arg9 : memref<128x128xf32, #tpu.memory_space<vmem>>)
        %add3A_69 = arith.constant 1 : i32
        %add3A_70 = arith.addi %mul3A_45, %add3A_69 : i32
        "tpu.region"() ({
          %run_scoped3A = tpu.sem_alloc : memref<!tpu.dma_semaphore, #tpu.memory_space<semaphore_mem>>
          %dma_start3A_71 = arith.constant 0 : i32
          %dma_start3A_72 = tpu.memref_slice %arg7[%add3A_70, %dma_start3A_71] : memref<40x128xi32, #tpu.memory_space<vmem>> -> memref<1x128xi32, #tpu.memory_space<vmem>>
          %dma_start3A_73 = tpu.memref_squeeze %dma_start3A_72 : memref<1x128xi32, #tpu.memory_space<vmem>> -> memref<128xi32, #tpu.memory_space<vmem>>
          %dma_start3A_74 = arith.constant 0 : i32
          %dma_start3A_75 = arith.constant 0 : i32
          %dma_start3A_76 = tpu.memref_slice %arg10[%dma_start3A_74, %dma_start3A_75] : memref<10240x128xf32, #tpu.memory_space<vmem_shared>> -> memref<10240x128xf32, #tpu.memory_space<vmem_shared>>
          tpu.enqueue_indirect_dma source(%arg9 : memref<128x128xf32, #tpu.memory_space<vmem>>) target(%dma_start3A_76 : memref<10240x128xf32, #tpu.memory_space<vmem_shared>>) offsets(%dma_start3A_73 : memref<128xi32, #tpu.memory_space<vmem>>) semaphore(%run_scoped3A : memref<!tpu.dma_semaphore, #tpu.memory_space<semaphore_mem>>) {add = true}
          %dma_wait3A_77 = arith.constant 0 : i32
          %dma_wait3A_78 = tpu.memref_slice %arg7[%add3A_70, %dma_wait3A_77] : memref<40x128xi32, #tpu.memory_space<vmem>> -> memref<1x128xi32, #tpu.memory_space<vmem>>
          %dma_wait3A_79 = tpu.memref_squeeze %dma_wait3A_78 : memref<1x128xi32, #tpu.memory_space<vmem>> -> memref<128xi32, #tpu.memory_space<vmem>>
          %dma_wait3A_80 = arith.constant 0 : i32
          %dma_wait3A_81 = arith.constant 0 : i32
          %dma_wait3A_82 = tpu.memref_slice %arg10[%dma_wait3A_80, %dma_wait3A_81] : memref<10240x128xf32, #tpu.memory_space<vmem_shared>> -> memref<10240x128xf32, #tpu.memory_space<vmem_shared>>
          tpu.wait_indirect_dma semaphore(%run_scoped3A : memref<!tpu.dma_semaphore, #tpu.memory_space<semaphore_mem>>) src(%arg9 : memref<128x128xf32, #tpu.memory_space<vmem>>) dst(%dma_wait3A_82 : memref<10240x128xf32, #tpu.memory_space<vmem_shared>>)
          tpu.yield
        }) : () -> ()
      }
      %scan3A_42 = arith.constant 20 : i32
    }
    %scan3A_23 = arith.constant 2 : i32
    %barrier3A_24 = arith.constant 0 : index
    tpu.barrier barrier_id(%barrier3A_24)
    "tpu.region"() ({
      %run_scoped3A = tpu.sem_alloc : memref<!tpu.dma_semaphore, #tpu.memory_space<semaphore_mem>>
      %dma_start3A = arith.constant 0 : i32
      %dma_start3A_25 = tpu.memref_slice %arg5[%arg0, %mul3A_7, %dma_start3A] : memref<2x10240x128xf32, #tpu.memory_space<hbm>> -> memref<1x640x128xf32, #tpu.memory_space<hbm>>
      %dma_start3A_26 = tpu.memref_squeeze %dma_start3A_25 : memref<1x640x128xf32, #tpu.memory_space<hbm>> -> memref<640x128xf32, #tpu.memory_space<hbm>>
      %dma_start3A_27 = arith.constant 0 : i32
      %dma_start3A_28 = tpu.memref_slice %arg10[%mul3A_7, %dma_start3A_27] : memref<10240x128xf32, #tpu.memory_space<vmem_shared>> -> memref<640x128xf32, #tpu.memory_space<vmem_shared>>
      tpu.enqueue_dma source(%dma_start3A_28 : memref<640x128xf32, #tpu.memory_space<vmem_shared>>) target(%dma_start3A_26 : memref<640x128xf32, #tpu.memory_space<hbm>>) target_semaphore(%run_scoped3A : memref<!tpu.dma_semaphore, #tpu.memory_space<semaphore_mem>>)
      %dma_wait3A = arith.constant 0 : i32
      %dma_wait3A_29 = tpu.memref_slice %arg5[%arg0, %mul3A_7, %dma_wait3A] : memref<2x10240x128xf32, #tpu.memory_space<hbm>> -> memref<1x640x128xf32, #tpu.memory_space<hbm>>
      %dma_wait3A_30 = tpu.memref_squeeze %dma_wait3A_29 : memref<1x640x128xf32, #tpu.memory_space<hbm>> -> memref<640x128xf32, #tpu.memory_space<hbm>>
      %dma_wait3A_31 = arith.constant 0 : i32
      %dma_wait3A_32 = tpu.memref_slice %arg10[%mul3A_7, %dma_wait3A_31] : memref<10240x128xf32, #tpu.memory_space<vmem_shared>> -> memref<640x128xf32, #tpu.memory_space<vmem_shared>>
      tpu.wait_dma2 semaphore(%run_scoped3A : memref<!tpu.dma_semaphore, #tpu.memory_space<semaphore_mem>>) src(%dma_wait3A_32 : memref<640x128xf32, #tpu.memory_space<vmem_shared>>) dst(%dma_wait3A_30 : memref<640x128xf32, #tpu.memory_space<hbm>>)
      tpu.yield
    }) : () -> ()
    return
  }
}

#map = affine_map<(d0, d1) -> (0, 0)>
module attributes {stable_mosaic.version = 14 : i64} {
  func.func @body(%arg0: i32, %arg1: i32, %arg2: memref<2560x128xi32, #tpu.memory_space<hbm>>, %arg3: memref<2x10240xf32, #tpu.memory_space<hbm>>, %arg4: memref<16x128xi32, #tpu.memory_space<vmem>>, %arg5: memref<128xf32, #tpu.memory_space<vmem>>, %arg6: memref<640xf32, #tpu.memory_space<vmem>>, %arg7: memref<10240xf32, #tpu.memory_space<vmem_shared>>) attributes {dimension_semantics = [#tpu.dimension_semantics<core_parallel>, #tpu.dimension_semantics<subcore_parallel>], iteration_bounds = array<i64: 2, 16>, scalar_prefetch = 0 : i64, scratch_operands = 4 : i64, tpu.core_type = #tpu.core_type<sc_vector_subcore>, window_params = [{transform_indices = #map}, {transform_indices = #map}]} {
    %mul3A = arith.constant 16 : i32
    %mul3A_0 = arith.muli %arg0, %mul3A : i32
    %add3A = arith.addi %mul3A_0, %arg1 : i32
    %scan3A = arith.constant 0 : i32
    %scan3A_1 = arith.constant 0 : i32
    %scan3A_2 = arith.constant 40 : i32
    %scan3A_3 = arith.addi %scan3A_1, %scan3A_2 : i32
    %scan3A_4 = arith.constant 1 : i32
    scf.for %scan3A_15 = %scan3A_1 to %scan3A_3 step %scan3A_4  : i32 {
      %broadcast_in_dim3A = arith.constant 1.000000e+00 : f32
      %broadcast_in_dim3A_16 = vector.broadcast %broadcast_in_dim3A : f32 to vector<16xf32>
      %jit3A = arith.constant 8 : i32
      %eq3A = arith.constant 0 : i32
      %eq3A_17 = arith.cmpi eq, %jit3A, %eq3A : i32
      %jit3A_18 = arith.constant 1 : i32
      %select_n3A = arith.select %eq3A_17, %jit3A_18, %jit3A : i32
      %rem3A = arith.remsi %scan3A_15, %select_n3A : i32
      %ne3A = arith.constant 0 : i32
      %ne3A_19 = arith.cmpi ne, %rem3A, %ne3A : i32
      %lt3A = arith.constant 0 : i32
      %lt3A_20 = arith.cmpi slt, %rem3A, %lt3A : i32
      %lt3A_21 = arith.constant 0 : i32
      %lt3A_22 = arith.cmpi slt, %select_n3A, %lt3A_21 : i32
      %ne3A_23 = arith.xori %lt3A_20, %lt3A_22 : i1
      %and3A = arith.andi %ne3A_23, %ne3A_19 : i1
      %add3A_24 = arith.addi %rem3A, %select_n3A : i32
      %select_n3A_25 = arith.select %and3A, %add3A_24, %rem3A : i32
      %mul3A_26 = arith.constant 16 : i32
      %mul3A_27 = arith.muli %select_n3A_25, %mul3A_26 : i32
      %swap3A = arith.index_cast %mul3A_27 : i32 to index
      %swap3A_28 = tpu.vector_load %arg5[%swap3A] {strides = array<i32>} : memref<128xf32, #tpu.memory_space<vmem>>, vector<16xf32>,
      %swap3A_29 = vector.shape_cast %swap3A_28 : vector<16xf32> to vector<16xf32>
      %swap3A_30 = vector.shape_cast %broadcast_in_dim3A_16 : vector<16xf32> to vector<16xf32>
      tpu.vector_store %arg5[%swap3A], %swap3A_30 {strides = array<i32>} : memref<128xf32, #tpu.memory_space<vmem>>, vector<16xf32>,
      %broadcast_in_dim3A_31 = arith.constant 0.000000e+00 : f32
      %broadcast_in_dim3A_32 = vector.broadcast %broadcast_in_dim3A_31 : f32 to vector<16xf32>
      %mul3A_33 = arith.constant 16 : i32
      %mul3A_34 = arith.muli %scan3A_15, %mul3A_33 : i32
      %swap3A_35 = arith.index_cast %mul3A_34 : i32 to index
      %swap3A_36 = tpu.vector_load %arg6[%swap3A_35] {strides = array<i32>} : memref<640xf32, #tpu.memory_space<vmem>>, vector<16xf32>,
      %swap3A_37 = vector.shape_cast %swap3A_36 : vector<16xf32> to vector<16xf32>
      %swap3A_38 = vector.shape_cast %broadcast_in_dim3A_32 : vector<16xf32> to vector<16xf32>
      tpu.vector_store %arg6[%swap3A_35], %swap3A_38 {strides = array<i32>} : memref<640xf32, #tpu.memory_space<vmem>>, vector<16xf32>,
    }
    %scan3A_5 = arith.constant 40 : i32
    %mul3A_6 = arith.constant 640 : i32
    %mul3A_7 = arith.muli %arg1, %mul3A_6 : i32
    "tpu.region"() ({
      %run_scoped3A = tpu.sem_alloc : memref<!tpu.dma_semaphore, #tpu.memory_space<semaphore_mem>>
      %dma_start3A = tpu.memref_slice %arg7[%mul3A_7] : memref<10240xf32, #tpu.memory_space<vmem_shared>> -> memref<640xf32, #tpu.memory_space<vmem_shared>>
      %dma_start3A_15 = tpu.memref_slice %arg7[%mul3A_7] : memref<10240xf32, #tpu.memory_space<vmem_shared>> -> memref<640xf32, #tpu.memory_space<vmem_shared>>
      tpu.enqueue_dma source(%arg6 : memref<640xf32, #tpu.memory_space<vmem>>) target(%dma_start3A_15 : memref<640xf32, #tpu.memory_space<vmem_shared>>) target_semaphore(%run_scoped3A : memref<!tpu.dma_semaphore, #tpu.memory_space<semaphore_mem>>)
      %dma_wait3A = tpu.memref_slice %arg7[%mul3A_7] : memref<10240xf32, #tpu.memory_space<vmem_shared>> -> memref<640xf32, #tpu.memory_space<vmem_shared>>
      %dma_wait3A_16 = tpu.memref_slice %arg7[%mul3A_7] : memref<10240xf32, #tpu.memory_space<vmem_shared>> -> memref<640xf32, #tpu.memory_space<vmem_shared>>
      tpu.wait_dma2 semaphore(%run_scoped3A : memref<!tpu.dma_semaphore, #tpu.memory_space<semaphore_mem>>) src(%arg6 : memref<640xf32, #tpu.memory_space<vmem>>) dst(%dma_wait3A_16 : memref<640xf32, #tpu.memory_space<vmem_shared>>)
      tpu.yield
    }) : () -> ()
    %barrier3A = arith.constant 0 : index
    tpu.barrier barrier_id(%barrier3A)
    %scan3A_8 = arith.constant 0 : i32
    %scan3A_9 = arith.constant 0 : i32
    %scan3A_10 = arith.constant 5 : i32
    %scan3A_11 = arith.addi %scan3A_9, %scan3A_10 : i32
    %scan3A_12 = arith.constant 1 : i32
    scf.for %scan3A_15 = %scan3A_9 to %scan3A_11 step %scan3A_12  : i32 {
      %mul3A_16 = arith.constant 80 : i32
      %mul3A_17 = arith.muli %add3A, %mul3A_16 : i32
      %mul3A_18 = arith.constant 16 : i32
      %mul3A_19 = arith.muli %scan3A_15, %mul3A_18 : i32
      %add3A_20 = arith.addi %mul3A_17, %mul3A_19 : i32
      %multiple_of3A = tpu.assume_multiple %add3A_20, 16 : i32
      "tpu.region"() ({
        %run_scoped3A = tpu.sem_alloc : memref<!tpu.dma_semaphore, #tpu.memory_space<semaphore_mem>>
        %dma_start3A = arith.constant 0 : i32
        %dma_start3A_27 = tpu.memref_slice %arg2[%multiple_of3A, %dma_start3A] : memref<2560x128xi32, #tpu.memory_space<hbm>> -> memref<16x128xi32, #tpu.memory_space<hbm>>
        %dma_start3A_28 = arith.constant 0 : i32
        %dma_start3A_29 = tpu.memref_slice %arg2[%multiple_of3A, %dma_start3A_28] : memref<2560x128xi32, #tpu.memory_space<hbm>> -> memref<16x128xi32, #tpu.memory_space<hbm>>
        tpu.enqueue_dma source(%dma_start3A_29 : memref<16x128xi32, #tpu.memory_space<hbm>>) target(%arg4 : memref<16x128xi32, #tpu.memory_space<vmem>>) target_semaphore(%run_scoped3A : memref<!tpu.dma_semaphore, #tpu.memory_space<semaphore_mem>>)
        %dma_wait3A = arith.constant 0 : i32
        %dma_wait3A_30 = tpu.memref_slice %arg2[%multiple_of3A, %dma_wait3A] : memref<2560x128xi32, #tpu.memory_space<hbm>> -> memref<16x128xi32, #tpu.memory_space<hbm>>
        %dma_wait3A_31 = arith.constant 0 : i32
        %dma_wait3A_32 = tpu.memref_slice %arg2[%multiple_of3A, %dma_wait3A_31] : memref<2560x128xi32, #tpu.memory_space<hbm>> -> memref<16x128xi32, #tpu.memory_space<hbm>>
        tpu.wait_dma2 semaphore(%run_scoped3A : memref<!tpu.dma_semaphore, #tpu.memory_space<semaphore_mem>>) src(%dma_wait3A_32 : memref<16x128xi32, #tpu.memory_space<hbm>>) dst(%arg4 : memref<16x128xi32, #tpu.memory_space<vmem>>)
        tpu.yield
      }) : () -> ()
      %scan3A_21 = arith.constant 0 : i32
      %scan3A_22 = arith.constant 0 : i32
      %scan3A_23 = arith.constant 16 : i32
      %scan3A_24 = arith.addi %scan3A_22, %scan3A_23 : i32
      %scan3A_25 = arith.constant 1 : i32
      scf.for %scan3A_27 = %scan3A_22 to %scan3A_24 step %scan3A_25  : i32 {
        "tpu.region"() ({
          %run_scoped3A = tpu.sem_alloc : memref<!tpu.dma_semaphore, #tpu.memory_space<semaphore_mem>>
          %dma_start3A = arith.constant 0 : i32
          %dma_start3A_28 = tpu.memref_slice %arg4[%scan3A_27, %dma_start3A] : memref<16x128xi32, #tpu.memory_space<vmem>> -> memref<1x128xi32, #tpu.memory_space<vmem>>
          %dma_start3A_29 = tpu.memref_squeeze %dma_start3A_28 : memref<1x128xi32, #tpu.memory_space<vmem>> -> memref<128xi32, #tpu.memory_space<vmem>>
          %dma_start3A_30 = arith.constant 0 : i32
          %dma_start3A_31 = tpu.memref_slice %arg7[%dma_start3A_30] : memref<10240xf32, #tpu.memory_space<vmem_shared>> -> memref<10240xf32, #tpu.memory_space<vmem_shared>>
          tpu.enqueue_indirect_dma source(%arg5 : memref<128xf32, #tpu.memory_space<vmem>>) target(%dma_start3A_31 : memref<10240xf32, #tpu.memory_space<vmem_shared>>) offsets(%dma_start3A_29 : memref<128xi32, #tpu.memory_space<vmem>>) semaphore(%run_scoped3A : memref<!tpu.dma_semaphore, #tpu.memory_space<semaphore_mem>>) {add = true}
          %dma_wait3A = arith.constant 0 : i32
          %dma_wait3A_32 = tpu.memref_slice %arg4[%scan3A_27, %dma_wait3A] : memref<16x128xi32, #tpu.memory_space<vmem>> -> memref<1x128xi32, #tpu.memory_space<vmem>>
          %dma_wait3A_33 = tpu.memref_squeeze %dma_wait3A_32 : memref<1x128xi32, #tpu.memory_space<vmem>> -> memref<128xi32, #tpu.memory_space<vmem>>
          %dma_wait3A_34 = arith.constant 0 : i32
          %dma_wait3A_35 = tpu.memref_slice %arg7[%dma_wait3A_34] : memref<10240xf32, #tpu.memory_space<vmem_shared>> -> memref<10240xf32, #tpu.memory_space<vmem_shared>>
          tpu.wait_indirect_dma semaphore(%run_scoped3A : memref<!tpu.dma_semaphore, #tpu.memory_space<semaphore_mem>>) src(%arg5 : memref<128xf32, #tpu.memory_space<vmem>>) dst(%dma_wait3A_35 : memref<10240xf32, #tpu.memory_space<vmem_shared>>)
          tpu.yield
        }) : () -> ()
      }
      %scan3A_26 = arith.constant 16 : i32
    }
    %scan3A_13 = arith.constant 5 : i32
    %barrier3A_14 = arith.constant 0 : index
    tpu.barrier barrier_id(%barrier3A_14)
    "tpu.region"() ({
      %run_scoped3A = tpu.sem_alloc : memref<!tpu.dma_semaphore, #tpu.memory_space<semaphore_mem>>
      %dma_start3A = tpu.memref_slice %arg3[%arg0, %mul3A_7] : memref<2x10240xf32, #tpu.memory_space<hbm>> -> memref<1x640xf32, #tpu.memory_space<hbm>>
      %dma_start3A_15 = tpu.memref_squeeze %dma_start3A : memref<1x640xf32, #tpu.memory_space<hbm>> -> memref<640xf32, #tpu.memory_space<hbm>>
      %dma_start3A_16 = tpu.memref_slice %arg7[%mul3A_7] : memref<10240xf32, #tpu.memory_space<vmem_shared>> -> memref<640xf32, #tpu.memory_space<vmem_shared>>
      tpu.enqueue_dma source(%dma_start3A_16 : memref<640xf32, #tpu.memory_space<vmem_shared>>) target(%dma_start3A_15 : memref<640xf32, #tpu.memory_space<hbm>>) target_semaphore(%run_scoped3A : memref<!tpu.dma_semaphore, #tpu.memory_space<semaphore_mem>>)
      %dma_wait3A = tpu.memref_slice %arg3[%arg0, %mul3A_7] : memref<2x10240xf32, #tpu.memory_space<hbm>> -> memref<1x640xf32, #tpu.memory_space<hbm>>
      %dma_wait3A_17 = tpu.memref_squeeze %dma_wait3A : memref<1x640xf32, #tpu.memory_space<hbm>> -> memref<640xf32, #tpu.memory_space<hbm>>
      %dma_wait3A_18 = tpu.memref_slice %arg7[%mul3A_7] : memref<10240xf32, #tpu.memory_space<vmem_shared>> -> memref<640xf32, #tpu.memory_space<vmem_shared>>
      tpu.wait_dma2 semaphore(%run_scoped3A : memref<!tpu.dma_semaphore, #tpu.memory_space<semaphore_mem>>) src(%dma_wait3A_18 : memref<640xf32, #tpu.memory_space<vmem_shared>>) dst(%dma_wait3A_17 : memref<640xf32, #tpu.memory_space<hbm>>)
      tpu.yield
    }) : () -> ()
    return
  }
}

#map = affine_map<(d0, d1) -> (0, 0, 0)>
#map1 = affine_map<(d0, d1) -> (0, 0)>
#map2 = affine_map<(d0, d1) -> (0)>
module attributes {stable_mosaic.version = 14 : i64} {
  func.func @_out_body(%arg0: i32, %arg1: i32, %arg2: memref<2x10240x128xf32, #tpu.memory_space<hbm>>, %arg3: memref<10000x128xf32, #tpu.memory_space<hbm>>, %arg4: memref<10000x128xf32, #tpu.memory_space<hbm>>, %arg5: memref<4096xi32, #tpu.memory_space<hbm>>, %arg6: memref<4096x128xf32, #tpu.memory_space<hbm>>, %arg7: memref<128xi32, #tpu.memory_space<vmem>>, %arg8: memref<128x128xf32, #tpu.memory_space<vmem>>, %arg9: memref<128x128xf32, #tpu.memory_space<vmem>>, %arg10: memref<128x128xf32, #tpu.memory_space<vmem>>, %arg11: memref<128x128xf32, #tpu.memory_space<vmem>>, %arg12: memref<!tpu.dma_semaphore, #tpu.memory_space<semaphore_mem>>) attributes {dimension_semantics = [#tpu.dimension_semantics<core_parallel>, #tpu.dimension_semantics<subcore_parallel>], iteration_bounds = array<i64: 2, 16>, scalar_prefetch = 0 : i64, scratch_operands = 6 : i64, tpu.core_type = #tpu.core_type<sc_vector_subcore>, window_params = [{transform_indices = #map}, {transform_indices = #map1}, {transform_indices = #map1}, {transform_indices = #map2}, {transform_indices = #map1}]} {
    %mul3A = arith.constant 16 : i32
    %mul3A_0 = arith.muli %arg0, %mul3A : i32
    %add3A = arith.addi %mul3A_0, %arg1 : i32
    %mul3A_1 = arith.constant 128 : i32
    %mul3A_2 = arith.muli %add3A, %mul3A_1 : i32
    %multiple_of3A = tpu.assume_multiple %mul3A_2, 128 : i32
    "tpu.region"() ({
      %run_scoped3A = tpu.sem_alloc : memref<!tpu.dma_semaphore, #tpu.memory_space<semaphore_mem>>
      %dma_start3A_50 = tpu.memref_slice %arg5[%multiple_of3A] : memref<4096xi32, #tpu.memory_space<hbm>> -> memref<128xi32, #tpu.memory_space<hbm>>
      %dma_start3A_51 = tpu.memref_slice %arg5[%multiple_of3A] : memref<4096xi32, #tpu.memory_space<hbm>> -> memref<128xi32, #tpu.memory_space<hbm>>
      tpu.enqueue_dma source(%dma_start3A_51 : memref<128xi32, #tpu.memory_space<hbm>>) target(%arg7 : memref<128xi32, #tpu.memory_space<vmem>>) target_semaphore(%run_scoped3A : memref<!tpu.dma_semaphore, #tpu.memory_space<semaphore_mem>>)
      %dma_wait3A_52 = tpu.memref_slice %arg5[%multiple_of3A] : memref<4096xi32, #tpu.memory_space<hbm>> -> memref<128xi32, #tpu.memory_space<hbm>>
      %dma_wait3A_53 = tpu.memref_slice %arg5[%multiple_of3A] : memref<4096xi32, #tpu.memory_space<hbm>> -> memref<128xi32, #tpu.memory_space<hbm>>
      tpu.wait_dma2 semaphore(%run_scoped3A : memref<!tpu.dma_semaphore, #tpu.memory_space<semaphore_mem>>) src(%dma_wait3A_53 : memref<128xi32, #tpu.memory_space<hbm>>) dst(%arg7 : memref<128xi32, #tpu.memory_space<vmem>>)
      tpu.yield
    }) : () -> ()
    %dma_start3A = arith.constant 0 : i32
    %dma_start3A_3 = arith.constant 0 : i32
    %dma_start3A_4 = arith.constant 0 : i32
    %dma_start3A_5 = tpu.memref_slice %arg2[%dma_start3A, %dma_start3A_3, %dma_start3A_4] : memref<2x10240x128xf32, #tpu.memory_space<hbm>> -> memref<1x10240x128xf32, #tpu.memory_space<hbm>>
    %dma_start3A_6 = tpu.memref_squeeze %dma_start3A_5 : memref<1x10240x128xf32, #tpu.memory_space<hbm>> -> memref<10240x128xf32, #tpu.memory_space<hbm>>
    %dma_start3A_7 = arith.constant 0 : i32
    %dma_start3A_8 = arith.constant 0 : i32
    %dma_start3A_9 = tpu.memref_slice %dma_start3A_6[%dma_start3A_7, %dma_start3A_8] : memref<10240x128xf32, #tpu.memory_space<hbm>> -> memref<10240x128xf32, #tpu.memory_space<hbm>>
    tpu.enqueue_indirect_dma source(%dma_start3A_9 : memref<10240x128xf32, #tpu.memory_space<hbm>>) target(%arg8 : memref<128x128xf32, #tpu.memory_space<vmem>>) offsets(%arg7 : memref<128xi32, #tpu.memory_space<vmem>>) semaphore(%arg12 : memref<!tpu.dma_semaphore, #tpu.memory_space<semaphore_mem>>)
    %dma_start3A_10 = arith.constant 1 : i32
    %dma_start3A_11 = arith.constant 0 : i32
    %dma_start3A_12 = arith.constant 0 : i32
    %dma_start3A_13 = tpu.memref_slice %arg2[%dma_start3A_10, %dma_start3A_11, %dma_start3A_12] : memref<2x10240x128xf32, #tpu.memory_space<hbm>> -> memref<1x10240x128xf32, #tpu.memory_space<hbm>>
    %dma_start3A_14 = tpu.memref_squeeze %dma_start3A_13 : memref<1x10240x128xf32, #tpu.memory_space<hbm>> -> memref<10240x128xf32, #tpu.memory_space<hbm>>
    %dma_start3A_15 = arith.constant 0 : i32
    %dma_start3A_16 = arith.constant 0 : i32
    %dma_start3A_17 = tpu.memref_slice %dma_start3A_14[%dma_start3A_15, %dma_start3A_16] : memref<10240x128xf32, #tpu.memory_space<hbm>> -> memref<10240x128xf32, #tpu.memory_space<hbm>>
    tpu.enqueue_indirect_dma source(%dma_start3A_17 : memref<10240x128xf32, #tpu.memory_space<hbm>>) target(%arg9 : memref<128x128xf32, #tpu.memory_space<vmem>>) offsets(%arg7 : memref<128xi32, #tpu.memory_space<vmem>>) semaphore(%arg12 : memref<!tpu.dma_semaphore, #tpu.memory_space<semaphore_mem>>)
    %dma_start3A_18 = arith.constant 0 : i32
    %dma_start3A_19 = arith.constant 0 : i32
    %dma_start3A_20 = tpu.memref_slice %arg3[%dma_start3A_18, %dma_start3A_19] : memref<10000x128xf32, #tpu.memory_space<hbm>> -> memref<10000x128xf32, #tpu.memory_space<hbm>>
    tpu.enqueue_indirect_dma source(%dma_start3A_20 : memref<10000x128xf32, #tpu.memory_space<hbm>>) target(%arg10 : memref<128x128xf32, #tpu.memory_space<vmem>>) offsets(%arg7 : memref<128xi32, #tpu.memory_space<vmem>>) semaphore(%arg12 : memref<!tpu.dma_semaphore, #tpu.memory_space<semaphore_mem>>)
    %dma_start3A_21 = arith.constant 0 : i32
    %dma_start3A_22 = arith.constant 0 : i32
    %dma_start3A_23 = tpu.memref_slice %arg4[%dma_start3A_21, %dma_start3A_22] : memref<10000x128xf32, #tpu.memory_space<hbm>> -> memref<10000x128xf32, #tpu.memory_space<hbm>>
    tpu.enqueue_indirect_dma source(%dma_start3A_23 : memref<10000x128xf32, #tpu.memory_space<hbm>>) target(%arg11 : memref<128x128xf32, #tpu.memory_space<vmem>>) offsets(%arg7 : memref<128xi32, #tpu.memory_space<vmem>>) semaphore(%arg12 : memref<!tpu.dma_semaphore, #tpu.memory_space<semaphore_mem>>)
    %dma_wait3A = arith.constant 0 : i32
    %dma_wait3A_24 = arith.constant 0 : i32
    %dma_wait3A_25 = arith.constant 0 : i32
    %dma_wait3A_26 = tpu.memref_slice %arg2[%dma_wait3A, %dma_wait3A_24, %dma_wait3A_25] : memref<2x10240x128xf32, #tpu.memory_space<hbm>> -> memref<1x10240x128xf32, #tpu.memory_space<hbm>>
    %dma_wait3A_27 = tpu.memref_squeeze %dma_wait3A_26 : memref<1x10240x128xf32, #tpu.memory_space<hbm>> -> memref<10240x128xf32, #tpu.memory_space<hbm>>
    %dma_wait3A_28 = arith.constant 0 : i32
    %dma_wait3A_29 = arith.constant 0 : i32
    %dma_wait3A_30 = tpu.memref_slice %dma_wait3A_27[%dma_wait3A_28, %dma_wait3A_29] : memref<10240x128xf32, #tpu.memory_space<hbm>> -> memref<10240x128xf32, #tpu.memory_space<hbm>>
    tpu.wait_indirect_dma semaphore(%arg12 : memref<!tpu.dma_semaphore, #tpu.memory_space<semaphore_mem>>) src(%dma_wait3A_30 : memref<10240x128xf32, #tpu.memory_space<hbm>>) dst(%arg8 : memref<128x128xf32, #tpu.memory_space<vmem>>)
    %dma_wait3A_31 = arith.constant 1 : i32
    %dma_wait3A_32 = arith.constant 0 : i32
    %dma_wait3A_33 = arith.constant 0 : i32
    %dma_wait3A_34 = tpu.memref_slice %arg2[%dma_wait3A_31, %dma_wait3A_32, %dma_wait3A_33] : memref<2x10240x128xf32, #tpu.memory_space<hbm>> -> memref<1x10240x128xf32, #tpu.memory_space<hbm>>
    %dma_wait3A_35 = tpu.memref_squeeze %dma_wait3A_34 : memref<1x10240x128xf32, #tpu.memory_space<hbm>> -> memref<10240x128xf32, #tpu.memory_space<hbm>>
    %dma_wait3A_36 = arith.constant 0 : i32
    %dma_wait3A_37 = arith.constant 0 : i32
    %dma_wait3A_38 = tpu.memref_slice %dma_wait3A_35[%dma_wait3A_36, %dma_wait3A_37] : memref<10240x128xf32, #tpu.memory_space<hbm>> -> memref<10240x128xf32, #tpu.memory_space<hbm>>
    tpu.wait_indirect_dma semaphore(%arg12 : memref<!tpu.dma_semaphore, #tpu.memory_space<semaphore_mem>>) src(%dma_wait3A_38 : memref<10240x128xf32, #tpu.memory_space<hbm>>) dst(%arg9 : memref<128x128xf32, #tpu.memory_space<vmem>>)
    %dma_wait3A_39 = arith.constant 0 : i32
    %dma_wait3A_40 = arith.constant 0 : i32
    %dma_wait3A_41 = tpu.memref_slice %arg3[%dma_wait3A_39, %dma_wait3A_40] : memref<10000x128xf32, #tpu.memory_space<hbm>> -> memref<10000x128xf32, #tpu.memory_space<hbm>>
    tpu.wait_indirect_dma semaphore(%arg12 : memref<!tpu.dma_semaphore, #tpu.memory_space<semaphore_mem>>) src(%dma_wait3A_41 : memref<10000x128xf32, #tpu.memory_space<hbm>>) dst(%arg10 : memref<128x128xf32, #tpu.memory_space<vmem>>)
    %dma_wait3A_42 = arith.constant 0 : i32
    %dma_wait3A_43 = arith.constant 0 : i32
    %dma_wait3A_44 = tpu.memref_slice %arg4[%dma_wait3A_42, %dma_wait3A_43] : memref<10000x128xf32, #tpu.memory_space<hbm>> -> memref<10000x128xf32, #tpu.memory_space<hbm>>
    tpu.wait_indirect_dma semaphore(%arg12 : memref<!tpu.dma_semaphore, #tpu.memory_space<semaphore_mem>>) src(%dma_wait3A_44 : memref<10000x128xf32, #tpu.memory_space<hbm>>) dst(%arg11 : memref<128x128xf32, #tpu.memory_space<vmem>>)
    %scan3A = arith.constant 0 : i32
    %scan3A_45 = arith.constant 0 : i32
    %scan3A_46 = arith.constant 128 : i32
    %scan3A_47 = arith.addi %scan3A_45, %scan3A_46 : i32
    %scan3A_48 = arith.constant 1 : i32
    scf.for %scan3A_50 = %scan3A_45 to %scan3A_47 step %scan3A_48  : i32 {
      %get3A = arith.index_cast %scan3A_50 : i32 to index
      %get3A_51 = arith.constant 0 : index
      %get3A_52 = tpu.vector_load %arg8[%get3A, %get3A_51] {strides = array<i32>} : memref<128x128xf32, #tpu.memory_space<vmem>>, vector<1x16xf32>,
      %get3A_53 = vector.shape_cast %get3A_52 : vector<1x16xf32> to vector<16xf32>
      %get3A_54 = arith.index_cast %scan3A_50 : i32 to index
      %get3A_55 = arith.constant 0 : index
      %get3A_56 = tpu.vector_load %arg9[%get3A_54, %get3A_55] {strides = array<i32>} : memref<128x128xf32, #tpu.memory_space<vmem>>, vector<1x16xf32>,
      %get3A_57 = vector.shape_cast %get3A_56 : vector<1x16xf32> to vector<16xf32>
      %add3A_58 = arith.addf %get3A_53, %get3A_57 : vector<16xf32>
      %get3A_59 = arith.index_cast %scan3A_50 : i32 to index
      %get3A_60 = arith.constant 0 : index
      %get3A_61 = tpu.vector_load %arg10[%get3A_59, %get3A_60] {strides = array<i32>} : memref<128x128xf32, #tpu.memory_space<vmem>>, vector<1x16xf32>,
      %get3A_62 = vector.shape_cast %get3A_61 : vector<1x16xf32> to vector<16xf32>
      %mul3A_63 = arith.mulf %add3A_58, %get3A_62 : vector<16xf32>
      %get3A_64 = arith.index_cast %scan3A_50 : i32 to index
      %get3A_65 = arith.constant 0 : index
      %get3A_66 = tpu.vector_load %arg11[%get3A_64, %get3A_65] {strides = array<i32>} : memref<128x128xf32, #tpu.memory_space<vmem>>, vector<1x16xf32>,
      %get3A_67 = vector.shape_cast %get3A_66 : vector<1x16xf32> to vector<16xf32>
      %add3A_68 = arith.addf %mul3A_63, %get3A_67 : vector<16xf32>
      %max3A = arith.constant 0.000000e+00 : f32
      %max3A_69 = vector.broadcast %max3A : f32 to vector<16xf32>
      %max3A_70 = arith.maximumf %add3A_68, %max3A_69 : vector<16xf32>
      %swap3A = arith.index_cast %scan3A_50 : i32 to index
      %swap3A_71 = arith.constant 0 : index
      %swap3A_72 = tpu.vector_load %arg8[%swap3A, %swap3A_71] {strides = array<i32>} : memref<128x128xf32, #tpu.memory_space<vmem>>, vector<1x16xf32>,
      %swap3A_73 = vector.shape_cast %swap3A_72 : vector<1x16xf32> to vector<16xf32>
      %swap3A_74 = vector.shape_cast %max3A_70 : vector<16xf32> to vector<1x16xf32>
      tpu.vector_store %arg8[%swap3A, %swap3A_71], %swap3A_74 {strides = array<i32>} : memref<128x128xf32, #tpu.memory_space<vmem>>, vector<1x16xf32>,
      %get3A_75 = arith.index_cast %scan3A_50 : i32 to index
      %get3A_76 = arith.constant 16 : index
      %get3A_77 = tpu.vector_load %arg8[%get3A_75, %get3A_76] {strides = array<i32>} : memref<128x128xf32, #tpu.memory_space<vmem>>, vector<1x16xf32>,
      %get3A_78 = vector.shape_cast %get3A_77 : vector<1x16xf32> to vector<16xf32>
      %get3A_79 = arith.index_cast %scan3A_50 : i32 to index
      %get3A_80 = arith.constant 16 : index
      %get3A_81 = tpu.vector_load %arg9[%get3A_79, %get3A_80] {strides = array<i32>} : memref<128x128xf32, #tpu.memory_space<vmem>>, vector<1x16xf32>,
      %get3A_82 = vector.shape_cast %get3A_81 : vector<1x16xf32> to vector<16xf32>
      %add3A_83 = arith.addf %get3A_78, %get3A_82 : vector<16xf32>
      %get3A_84 = arith.index_cast %scan3A_50 : i32 to index
      %get3A_85 = arith.constant 16 : index
      %get3A_86 = tpu.vector_load %arg10[%get3A_84, %get3A_85] {strides = array<i32>} : memref<128x128xf32, #tpu.memory_space<vmem>>, vector<1x16xf32>,
      %get3A_87 = vector.shape_cast %get3A_86 : vector<1x16xf32> to vector<16xf32>
      %mul3A_88 = arith.mulf %add3A_83, %get3A_87 : vector<16xf32>
      %get3A_89 = arith.index_cast %scan3A_50 : i32 to index
      %get3A_90 = arith.constant 16 : index
      %get3A_91 = tpu.vector_load %arg11[%get3A_89, %get3A_90] {strides = array<i32>} : memref<128x128xf32, #tpu.memory_space<vmem>>, vector<1x16xf32>,
      %get3A_92 = vector.shape_cast %get3A_91 : vector<1x16xf32> to vector<16xf32>
      %add3A_93 = arith.addf %mul3A_88, %get3A_92 : vector<16xf32>
      %max3A_94 = arith.constant 0.000000e+00 : f32
      %max3A_95 = vector.broadcast %max3A_94 : f32 to vector<16xf32>
      %max3A_96 = arith.maximumf %add3A_93, %max3A_95 : vector<16xf32>
      %swap3A_97 = arith.index_cast %scan3A_50 : i32 to index
      %swap3A_98 = arith.constant 16 : index
      %swap3A_99 = tpu.vector_load %arg8[%swap3A_97, %swap3A_98] {strides = array<i32>} : memref<128x128xf32, #tpu.memory_space<vmem>>, vector<1x16xf32>,
      %swap3A_100 = vector.shape_cast %swap3A_99 : vector<1x16xf32> to vector<16xf32>
      %swap3A_101 = vector.shape_cast %max3A_96 : vector<16xf32> to vector<1x16xf32>
      tpu.vector_store %arg8[%swap3A_97, %swap3A_98], %swap3A_101 {strides = array<i32>} : memref<128x128xf32, #tpu.memory_space<vmem>>, vector<1x16xf32>,
      %get3A_102 = arith.index_cast %scan3A_50 : i32 to index
      %get3A_103 = arith.constant 32 : index
      %get3A_104 = tpu.vector_load %arg8[%get3A_102, %get3A_103] {strides = array<i32>} : memref<128x128xf32, #tpu.memory_space<vmem>>, vector<1x16xf32>,
      %get3A_105 = vector.shape_cast %get3A_104 : vector<1x16xf32> to vector<16xf32>
      %get3A_106 = arith.index_cast %scan3A_50 : i32 to index
      %get3A_107 = arith.constant 32 : index
      %get3A_108 = tpu.vector_load %arg9[%get3A_106, %get3A_107] {strides = array<i32>} : memref<128x128xf32, #tpu.memory_space<vmem>>, vector<1x16xf32>,
      %get3A_109 = vector.shape_cast %get3A_108 : vector<1x16xf32> to vector<16xf32>
      %add3A_110 = arith.addf %get3A_105, %get3A_109 : vector<16xf32>
      %get3A_111 = arith.index_cast %scan3A_50 : i32 to index
      %get3A_112 = arith.constant 32 : index
      %get3A_113 = tpu.vector_load %arg10[%get3A_111, %get3A_112] {strides = array<i32>} : memref<128x128xf32, #tpu.memory_space<vmem>>, vector<1x16xf32>,
      %get3A_114 = vector.shape_cast %get3A_113 : vector<1x16xf32> to vector<16xf32>
      %mul3A_115 = arith.mulf %add3A_110, %get3A_114 : vector<16xf32>
      %get3A_116 = arith.index_cast %scan3A_50 : i32 to index
      %get3A_117 = arith.constant 32 : index
      %get3A_118 = tpu.vector_load %arg11[%get3A_116, %get3A_117] {strides = array<i32>} : memref<128x128xf32, #tpu.memory_space<vmem>>, vector<1x16xf32>,
      %get3A_119 = vector.shape_cast %get3A_118 : vector<1x16xf32> to vector<16xf32>
      %add3A_120 = arith.addf %mul3A_115, %get3A_119 : vector<16xf32>
      %max3A_121 = arith.constant 0.000000e+00 : f32
      %max3A_122 = vector.broadcast %max3A_121 : f32 to vector<16xf32>
      %max3A_123 = arith.maximumf %add3A_120, %max3A_122 : vector<16xf32>
      %swap3A_124 = arith.index_cast %scan3A_50 : i32 to index
      %swap3A_125 = arith.constant 32 : index
      %swap3A_126 = tpu.vector_load %arg8[%swap3A_124, %swap3A_125] {strides = array<i32>} : memref<128x128xf32, #tpu.memory_space<vmem>>, vector<1x16xf32>,
      %swap3A_127 = vector.shape_cast %swap3A_126 : vector<1x16xf32> to vector<16xf32>
      %swap3A_128 = vector.shape_cast %max3A_123 : vector<16xf32> to vector<1x16xf32>
      tpu.vector_store %arg8[%swap3A_124, %swap3A_125], %swap3A_128 {strides = array<i32>} : memref<128x128xf32, #tpu.memory_space<vmem>>, vector<1x16xf32>,
      %get3A_129 = arith.index_cast %scan3A_50 : i32 to index
      %get3A_130 = arith.constant 48 : index
      %get3A_131 = tpu.vector_load %arg8[%get3A_129, %get3A_130] {strides = array<i32>} : memref<128x128xf32, #tpu.memory_space<vmem>>, vector<1x16xf32>,
      %get3A_132 = vector.shape_cast %get3A_131 : vector<1x16xf32> to vector<16xf32>
      %get3A_133 = arith.index_cast %scan3A_50 : i32 to index
      %get3A_134 = arith.constant 48 : index
      %get3A_135 = tpu.vector_load %arg9[%get3A_133, %get3A_134] {strides = array<i32>} : memref<128x128xf32, #tpu.memory_space<vmem>>, vector<1x16xf32>,
      %get3A_136 = vector.shape_cast %get3A_135 : vector<1x16xf32> to vector<16xf32>
      %add3A_137 = arith.addf %get3A_132, %get3A_136 : vector<16xf32>
      %get3A_138 = arith.index_cast %scan3A_50 : i32 to index
      %get3A_139 = arith.constant 48 : index
      %get3A_140 = tpu.vector_load %arg10[%get3A_138, %get3A_139] {strides = array<i32>} : memref<128x128xf32, #tpu.memory_space<vmem>>, vector<1x16xf32>,
      %get3A_141 = vector.shape_cast %get3A_140 : vector<1x16xf32> to vector<16xf32>
      %mul3A_142 = arith.mulf %add3A_137, %get3A_141 : vector<16xf32>
      %get3A_143 = arith.index_cast %scan3A_50 : i32 to index
      %get3A_144 = arith.constant 48 : index
      %get3A_145 = tpu.vector_load %arg11[%get3A_143, %get3A_144] {strides = array<i32>} : memref<128x128xf32, #tpu.memory_space<vmem>>, vector<1x16xf32>,
      %get3A_146 = vector.shape_cast %get3A_145 : vector<1x16xf32> to vector<16xf32>
      %add3A_147 = arith.addf %mul3A_142, %get3A_146 : vector<16xf32>
      %max3A_148 = arith.constant 0.000000e+00 : f32
      %max3A_149 = vector.broadcast %max3A_148 : f32 to vector<16xf32>
      %max3A_150 = arith.maximumf %add3A_147, %max3A_149 : vector<16xf32>
      %swap3A_151 = arith.index_cast %scan3A_50 : i32 to index
      %swap3A_152 = arith.constant 48 : index
      %swap3A_153 = tpu.vector_load %arg8[%swap3A_151, %swap3A_152] {strides = array<i32>} : memref<128x128xf32, #tpu.memory_space<vmem>>, vector<1x16xf32>,
      %swap3A_154 = vector.shape_cast %swap3A_153 : vector<1x16xf32> to vector<16xf32>
      %swap3A_155 = vector.shape_cast %max3A_150 : vector<16xf32> to vector<1x16xf32>
      tpu.vector_store %arg8[%swap3A_151, %swap3A_152], %swap3A_155 {strides = array<i32>} : memref<128x128xf32, #tpu.memory_space<vmem>>, vector<1x16xf32>,
      %get3A_156 = arith.index_cast %scan3A_50 : i32 to index
      %get3A_157 = arith.constant 64 : index
      %get3A_158 = tpu.vector_load %arg8[%get3A_156, %get3A_157] {strides = array<i32>} : memref<128x128xf32, #tpu.memory_space<vmem>>, vector<1x16xf32>,
      %get3A_159 = vector.shape_cast %get3A_158 : vector<1x16xf32> to vector<16xf32>
      %get3A_160 = arith.index_cast %scan3A_50 : i32 to index
      %get3A_161 = arith.constant 64 : index
      %get3A_162 = tpu.vector_load %arg9[%get3A_160, %get3A_161] {strides = array<i32>} : memref<128x128xf32, #tpu.memory_space<vmem>>, vector<1x16xf32>,
      %get3A_163 = vector.shape_cast %get3A_162 : vector<1x16xf32> to vector<16xf32>
      %add3A_164 = arith.addf %get3A_159, %get3A_163 : vector<16xf32>
      %get3A_165 = arith.index_cast %scan3A_50 : i32 to index
      %get3A_166 = arith.constant 64 : index
      %get3A_167 = tpu.vector_load %arg10[%get3A_165, %get3A_166] {strides = array<i32>} : memref<128x128xf32, #tpu.memory_space<vmem>>, vector<1x16xf32>,
      %get3A_168 = vector.shape_cast %get3A_167 : vector<1x16xf32> to vector<16xf32>
      %mul3A_169 = arith.mulf %add3A_164, %get3A_168 : vector<16xf32>
      %get3A_170 = arith.index_cast %scan3A_50 : i32 to index
      %get3A_171 = arith.constant 64 : index
      %get3A_172 = tpu.vector_load %arg11[%get3A_170, %get3A_171] {strides = array<i32>} : memref<128x128xf32, #tpu.memory_space<vmem>>, vector<1x16xf32>,
      %get3A_173 = vector.shape_cast %get3A_172 : vector<1x16xf32> to vector<16xf32>
      %add3A_174 = arith.addf %mul3A_169, %get3A_173 : vector<16xf32>
      %max3A_175 = arith.constant 0.000000e+00 : f32
      %max3A_176 = vector.broadcast %max3A_175 : f32 to vector<16xf32>
      %max3A_177 = arith.maximumf %add3A_174, %max3A_176 : vector<16xf32>
      %swap3A_178 = arith.index_cast %scan3A_50 : i32 to index
      %swap3A_179 = arith.constant 64 : index
      %swap3A_180 = tpu.vector_load %arg8[%swap3A_178, %swap3A_179] {strides = array<i32>} : memref<128x128xf32, #tpu.memory_space<vmem>>, vector<1x16xf32>,
      %swap3A_181 = vector.shape_cast %swap3A_180 : vector<1x16xf32> to vector<16xf32>
      %swap3A_182 = vector.shape_cast %max3A_177 : vector<16xf32> to vector<1x16xf32>
      tpu.vector_store %arg8[%swap3A_178, %swap3A_179], %swap3A_182 {strides = array<i32>} : memref<128x128xf32, #tpu.memory_space<vmem>>, vector<1x16xf32>,
      %get3A_183 = arith.index_cast %scan3A_50 : i32 to index
      %get3A_184 = arith.constant 80 : index
      %get3A_185 = tpu.vector_load %arg8[%get3A_183, %get3A_184] {strides = array<i32>} : memref<128x128xf32, #tpu.memory_space<vmem>>, vector<1x16xf32>,
      %get3A_186 = vector.shape_cast %get3A_185 : vector<1x16xf32> to vector<16xf32>
      %get3A_187 = arith.index_cast %scan3A_50 : i32 to index
      %get3A_188 = arith.constant 80 : index
      %get3A_189 = tpu.vector_load %arg9[%get3A_187, %get3A_188] {strides = array<i32>} : memref<128x128xf32, #tpu.memory_space<vmem>>, vector<1x16xf32>,
      %get3A_190 = vector.shape_cast %get3A_189 : vector<1x16xf32> to vector<16xf32>
      %add3A_191 = arith.addf %get3A_186, %get3A_190 : vector<16xf32>
      %get3A_192 = arith.index_cast %scan3A_50 : i32 to index
      %get3A_193 = arith.constant 80 : index
      %get3A_194 = tpu.vector_load %arg10[%get3A_192, %get3A_193] {strides = array<i32>} : memref<128x128xf32, #tpu.memory_space<vmem>>, vector<1x16xf32>,
      %get3A_195 = vector.shape_cast %get3A_194 : vector<1x16xf32> to vector<16xf32>
      %mul3A_196 = arith.mulf %add3A_191, %get3A_195 : vector<16xf32>
      %get3A_197 = arith.index_cast %scan3A_50 : i32 to index
      %get3A_198 = arith.constant 80 : index
      %get3A_199 = tpu.vector_load %arg11[%get3A_197, %get3A_198] {strides = array<i32>} : memref<128x128xf32, #tpu.memory_space<vmem>>, vector<1x16xf32>,
      %get3A_200 = vector.shape_cast %get3A_199 : vector<1x16xf32> to vector<16xf32>
      %add3A_201 = arith.addf %mul3A_196, %get3A_200 : vector<16xf32>
      %max3A_202 = arith.constant 0.000000e+00 : f32
      %max3A_203 = vector.broadcast %max3A_202 : f32 to vector<16xf32>
      %max3A_204 = arith.maximumf %add3A_201, %max3A_203 : vector<16xf32>
      %swap3A_205 = arith.index_cast %scan3A_50 : i32 to index
      %swap3A_206 = arith.constant 80 : index
      %swap3A_207 = tpu.vector_load %arg8[%swap3A_205, %swap3A_206] {strides = array<i32>} : memref<128x128xf32, #tpu.memory_space<vmem>>, vector<1x16xf32>,
      %swap3A_208 = vector.shape_cast %swap3A_207 : vector<1x16xf32> to vector<16xf32>
      %swap3A_209 = vector.shape_cast %max3A_204 : vector<16xf32> to vector<1x16xf32>
      tpu.vector_store %arg8[%swap3A_205, %swap3A_206], %swap3A_209 {strides = array<i32>} : memref<128x128xf32, #tpu.memory_space<vmem>>, vector<1x16xf32>,
      %get3A_210 = arith.index_cast %scan3A_50 : i32 to index
      %get3A_211 = arith.constant 96 : index
      %get3A_212 = tpu.vector_load %arg8[%get3A_210, %get3A_211] {strides = array<i32>} : memref<128x128xf32, #tpu.memory_space<vmem>>, vector<1x16xf32>,
      %get3A_213 = vector.shape_cast %get3A_212 : vector<1x16xf32> to vector<16xf32>
      %get3A_214 = arith.index_cast %scan3A_50 : i32 to index
      %get3A_215 = arith.constant 96 : index
      %get3A_216 = tpu.vector_load %arg9[%get3A_214, %get3A_215] {strides = array<i32>} : memref<128x128xf32, #tpu.memory_space<vmem>>, vector<1x16xf32>,
      %get3A_217 = vector.shape_cast %get3A_216 : vector<1x16xf32> to vector<16xf32>
      %add3A_218 = arith.addf %get3A_213, %get3A_217 : vector<16xf32>
      %get3A_219 = arith.index_cast %scan3A_50 : i32 to index
      %get3A_220 = arith.constant 96 : index
      %get3A_221 = tpu.vector_load %arg10[%get3A_219, %get3A_220] {strides = array<i32>} : memref<128x128xf32, #tpu.memory_space<vmem>>, vector<1x16xf32>,
      %get3A_222 = vector.shape_cast %get3A_221 : vector<1x16xf32> to vector<16xf32>
      %mul3A_223 = arith.mulf %add3A_218, %get3A_222 : vector<16xf32>
      %get3A_224 = arith.index_cast %scan3A_50 : i32 to index
      %get3A_225 = arith.constant 96 : index
      %get3A_226 = tpu.vector_load %arg11[%get3A_224, %get3A_225] {strides = array<i32>} : memref<128x128xf32, #tpu.memory_space<vmem>>, vector<1x16xf32>,
      %get3A_227 = vector.shape_cast %get3A_226 : vector<1x16xf32> to vector<16xf32>
      %add3A_228 = arith.addf %mul3A_223, %get3A_227 : vector<16xf32>
      %max3A_229 = arith.constant 0.000000e+00 : f32
      %max3A_230 = vector.broadcast %max3A_229 : f32 to vector<16xf32>
      %max3A_231 = arith.maximumf %add3A_228, %max3A_230 : vector<16xf32>
      %swap3A_232 = arith.index_cast %scan3A_50 : i32 to index
      %swap3A_233 = arith.constant 96 : index
      %swap3A_234 = tpu.vector_load %arg8[%swap3A_232, %swap3A_233] {strides = array<i32>} : memref<128x128xf32, #tpu.memory_space<vmem>>, vector<1x16xf32>,
      %swap3A_235 = vector.shape_cast %swap3A_234 : vector<1x16xf32> to vector<16xf32>
      %swap3A_236 = vector.shape_cast %max3A_231 : vector<16xf32> to vector<1x16xf32>
      tpu.vector_store %arg8[%swap3A_232, %swap3A_233], %swap3A_236 {strides = array<i32>} : memref<128x128xf32, #tpu.memory_space<vmem>>, vector<1x16xf32>,
      %get3A_237 = arith.index_cast %scan3A_50 : i32 to index
      %get3A_238 = arith.constant 112 : index
      %get3A_239 = tpu.vector_load %arg8[%get3A_237, %get3A_238] {strides = array<i32>} : memref<128x128xf32, #tpu.memory_space<vmem>>, vector<1x16xf32>,
      %get3A_240 = vector.shape_cast %get3A_239 : vector<1x16xf32> to vector<16xf32>
      %get3A_241 = arith.index_cast %scan3A_50 : i32 to index
      %get3A_242 = arith.constant 112 : index
      %get3A_243 = tpu.vector_load %arg9[%get3A_241, %get3A_242] {strides = array<i32>} : memref<128x128xf32, #tpu.memory_space<vmem>>, vector<1x16xf32>,
      %get3A_244 = vector.shape_cast %get3A_243 : vector<1x16xf32> to vector<16xf32>
      %add3A_245 = arith.addf %get3A_240, %get3A_244 : vector<16xf32>
      %get3A_246 = arith.index_cast %scan3A_50 : i32 to index
      %get3A_247 = arith.constant 112 : index
      %get3A_248 = tpu.vector_load %arg10[%get3A_246, %get3A_247] {strides = array<i32>} : memref<128x128xf32, #tpu.memory_space<vmem>>, vector<1x16xf32>,
      %get3A_249 = vector.shape_cast %get3A_248 : vector<1x16xf32> to vector<16xf32>
      %mul3A_250 = arith.mulf %add3A_245, %get3A_249 : vector<16xf32>
      %get3A_251 = arith.index_cast %scan3A_50 : i32 to index
      %get3A_252 = arith.constant 112 : index
      %get3A_253 = tpu.vector_load %arg11[%get3A_251, %get3A_252] {strides = array<i32>} : memref<128x128xf32, #tpu.memory_space<vmem>>, vector<1x16xf32>,
      %get3A_254 = vector.shape_cast %get3A_253 : vector<1x16xf32> to vector<16xf32>
      %add3A_255 = arith.addf %mul3A_250, %get3A_254 : vector<16xf32>
      %max3A_256 = arith.constant 0.000000e+00 : f32
      %max3A_257 = vector.broadcast %max3A_256 : f32 to vector<16xf32>
      %max3A_258 = arith.maximumf %add3A_255, %max3A_257 : vector<16xf32>
      %swap3A_259 = arith.index_cast %scan3A_50 : i32 to index
      %swap3A_260 = arith.constant 112 : index
      %swap3A_261 = tpu.vector_load %arg8[%swap3A_259, %swap3A_260] {strides = array<i32>} : memref<128x128xf32, #tpu.memory_space<vmem>>, vector<1x16xf32>,
      %swap3A_262 = vector.shape_cast %swap3A_261 : vector<1x16xf32> to vector<16xf32>
      %swap3A_263 = vector.shape_cast %max3A_258 : vector<16xf32> to vector<1x16xf32>
      tpu.vector_store %arg8[%swap3A_259, %swap3A_260], %swap3A_263 {strides = array<i32>} : memref<128x128xf32, #tpu.memory_space<vmem>>, vector<1x16xf32>,
    }
    %scan3A_49 = arith.constant 128 : i32
    "tpu.region"() ({
      %run_scoped3A = tpu.sem_alloc : memref<!tpu.dma_semaphore, #tpu.memory_space<semaphore_mem>>
      %dma_start3A_50 = arith.constant 0 : i32
      %dma_start3A_51 = tpu.memref_slice %arg6[%multiple_of3A, %dma_start3A_50] : memref<4096x128xf32, #tpu.memory_space<hbm>> -> memref<128x128xf32, #tpu.memory_space<hbm>>
      %dma_start3A_52 = arith.constant 0 : i32
      %dma_start3A_53 = tpu.memref_slice %arg6[%multiple_of3A, %dma_start3A_52] : memref<4096x128xf32, #tpu.memory_space<hbm>> -> memref<128x128xf32, #tpu.memory_space<hbm>>
      tpu.enqueue_dma source(%arg8 : memref<128x128xf32, #tpu.memory_space<vmem>>) target(%dma_start3A_53 : memref<128x128xf32, #tpu.memory_space<hbm>>) target_semaphore(%run_scoped3A : memref<!tpu.dma_semaphore, #tpu.memory_space<semaphore_mem>>)
      %dma_wait3A_54 = arith.constant 0 : i32
      %dma_wait3A_55 = tpu.memref_slice %arg6[%multiple_of3A, %dma_wait3A_54] : memref<4096x128xf32, #tpu.memory_space<hbm>> -> memref<128x128xf32, #tpu.memory_space<hbm>>
      %dma_wait3A_56 = arith.constant 0 : i32
      %dma_wait3A_57 = tpu.memref_slice %arg6[%multiple_of3A, %dma_wait3A_56] : memref<4096x128xf32, #tpu.memory_space<hbm>> -> memref<128x128xf32, #tpu.memory_space<hbm>>
      tpu.wait_dma2 semaphore(%run_scoped3A : memref<!tpu.dma_semaphore, #tpu.memory_space<semaphore_mem>>) src(%arg8 : memref<128x128xf32, #tpu.memory_space<vmem>>) dst(%dma_wait3A_57 : memref<128x128xf32, #tpu.memory_space<hbm>>)
      tpu.yield
    }) : () -> ()
    return
  }
}

#map = affine_map<(d0, d1) -> (0, 0)>
#map1 = affine_map<(d0, d1) -> (0, 0, 0)>
module attributes {stable_mosaic.version = 14 : i64} {
  func.func @body(%arg0: i32, %arg1: i32, %arg2: memref<2560x128xi32, #tpu.memory_space<hbm>>, %arg3: memref<2560x128xi32, #tpu.memory_space<hbm>>, %arg4: memref<160000x128xf32, #tpu.memory_space<hbm>>, %arg5: memref<2x10240x128xf32, #tpu.memory_space<hbm>>, %arg6: memref<40x128xi32, #tpu.memory_space<vmem>>, %arg7: memref<40x128xi32, #tpu.memory_space<vmem>>, %arg8: memref<128x128xf32, #tpu.memory_space<vmem>>, %arg9: memref<128x128xf32, #tpu.memory_space<vmem>>, %arg10: memref<10240x128xf32, #tpu.memory_space<vmem_shared>>, %arg11: memref<!tpu.dma_semaphore, #tpu.memory_space<semaphore_mem>>, %arg12: memref<!tpu.dma_semaphore, #tpu.memory_space<semaphore_mem>>) attributes {dimension_semantics = [#tpu.dimension_semantics<core_parallel>, #tpu.dimension_semantics<subcore_parallel>], iteration_bounds = array<i64: 2, 16>, scalar_prefetch = 0 : i64, scratch_operands = 7 : i64, tpu.core_type = #tpu.core_type<sc_vector_subcore>, window_params = [{transform_indices = #map}, {transform_indices = #map}, {transform_indices = #map}, {transform_indices = #map1}]} {
    %mul3A = arith.constant 16 : i32
    %mul3A_0 = arith.muli %arg0, %mul3A : i32
    %add3A = arith.addi %mul3A_0, %arg1 : i32
    %scan3A = arith.constant 0 : i32
    %scan3A_1 = arith.constant 0 : i32
    %scan3A_2 = arith.constant 128 : i32
    %scan3A_3 = arith.addi %scan3A_1, %scan3A_2 : i32
    %scan3A_4 = arith.constant 1 : i32
    scf.for %scan3A_25 = %scan3A_1 to %scan3A_3 step %scan3A_4  : i32 {
      %broadcast_in_dim3A = arith.constant 0.000000e+00 : f32
      %broadcast_in_dim3A_26 = vector.broadcast %broadcast_in_dim3A : f32 to vector<16xf32>
      %swap3A = arith.index_cast %scan3A_25 : i32 to index
      %swap3A_27 = arith.constant 0 : index
      %swap3A_28 = tpu.vector_load %arg8[%swap3A, %swap3A_27] {strides = array<i32>} : memref<128x128xf32, #tpu.memory_space<vmem>>, vector<1x16xf32>,
      %swap3A_29 = vector.shape_cast %swap3A_28 : vector<1x16xf32> to vector<16xf32>
      %swap3A_30 = vector.shape_cast %broadcast_in_dim3A_26 : vector<16xf32> to vector<1x16xf32>
      tpu.vector_store %arg8[%swap3A, %swap3A_27], %swap3A_30 {strides = array<i32>} : memref<128x128xf32, #tpu.memory_space<vmem>>, vector<1x16xf32>,
      %broadcast_in_dim3A_31 = arith.constant 0.000000e+00 : f32
      %broadcast_in_dim3A_32 = vector.broadcast %broadcast_in_dim3A_31 : f32 to vector<16xf32>
      %swap3A_33 = arith.index_cast %scan3A_25 : i32 to index
      %swap3A_34 = arith.constant 16 : index
      %swap3A_35 = tpu.vector_load %arg8[%swap3A_33, %swap3A_34] {strides = array<i32>} : memref<128x128xf32, #tpu.memory_space<vmem>>, vector<1x16xf32>,
      %swap3A_36 = vector.shape_cast %swap3A_35 : vector<1x16xf32> to vector<16xf32>
      %swap3A_37 = vector.shape_cast %broadcast_in_dim3A_32 : vector<16xf32> to vector<1x16xf32>
      tpu.vector_store %arg8[%swap3A_33, %swap3A_34], %swap3A_37 {strides = array<i32>} : memref<128x128xf32, #tpu.memory_space<vmem>>, vector<1x16xf32>,
      %broadcast_in_dim3A_38 = arith.constant 0.000000e+00 : f32
      %broadcast_in_dim3A_39 = vector.broadcast %broadcast_in_dim3A_38 : f32 to vector<16xf32>
      %swap3A_40 = arith.index_cast %scan3A_25 : i32 to index
      %swap3A_41 = arith.constant 32 : index
      %swap3A_42 = tpu.vector_load %arg8[%swap3A_40, %swap3A_41] {strides = array<i32>} : memref<128x128xf32, #tpu.memory_space<vmem>>, vector<1x16xf32>,
      %swap3A_43 = vector.shape_cast %swap3A_42 : vector<1x16xf32> to vector<16xf32>
      %swap3A_44 = vector.shape_cast %broadcast_in_dim3A_39 : vector<16xf32> to vector<1x16xf32>
      tpu.vector_store %arg8[%swap3A_40, %swap3A_41], %swap3A_44 {strides = array<i32>} : memref<128x128xf32, #tpu.memory_space<vmem>>, vector<1x16xf32>,
      %broadcast_in_dim3A_45 = arith.constant 0.000000e+00 : f32
      %broadcast_in_dim3A_46 = vector.broadcast %broadcast_in_dim3A_45 : f32 to vector<16xf32>
      %swap3A_47 = arith.index_cast %scan3A_25 : i32 to index
      %swap3A_48 = arith.constant 48 : index
      %swap3A_49 = tpu.vector_load %arg8[%swap3A_47, %swap3A_48] {strides = array<i32>} : memref<128x128xf32, #tpu.memory_space<vmem>>, vector<1x16xf32>,
      %swap3A_50 = vector.shape_cast %swap3A_49 : vector<1x16xf32> to vector<16xf32>
      %swap3A_51 = vector.shape_cast %broadcast_in_dim3A_46 : vector<16xf32> to vector<1x16xf32>
      tpu.vector_store %arg8[%swap3A_47, %swap3A_48], %swap3A_51 {strides = array<i32>} : memref<128x128xf32, #tpu.memory_space<vmem>>, vector<1x16xf32>,
      %broadcast_in_dim3A_52 = arith.constant 0.000000e+00 : f32
      %broadcast_in_dim3A_53 = vector.broadcast %broadcast_in_dim3A_52 : f32 to vector<16xf32>
      %swap3A_54 = arith.index_cast %scan3A_25 : i32 to index
      %swap3A_55 = arith.constant 64 : index
      %swap3A_56 = tpu.vector_load %arg8[%swap3A_54, %swap3A_55] {strides = array<i32>} : memref<128x128xf32, #tpu.memory_space<vmem>>, vector<1x16xf32>,
      %swap3A_57 = vector.shape_cast %swap3A_56 : vector<1x16xf32> to vector<16xf32>
      %swap3A_58 = vector.shape_cast %broadcast_in_dim3A_53 : vector<16xf32> to vector<1x16xf32>
      tpu.vector_store %arg8[%swap3A_54, %swap3A_55], %swap3A_58 {strides = array<i32>} : memref<128x128xf32, #tpu.memory_space<vmem>>, vector<1x16xf32>,
      %broadcast_in_dim3A_59 = arith.constant 0.000000e+00 : f32
      %broadcast_in_dim3A_60 = vector.broadcast %broadcast_in_dim3A_59 : f32 to vector<16xf32>
      %swap3A_61 = arith.index_cast %scan3A_25 : i32 to index
      %swap3A_62 = arith.constant 80 : index
      %swap3A_63 = tpu.vector_load %arg8[%swap3A_61, %swap3A_62] {strides = array<i32>} : memref<128x128xf32, #tpu.memory_space<vmem>>, vector<1x16xf32>,
      %swap3A_64 = vector.shape_cast %swap3A_63 : vector<1x16xf32> to vector<16xf32>
      %swap3A_65 = vector.shape_cast %broadcast_in_dim3A_60 : vector<16xf32> to vector<1x16xf32>
      tpu.vector_store %arg8[%swap3A_61, %swap3A_62], %swap3A_65 {strides = array<i32>} : memref<128x128xf32, #tpu.memory_space<vmem>>, vector<1x16xf32>,
      %broadcast_in_dim3A_66 = arith.constant 0.000000e+00 : f32
      %broadcast_in_dim3A_67 = vector.broadcast %broadcast_in_dim3A_66 : f32 to vector<16xf32>
      %swap3A_68 = arith.index_cast %scan3A_25 : i32 to index
      %swap3A_69 = arith.constant 96 : index
      %swap3A_70 = tpu.vector_load %arg8[%swap3A_68, %swap3A_69] {strides = array<i32>} : memref<128x128xf32, #tpu.memory_space<vmem>>, vector<1x16xf32>,
      %swap3A_71 = vector.shape_cast %swap3A_70 : vector<1x16xf32> to vector<16xf32>
      %swap3A_72 = vector.shape_cast %broadcast_in_dim3A_67 : vector<16xf32> to vector<1x16xf32>
      tpu.vector_store %arg8[%swap3A_68, %swap3A_69], %swap3A_72 {strides = array<i32>} : memref<128x128xf32, #tpu.memory_space<vmem>>, vector<1x16xf32>,
      %broadcast_in_dim3A_73 = arith.constant 0.000000e+00 : f32
      %broadcast_in_dim3A_74 = vector.broadcast %broadcast_in_dim3A_73 : f32 to vector<16xf32>
      %swap3A_75 = arith.index_cast %scan3A_25 : i32 to index
      %swap3A_76 = arith.constant 112 : index
      %swap3A_77 = tpu.vector_load %arg8[%swap3A_75, %swap3A_76] {strides = array<i32>} : memref<128x128xf32, #tpu.memory_space<vmem>>, vector<1x16xf32>,
      %swap3A_78 = vector.shape_cast %swap3A_77 : vector<1x16xf32> to vector<16xf32>
      %swap3A_79 = vector.shape_cast %broadcast_in_dim3A_74 : vector<16xf32> to vector<1x16xf32>
      tpu.vector_store %arg8[%swap3A_75, %swap3A_76], %swap3A_79 {strides = array<i32>} : memref<128x128xf32, #tpu.memory_space<vmem>>, vector<1x16xf32>,
    }
    %scan3A_5 = arith.constant 128 : i32
    %mul3A_6 = arith.constant 640 : i32
    %mul3A_7 = arith.muli %arg1, %mul3A_6 : i32
    %add3A_8 = arith.constant 0 : i32
    %add3A_9 = arith.addi %mul3A_7, %add3A_8 : i32
    "tpu.region"() ({
      %run_scoped3A = tpu.sem_alloc : memref<!tpu.dma_semaphore, #tpu.memory_space<semaphore_mem>>
      %dma_start3A = arith.constant 0 : i32
      %dma_start3A_25 = tpu.memref_slice %arg10[%add3A_9, %dma_start3A] : memref<10240x128xf32, #tpu.memory_space<vmem_shared>> -> memref<128x128xf32, #tpu.memory_space<vmem_shared>>
      %dma_start3A_26 = arith.constant 0 : i32
      %dma_start3A_27 = tpu.memref_slice %arg10[%add3A_9, %dma_start3A_26] : memref<10240x128xf32, #tpu.memory_space<vmem_shared>> -> memref<128x128xf32, #tpu.memory_space<vmem_shared>>
      tpu.enqueue_dma source(%arg8 : memref<128x128xf32, #tpu.memory_space<vmem>>) target(%dma_start3A_27 : memref<128x128xf32, #tpu.memory_space<vmem_shared>>) target_semaphore(%run_scoped3A : memref<!tpu.dma_semaphore, #tpu.memory_space<semaphore_mem>>)
      %dma_wait3A = arith.constant 0 : i32
      %dma_wait3A_28 = tpu.memref_slice %arg10[%add3A_9, %dma_wait3A] : memref<10240x128xf32, #tpu.memory_space<vmem_shared>> -> memref<128x128xf32, #tpu.memory_space<vmem_shared>>
      %dma_wait3A_29 = arith.constant 0 : i32
      %dma_wait3A_30 = tpu.memref_slice %arg10[%add3A_9, %dma_wait3A_29] : memref<10240x128xf32, #tpu.memory_space<vmem_shared>> -> memref<128x128xf32, #tpu.memory_space<vmem_shared>>
      tpu.wait_dma2 semaphore(%run_scoped3A : memref<!tpu.dma_semaphore, #tpu.memory_space<semaphore_mem>>) src(%arg8 : memref<128x128xf32, #tpu.memory_space<vmem>>) dst(%dma_wait3A_30 : memref<128x128xf32, #tpu.memory_space<vmem_shared>>)
      tpu.yield
    }) : () -> ()
    %add3A_10 = arith.constant 128 : i32
    %add3A_11 = arith.addi %mul3A_7, %add3A_10 : i32
    "tpu.region"() ({
      %run_scoped3A = tpu.sem_alloc : memref<!tpu.dma_semaphore, #tpu.memory_space<semaphore_mem>>
      %dma_start3A = arith.constant 0 : i32
      %dma_start3A_25 = tpu.memref_slice %arg10[%add3A_11, %dma_start3A] : memref<10240x128xf32, #tpu.memory_space<vmem_shared>> -> memref<128x128xf32, #tpu.memory_space<vmem_shared>>
      %dma_start3A_26 = arith.constant 0 : i32
      %dma_start3A_27 = tpu.memref_slice %arg10[%add3A_11, %dma_start3A_26] : memref<10240x128xf32, #tpu.memory_space<vmem_shared>> -> memref<128x128xf32, #tpu.memory_space<vmem_shared>>
      tpu.enqueue_dma source(%arg8 : memref<128x128xf32, #tpu.memory_space<vmem>>) target(%dma_start3A_27 : memref<128x128xf32, #tpu.memory_space<vmem_shared>>) target_semaphore(%run_scoped3A : memref<!tpu.dma_semaphore, #tpu.memory_space<semaphore_mem>>)
      %dma_wait3A = arith.constant 0 : i32
      %dma_wait3A_28 = tpu.memref_slice %arg10[%add3A_11, %dma_wait3A] : memref<10240x128xf32, #tpu.memory_space<vmem_shared>> -> memref<128x128xf32, #tpu.memory_space<vmem_shared>>
      %dma_wait3A_29 = arith.constant 0 : i32
      %dma_wait3A_30 = tpu.memref_slice %arg10[%add3A_11, %dma_wait3A_29] : memref<10240x128xf32, #tpu.memory_space<vmem_shared>> -> memref<128x128xf32, #tpu.memory_space<vmem_shared>>
      tpu.wait_dma2 semaphore(%run_scoped3A : memref<!tpu.dma_semaphore, #tpu.memory_space<semaphore_mem>>) src(%arg8 : memref<128x128xf32, #tpu.memory_space<vmem>>) dst(%dma_wait3A_30 : memref<128x128xf32, #tpu.memory_space<vmem_shared>>)
      tpu.yield
    }) : () -> ()
    %add3A_12 = arith.constant 256 : i32
    %add3A_13 = arith.addi %mul3A_7, %add3A_12 : i32
    "tpu.region"() ({
      %run_scoped3A = tpu.sem_alloc : memref<!tpu.dma_semaphore, #tpu.memory_space<semaphore_mem>>
      %dma_start3A = arith.constant 0 : i32
      %dma_start3A_25 = tpu.memref_slice %arg10[%add3A_13, %dma_start3A] : memref<10240x128xf32, #tpu.memory_space<vmem_shared>> -> memref<128x128xf32, #tpu.memory_space<vmem_shared>>
      %dma_start3A_26 = arith.constant 0 : i32
      %dma_start3A_27 = tpu.memref_slice %arg10[%add3A_13, %dma_start3A_26] : memref<10240x128xf32, #tpu.memory_space<vmem_shared>> -> memref<128x128xf32, #tpu.memory_space<vmem_shared>>
      tpu.enqueue_dma source(%arg8 : memref<128x128xf32, #tpu.memory_space<vmem>>) target(%dma_start3A_27 : memref<128x128xf32, #tpu.memory_space<vmem_shared>>) target_semaphore(%run_scoped3A : memref<!tpu.dma_semaphore, #tpu.memory_space<semaphore_mem>>)
      %dma_wait3A = arith.constant 0 : i32
      %dma_wait3A_28 = tpu.memref_slice %arg10[%add3A_13, %dma_wait3A] : memref<10240x128xf32, #tpu.memory_space<vmem_shared>> -> memref<128x128xf32, #tpu.memory_space<vmem_shared>>
      %dma_wait3A_29 = arith.constant 0 : i32
      %dma_wait3A_30 = tpu.memref_slice %arg10[%add3A_13, %dma_wait3A_29] : memref<10240x128xf32, #tpu.memory_space<vmem_shared>> -> memref<128x128xf32, #tpu.memory_space<vmem_shared>>
      tpu.wait_dma2 semaphore(%run_scoped3A : memref<!tpu.dma_semaphore, #tpu.memory_space<semaphore_mem>>) src(%arg8 : memref<128x128xf32, #tpu.memory_space<vmem>>) dst(%dma_wait3A_30 : memref<128x128xf32, #tpu.memory_space<vmem_shared>>)
      tpu.yield
    }) : () -> ()
    %add3A_14 = arith.constant 384 : i32
    %add3A_15 = arith.addi %mul3A_7, %add3A_14 : i32
    "tpu.region"() ({
      %run_scoped3A = tpu.sem_alloc : memref<!tpu.dma_semaphore, #tpu.memory_space<semaphore_mem>>
      %dma_start3A = arith.constant 0 : i32
      %dma_start3A_25 = tpu.memref_slice %arg10[%add3A_15, %dma_start3A] : memref<10240x128xf32, #tpu.memory_space<vmem_shared>> -> memref<128x128xf32, #tpu.memory_space<vmem_shared>>
      %dma_start3A_26 = arith.constant 0 : i32
      %dma_start3A_27 = tpu.memref_slice %arg10[%add3A_15, %dma_start3A_26] : memref<10240x128xf32, #tpu.memory_space<vmem_shared>> -> memref<128x128xf32, #tpu.memory_space<vmem_shared>>
      tpu.enqueue_dma source(%arg8 : memref<128x128xf32, #tpu.memory_space<vmem>>) target(%dma_start3A_27 : memref<128x128xf32, #tpu.memory_space<vmem_shared>>) target_semaphore(%run_scoped3A : memref<!tpu.dma_semaphore, #tpu.memory_space<semaphore_mem>>)
      %dma_wait3A = arith.constant 0 : i32
      %dma_wait3A_28 = tpu.memref_slice %arg10[%add3A_15, %dma_wait3A] : memref<10240x128xf32, #tpu.memory_space<vmem_shared>> -> memref<128x128xf32, #tpu.memory_space<vmem_shared>>
      %dma_wait3A_29 = arith.constant 0 : i32
      %dma_wait3A_30 = tpu.memref_slice %arg10[%add3A_15, %dma_wait3A_29] : memref<10240x128xf32, #tpu.memory_space<vmem_shared>> -> memref<128x128xf32, #tpu.memory_space<vmem_shared>>
      tpu.wait_dma2 semaphore(%run_scoped3A : memref<!tpu.dma_semaphore, #tpu.memory_space<semaphore_mem>>) src(%arg8 : memref<128x128xf32, #tpu.memory_space<vmem>>) dst(%dma_wait3A_30 : memref<128x128xf32, #tpu.memory_space<vmem_shared>>)
      tpu.yield
    }) : () -> ()
    %add3A_16 = arith.constant 512 : i32
    %add3A_17 = arith.addi %mul3A_7, %add3A_16 : i32
    "tpu.region"() ({
      %run_scoped3A = tpu.sem_alloc : memref<!tpu.dma_semaphore, #tpu.memory_space<semaphore_mem>>
      %dma_start3A = arith.constant 0 : i32
      %dma_start3A_25 = tpu.memref_slice %arg10[%add3A_17, %dma_start3A] : memref<10240x128xf32, #tpu.memory_space<vmem_shared>> -> memref<128x128xf32, #tpu.memory_space<vmem_shared>>
      %dma_start3A_26 = arith.constant 0 : i32
      %dma_start3A_27 = tpu.memref_slice %arg10[%add3A_17, %dma_start3A_26] : memref<10240x128xf32, #tpu.memory_space<vmem_shared>> -> memref<128x128xf32, #tpu.memory_space<vmem_shared>>
      tpu.enqueue_dma source(%arg8 : memref<128x128xf32, #tpu.memory_space<vmem>>) target(%dma_start3A_27 : memref<128x128xf32, #tpu.memory_space<vmem_shared>>) target_semaphore(%run_scoped3A : memref<!tpu.dma_semaphore, #tpu.memory_space<semaphore_mem>>)
      %dma_wait3A = arith.constant 0 : i32
      %dma_wait3A_28 = tpu.memref_slice %arg10[%add3A_17, %dma_wait3A] : memref<10240x128xf32, #tpu.memory_space<vmem_shared>> -> memref<128x128xf32, #tpu.memory_space<vmem_shared>>
      %dma_wait3A_29 = arith.constant 0 : i32
      %dma_wait3A_30 = tpu.memref_slice %arg10[%add3A_17, %dma_wait3A_29] : memref<10240x128xf32, #tpu.memory_space<vmem_shared>> -> memref<128x128xf32, #tpu.memory_space<vmem_shared>>
      tpu.wait_dma2 semaphore(%run_scoped3A : memref<!tpu.dma_semaphore, #tpu.memory_space<semaphore_mem>>) src(%arg8 : memref<128x128xf32, #tpu.memory_space<vmem>>) dst(%dma_wait3A_30 : memref<128x128xf32, #tpu.memory_space<vmem_shared>>)
      tpu.yield
    }) : () -> ()
    %barrier3A = arith.constant 0 : index
    tpu.barrier barrier_id(%barrier3A)
    %scan3A_18 = arith.constant 0 : i32
    %scan3A_19 = arith.constant 0 : i32
    %scan3A_20 = arith.constant 2 : i32
    %scan3A_21 = arith.addi %scan3A_19, %scan3A_20 : i32
    %scan3A_22 = arith.constant 1 : i32
    scf.for %scan3A_25 = %scan3A_19 to %scan3A_21 step %scan3A_22  : i32 {
      %mul3A_26 = arith.constant 80 : i32
      %mul3A_27 = arith.muli %add3A, %mul3A_26 : i32
      %mul3A_28 = arith.constant 40 : i32
      %mul3A_29 = arith.muli %scan3A_25, %mul3A_28 : i32
      %add3A_30 = arith.addi %mul3A_27, %mul3A_29 : i32
      %multiple_of3A = tpu.assume_multiple %add3A_30, 8 : i32
      "tpu.region"() ({
        %run_scoped3A = tpu.sem_alloc : memref<!tpu.dma_semaphore, #tpu.memory_space<semaphore_mem>>
        %dma_start3A_43 = arith.constant 0 : i32
        %dma_start3A_44 = tpu.memref_slice %arg2[%multiple_of3A, %dma_start3A_43] : memref<2560x128xi32, #tpu.memory_space<hbm>> -> memref<40x128xi32, #tpu.memory_space<hbm>>
        %dma_start3A_45 = arith.constant 0 : i32
        %dma_start3A_46 = tpu.memref_slice %arg2[%multiple_of3A, %dma_start3A_45] : memref<2560x128xi32, #tpu.memory_space<hbm>> -> memref<40x128xi32, #tpu.memory_space<hbm>>
        tpu.enqueue_dma source(%dma_start3A_46 : memref<40x128xi32, #tpu.memory_space<hbm>>) target(%arg6 : memref<40x128xi32, #tpu.memory_space<vmem>>) target_semaphore(%run_scoped3A : memref<!tpu.dma_semaphore, #tpu.memory_space<semaphore_mem>>)
        %dma_wait3A = arith.constant 0 : i32
        %dma_wait3A_47 = tpu.memref_slice %arg2[%multiple_of3A, %dma_wait3A] : memref<2560x128xi32, #tpu.memory_space<hbm>> -> memref<40x128xi32, #tpu.memory_space<hbm>>
        %dma_wait3A_48 = arith.constant 0 : i32
        %dma_wait3A_49 = tpu.memref_slice %arg2[%multiple_of3A, %dma_wait3A_48] : memref<2560x128xi32, #tpu.memory_space<hbm>> -> memref<40x128xi32, #tpu.memory_space<hbm>>
        tpu.wait_dma2 semaphore(%run_scoped3A : memref<!tpu.dma_semaphore, #tpu.memory_space<semaphore_mem>>) src(%dma_wait3A_49 : memref<40x128xi32, #tpu.memory_space<hbm>>) dst(%arg6 : memref<40x128xi32, #tpu.memory_space<vmem>>)
        tpu.yield
      }) : () -> ()
      "tpu.region"() ({
        %run_scoped3A = tpu.sem_alloc : memref<!tpu.dma_semaphore, #tpu.memory_space<semaphore_mem>>
        %dma_start3A_43 = arith.constant 0 : i32
        %dma_start3A_44 = tpu.memref_slice %arg3[%multiple_of3A, %dma_start3A_43] : memref<2560x128xi32, #tpu.memory_space<hbm>> -> memref<40x128xi32, #tpu.memory_space<hbm>>
        %dma_start3A_45 = arith.constant 0 : i32
        %dma_start3A_46 = tpu.memref_slice %arg3[%multiple_of3A, %dma_start3A_45] : memref<2560x128xi32, #tpu.memory_space<hbm>> -> memref<40x128xi32, #tpu.memory_space<hbm>>
        tpu.enqueue_dma source(%dma_start3A_46 : memref<40x128xi32, #tpu.memory_space<hbm>>) target(%arg7 : memref<40x128xi32, #tpu.memory_space<vmem>>) target_semaphore(%run_scoped3A : memref<!tpu.dma_semaphore, #tpu.memory_space<semaphore_mem>>)
        %dma_wait3A = arith.constant 0 : i32
        %dma_wait3A_47 = tpu.memref_slice %arg3[%multiple_of3A, %dma_wait3A] : memref<2560x128xi32, #tpu.memory_space<hbm>> -> memref<40x128xi32, #tpu.memory_space<hbm>>
        %dma_wait3A_48 = arith.constant 0 : i32
        %dma_wait3A_49 = tpu.memref_slice %arg3[%multiple_of3A, %dma_wait3A_48] : memref<2560x128xi32, #tpu.memory_space<hbm>> -> memref<40x128xi32, #tpu.memory_space<hbm>>
        tpu.wait_dma2 semaphore(%run_scoped3A : memref<!tpu.dma_semaphore, #tpu.memory_space<semaphore_mem>>) src(%dma_wait3A_49 : memref<40x128xi32, #tpu.memory_space<hbm>>) dst(%arg7 : memref<40x128xi32, #tpu.memory_space<vmem>>)
        tpu.yield
      }) : () -> ()
      %dma_start3A = arith.constant 0 : i32
      %dma_start3A_31 = arith.constant 0 : i32
      %dma_start3A_32 = tpu.memref_slice %arg6[%dma_start3A, %dma_start3A_31] : memref<40x128xi32, #tpu.memory_space<vmem>> -> memref<1x128xi32, #tpu.memory_space<vmem>>
      %dma_start3A_33 = tpu.memref_squeeze %dma_start3A_32 : memref<1x128xi32, #tpu.memory_space<vmem>> -> memref<128xi32, #tpu.memory_space<vmem>>
      %dma_start3A_34 = arith.constant 0 : i32
      %dma_start3A_35 = arith.constant 0 : i32
      %dma_start3A_36 = tpu.memref_slice %arg4[%dma_start3A_34, %dma_start3A_35] : memref<160000x128xf32, #tpu.memory_space<hbm>> -> memref<160000x128xf32, #tpu.memory_space<hbm>>
      tpu.enqueue_indirect_dma source(%dma_start3A_36 : memref<160000x128xf32, #tpu.memory_space<hbm>>) target(%arg8 : memref<128x128xf32, #tpu.memory_space<vmem>>) offsets(%dma_start3A_33 : memref<128xi32, #tpu.memory_space<vmem>>) semaphore(%arg11 : memref<!tpu.dma_semaphore, #tpu.memory_space<semaphore_mem>>)
      %scan3A_37 = arith.constant 0 : i32
      %scan3A_38 = arith.constant 0 : i32
      %scan3A_39 = arith.constant 20 : i32
      %scan3A_40 = arith.addi %scan3A_38, %scan3A_39 : i32
      %scan3A_41 = arith.constant 1 : i32
      scf.for %scan3A_43 = %scan3A_38 to %scan3A_40 step %scan3A_41  : i32 {
        %mul3A_44 = arith.constant 2 : i32
        %mul3A_45 = arith.muli %mul3A_44, %scan3A_43 : i32
        %add3A_46 = arith.constant 1 : i32
        %add3A_47 = arith.addi %mul3A_45, %add3A_46 : i32
        %dma_start3A_48 = arith.constant 0 : i32
        %dma_start3A_49 = tpu.memref_slice %arg6[%add3A_47, %dma_start3A_48] : memref<40x128xi32, #tpu.memory_space<vmem>> -> memref<1x128xi32, #tpu.memory_space<vmem>>
        %dma_start3A_50 = tpu.memref_squeeze %dma_start3A_49 : memref<1x128xi32, #tpu.memory_space<vmem>> -> memref<128xi32, #tpu.memory_space<vmem>>
        %dma_start3A_51 = arith.constant 0 : i32
        %dma_start3A_52 = arith.constant 0 : i32
        %dma_start3A_53 = tpu.memref_slice %arg4[%dma_start3A_51, %dma_start3A_52] : memref<160000x128xf32, #tpu.memory_space<hbm>> -> memref<160000x128xf32, #tpu.memory_space<hbm>>
        tpu.enqueue_indirect_dma source(%dma_start3A_53 : memref<160000x128xf32, #tpu.memory_space<hbm>>) target(%arg9 : memref<128x128xf32, #tpu.memory_space<vmem>>) offsets(%dma_start3A_50 : memref<128xi32, #tpu.memory_space<vmem>>) semaphore(%arg12 : memref<!tpu.dma_semaphore, #tpu.memory_space<semaphore_mem>>)
        %dma_wait3A = arith.constant 0 : i32
        %dma_wait3A_54 = tpu.memref_slice %arg6[%mul3A_45, %dma_wait3A] : memref<40x128xi32, #tpu.memory_space<vmem>> -> memref<1x128xi32, #tpu.memory_space<vmem>>
        %dma_wait3A_55 = tpu.memref_squeeze %dma_wait3A_54 : memref<1x128xi32, #tpu.memory_space<vmem>> -> memref<128xi32, #tpu.memory_space<vmem>>
        %dma_wait3A_56 = arith.constant 0 : i32
        %dma_wait3A_57 = arith.constant 0 : i32
        %dma_wait3A_58 = tpu.memref_slice %arg4[%dma_wait3A_56, %dma_wait3A_57] : memref<160000x128xf32, #tpu.memory_space<hbm>> -> memref<160000x128xf32, #tpu.memory_space<hbm>>
        tpu.wait_indirect_dma semaphore(%arg11 : memref<!tpu.dma_semaphore, #tpu.memory_space<semaphore_mem>>) src(%dma_wait3A_58 : memref<160000x128xf32, #tpu.memory_space<hbm>>) dst(%arg8 : memref<128x128xf32, #tpu.memory_space<vmem>>)
        "tpu.region"() ({
          %run_scoped3A = tpu.sem_alloc : memref<!tpu.dma_semaphore, #tpu.memory_space<semaphore_mem>>
          %dma_start3A_71 = arith.constant 0 : i32
          %dma_start3A_72 = tpu.memref_slice %arg7[%mul3A_45, %dma_start3A_71] : memref<40x128xi32, #tpu.memory_space<vmem>> -> memref<1x128xi32, #tpu.memory_space<vmem>>
          %dma_start3A_73 = tpu.memref_squeeze %dma_start3A_72 : memref<1x128xi32, #tpu.memory_space<vmem>> -> memref<128xi32, #tpu.memory_space<vmem>>
          %dma_start3A_74 = arith.constant 0 : i32
          %dma_start3A_75 = arith.constant 0 : i32
          %dma_start3A_76 = tpu.memref_slice %arg10[%dma_start3A_74, %dma_start3A_75] : memref<10240x128xf32, #tpu.memory_space<vmem_shared>> -> memref<10240x128xf32, #tpu.memory_space<vmem_shared>>
          tpu.enqueue_indirect_dma source(%arg8 : memref<128x128xf32, #tpu.memory_space<vmem>>) target(%dma_start3A_76 : memref<10240x128xf32, #tpu.memory_space<vmem_shared>>) offsets(%dma_start3A_73 : memref<128xi32, #tpu.memory_space<vmem>>) semaphore(%run_scoped3A : memref<!tpu.dma_semaphore, #tpu.memory_space<semaphore_mem>>) {add = true}
          %dma_wait3A_77 = arith.constant 0 : i32
          %dma_wait3A_78 = tpu.memref_slice %arg7[%mul3A_45, %dma_wait3A_77] : memref<40x128xi32, #tpu.memory_space<vmem>> -> memref<1x128xi32, #tpu.memory_space<vmem>>
          %dma_wait3A_79 = tpu.memref_squeeze %dma_wait3A_78 : memref<1x128xi32, #tpu.memory_space<vmem>> -> memref<128xi32, #tpu.memory_space<vmem>>
          %dma_wait3A_80 = arith.constant 0 : i32
          %dma_wait3A_81 = arith.constant 0 : i32
          %dma_wait3A_82 = tpu.memref_slice %arg10[%dma_wait3A_80, %dma_wait3A_81] : memref<10240x128xf32, #tpu.memory_space<vmem_shared>> -> memref<10240x128xf32, #tpu.memory_space<vmem_shared>>
          tpu.wait_indirect_dma semaphore(%run_scoped3A : memref<!tpu.dma_semaphore, #tpu.memory_space<semaphore_mem>>) src(%arg8 : memref<128x128xf32, #tpu.memory_space<vmem>>) dst(%dma_wait3A_82 : memref<10240x128xf32, #tpu.memory_space<vmem_shared>>)
          tpu.yield
        }) : () -> ()
        %lt3A = arith.constant 19 : i32
        %lt3A_59 = arith.cmpi slt, %scan3A_43, %lt3A : i32
        %convert_element_type3A = arith.extui %lt3A_59 : i1 to i32
        %cond3A = arith.constant 0 : i32
        %cond3A_60 = arith.cmpi ne, %convert_element_type3A, %cond3A : i32
        scf.if %cond3A_60 {
          %add3A_71 = arith.constant 2 : i32
          %add3A_72 = arith.addi %mul3A_45, %add3A_71 : i32
          %dma_start3A_73 = arith.constant 0 : i32
          %dma_start3A_74 = tpu.memref_slice %arg6[%add3A_72, %dma_start3A_73] : memref<40x128xi32, #tpu.memory_space<vmem>> -> memref<1x128xi32, #tpu.memory_space<vmem>>
          %dma_start3A_75 = tpu.memref_squeeze %dma_start3A_74 : memref<1x128xi32, #tpu.memory_space<vmem>> -> memref<128xi32, #tpu.memory_space<vmem>>
          %dma_start3A_76 = arith.constant 0 : i32
          %dma_start3A_77 = arith.constant 0 : i32
          %dma_start3A_78 = tpu.memref_slice %arg4[%dma_start3A_76, %dma_start3A_77] : memref<160000x128xf32, #tpu.memory_space<hbm>> -> memref<160000x128xf32, #tpu.memory_space<hbm>>
          tpu.enqueue_indirect_dma source(%dma_start3A_78 : memref<160000x128xf32, #tpu.memory_space<hbm>>) target(%arg8 : memref<128x128xf32, #tpu.memory_space<vmem>>) offsets(%dma_start3A_75 : memref<128xi32, #tpu.memory_space<vmem>>) semaphore(%arg11 : memref<!tpu.dma_semaphore, #tpu.memory_space<semaphore_mem>>)
        } else {
        }
        %add3A_61 = arith.constant 1 : i32
        %add3A_62 = arith.addi %mul3A_45, %add3A_61 : i32
        %dma_wait3A_63 = arith.constant 0 : i32
        %dma_wait3A_64 = tpu.memref_slice %arg6[%add3A_62, %dma_wait3A_63] : memref<40x128xi32, #tpu.memory_space<vmem>> -> memref<1x128xi32, #tpu.memory_space<vmem>>
        %dma_wait3A_65 = tpu.memref_squeeze %dma_wait3A_64 : memref<1x128xi32, #tpu.memory_space<vmem>> -> memref<128xi32, #tpu.memory_space<vmem>>
        %dma_wait3A_66 = arith.constant 0 : i32
        %dma_wait3A_67 = arith.constant 0 : i32
        %dma_wait3A_68 = tpu.memref_slice %arg4[%dma_wait3A_66, %dma_wait3A_67] : memref<160000x128xf32, #tpu.memory_space<hbm>> -> memref<160000x128xf32, #tpu.memory_space<hbm>>
        tpu.wait_indirect_dma semaphore(%arg12 : memref<!tpu.dma_semaphore, #tpu.memory_space<semaphore_mem>>) src(%dma_wait3A_68 : memref<160000x128xf32, #tpu.memory_space<hbm>>) dst(%arg9 : memref<128x128xf32, #tpu.memory_space<vmem>>)
        %add3A_69 = arith.constant 1 : i32
        %add3A_70 = arith.addi %mul3A_45, %add3A_69 : i32
        "tpu.region"() ({
          %run_scoped3A = tpu.sem_alloc : memref<!tpu.dma_semaphore, #tpu.memory_space<semaphore_mem>>
          %dma_start3A_71 = arith.constant 0 : i32
          %dma_start3A_72 = tpu.memref_slice %arg7[%add3A_70, %dma_start3A_71] : memref<40x128xi32, #tpu.memory_space<vmem>> -> memref<1x128xi32, #tpu.memory_space<vmem>>
          %dma_start3A_73 = tpu.memref_squeeze %dma_start3A_72 : memref<1x128xi32, #tpu.memory_space<vmem>> -> memref<128xi32, #tpu.memory_space<vmem>>
          %dma_start3A_74 = arith.constant 0 : i32
          %dma_start3A_75 = arith.constant 0 : i32
          %dma_start3A_76 = tpu.memref_slice %arg10[%dma_start3A_74, %dma_start3A_75] : memref<10240x128xf32, #tpu.memory_space<vmem_shared>> -> memref<10240x128xf32, #tpu.memory_space<vmem_shared>>
          tpu.enqueue_indirect_dma source(%arg9 : memref<128x128xf32, #tpu.memory_space<vmem>>) target(%dma_start3A_76 : memref<10240x128xf32, #tpu.memory_space<vmem_shared>>) offsets(%dma_start3A_73 : memref<128xi32, #tpu.memory_space<vmem>>) semaphore(%run_scoped3A : memref<!tpu.dma_semaphore, #tpu.memory_space<semaphore_mem>>) {add = true}
          %dma_wait3A_77 = arith.constant 0 : i32
          %dma_wait3A_78 = tpu.memref_slice %arg7[%add3A_70, %dma_wait3A_77] : memref<40x128xi32, #tpu.memory_space<vmem>> -> memref<1x128xi32, #tpu.memory_space<vmem>>
          %dma_wait3A_79 = tpu.memref_squeeze %dma_wait3A_78 : memref<1x128xi32, #tpu.memory_space<vmem>> -> memref<128xi32, #tpu.memory_space<vmem>>
          %dma_wait3A_80 = arith.constant 0 : i32
          %dma_wait3A_81 = arith.constant 0 : i32
          %dma_wait3A_82 = tpu.memref_slice %arg10[%dma_wait3A_80, %dma_wait3A_81] : memref<10240x128xf32, #tpu.memory_space<vmem_shared>> -> memref<10240x128xf32, #tpu.memory_space<vmem_shared>>
          tpu.wait_indirect_dma semaphore(%run_scoped3A : memref<!tpu.dma_semaphore, #tpu.memory_space<semaphore_mem>>) src(%arg9 : memref<128x128xf32, #tpu.memory_space<vmem>>) dst(%dma_wait3A_82 : memref<10240x128xf32, #tpu.memory_space<vmem_shared>>)
          tpu.yield
        }) : () -> ()
      }
      %scan3A_42 = arith.constant 20 : i32
    }
    %scan3A_23 = arith.constant 2 : i32
    %barrier3A_24 = arith.constant 0 : index
    tpu.barrier barrier_id(%barrier3A_24)
    "tpu.region"() ({
      %run_scoped3A = tpu.sem_alloc : memref<!tpu.dma_semaphore, #tpu.memory_space<semaphore_mem>>
      %dma_start3A = arith.constant 0 : i32
      %dma_start3A_25 = tpu.memref_slice %arg5[%arg0, %mul3A_7, %dma_start3A] : memref<2x10240x128xf32, #tpu.memory_space<hbm>> -> memref<1x640x128xf32, #tpu.memory_space<hbm>>
      %dma_start3A_26 = tpu.memref_squeeze %dma_start3A_25 : memref<1x640x128xf32, #tpu.memory_space<hbm>> -> memref<640x128xf32, #tpu.memory_space<hbm>>
      %dma_start3A_27 = arith.constant 0 : i32
      %dma_start3A_28 = tpu.memref_slice %arg10[%mul3A_7, %dma_start3A_27] : memref<10240x128xf32, #tpu.memory_space<vmem_shared>> -> memref<640x128xf32, #tpu.memory_space<vmem_shared>>
      tpu.enqueue_dma source(%dma_start3A_28 : memref<640x128xf32, #tpu.memory_space<vmem_shared>>) target(%dma_start3A_26 : memref<640x128xf32, #tpu.memory_space<hbm>>) target_semaphore(%run_scoped3A : memref<!tpu.dma_semaphore, #tpu.memory_space<semaphore_mem>>)
      %dma_wait3A = arith.constant 0 : i32
      %dma_wait3A_29 = tpu.memref_slice %arg5[%arg0, %mul3A_7, %dma_wait3A] : memref<2x10240x128xf32, #tpu.memory_space<hbm>> -> memref<1x640x128xf32, #tpu.memory_space<hbm>>
      %dma_wait3A_30 = tpu.memref_squeeze %dma_wait3A_29 : memref<1x640x128xf32, #tpu.memory_space<hbm>> -> memref<640x128xf32, #tpu.memory_space<hbm>>
      %dma_wait3A_31 = arith.constant 0 : i32
      %dma_wait3A_32 = tpu.memref_slice %arg10[%mul3A_7, %dma_wait3A_31] : memref<10240x128xf32, #tpu.memory_space<vmem_shared>> -> memref<640x128xf32, #tpu.memory_space<vmem_shared>>
      tpu.wait_dma2 semaphore(%run_scoped3A : memref<!tpu.dma_semaphore, #tpu.memory_space<semaphore_mem>>) src(%dma_wait3A_32 : memref<640x128xf32, #tpu.memory_space<vmem_shared>>) dst(%dma_wait3A_30 : memref<640x128xf32, #tpu.memory_space<hbm>>)
      tpu.yield
    }) : () -> ()
    return
  }
}

module attributes {stable_mosaic.version = 14 : i64} {
  func.func @_gidx_body(%arg0: i32, %arg1: memref<640x128xi32, #tpu.memory_space<vmem>>, %arg2: memref<640x128xi32, #tpu.memory_space<vmem>>, %arg3: memref<640x128xi32, #tpu.memory_space<vmem>>) attributes {dimension_semantics = [#tpu.dimension_semantics<arbitrary>], iteration_bounds = array<i64: 4>, scalar_prefetch = 0 : i64, scratch_operands = 0 : i64, tpu.core_type = #tpu.core_type<tc>, window_params = [{transform_indices = @transform_0, window_bounds = array<i64: 640, 128>}, {transform_indices = @transform_1, window_bounds = array<i64: 640, 128>}, {transform_indices = @transform_2, window_bounds = array<i64: 640, 128>}]} {
    %get3A = arith.constant 0 : index
    %get3A_0 = arith.constant 0 : index
    %get3A_1 = vector.load %arg2[%get3A, %get3A_0] : memref<640x128xi32, #tpu.memory_space<vmem>>, vector<640x128xi32>
    %mul3A = arith.constant 10000 : i32
    %mul3A_2 = vector.broadcast %mul3A : i32 to vector<640x128xi32>
    %mul3A_3 = arith.muli %get3A_1, %mul3A_2 : vector<640x128xi32>
    %get3A_4 = arith.constant 0 : index
    %get3A_5 = arith.constant 0 : index
    %get3A_6 = vector.load %arg1[%get3A_4, %get3A_5] : memref<640x128xi32, #tpu.memory_space<vmem>>, vector<640x128xi32>
    %add3A = arith.addi %mul3A_3, %get3A_6 : vector<640x128xi32>
    %swap3A = arith.constant 0 : index
    %swap3A_7 = arith.constant 0 : index
    %swap3A_8 = vector.load %arg3[%swap3A, %swap3A_7] : memref<640x128xi32, #tpu.memory_space<vmem>>, vector<640x128xi32>
    tpu.vector_store %arg3[%swap3A, %swap3A_7], %add3A {strides = array<i32>} : memref<640x128xi32, #tpu.memory_space<vmem>>, vector<640x128xi32>,
    return
  }
  func.func @transform_0(%arg0: i32) -> (i32, i32) {
    %c0_i32 = arith.constant 0 : i32
    %c0_i32_0 = arith.constant 0 : i32
    return %arg0, %c0_i32 : i32, i32
  }
  func.func @transform_1(%arg0: i32) -> (i32, i32) {
    %c0_i32 = arith.constant 0 : i32
    %c0_i32_0 = arith.constant 0 : i32
    return %arg0, %c0_i32 : i32, i32
  }
  func.func @transform_2(%arg0: i32) -> (i32, i32) {
    %c0_i32 = arith.constant 0 : i32
    %c0_i32_0 = arith.constant 0 : i32
    return %arg0, %c0_i32 : i32, i32
  }
}

module attributes {stable_mosaic.version = 14 : i64} {
  func.func @_hr_body(%arg0: i32, %arg1: i32, %arg2: memref<16x8xf32, #tpu.memory_space<smem>>, %arg3: memref<8x128x128xf32, #tpu.memory_space<vmem>>, %arg4: memref<5000x128xf32, #tpu.memory_space<vmem>>, %arg5: memref<5000x128xf32, #tpu.memory_space<vmem>>, %arg6: memref<5000x128xbf16, #tpu.memory_space<vmem>>) attributes {dimension_semantics = [#tpu.dimension_semantics<arbitrary>, #tpu.dimension_semantics<arbitrary>], iteration_bounds = array<i64: 2, 16>, scalar_prefetch = 0 : i64, scratch_operands = 1 : i64, tpu.core_type = #tpu.core_type<tc>, window_params = [{transform_indices = @transform_0, window_bounds = array<i64: 16, 8>}, {pipeline_mode = #tpu.pipeline_mode<synchronous>, transform_indices = @transform_1, window_bounds = array<i64: 8, 128, 128>}, {transform_indices = @transform_2, window_bounds = array<i64: 5000, 128>}, {transform_indices = @transform_3, window_bounds = array<i64: 5000, 128>}]} {
    %eq3A = arith.constant 0 : i32
    %eq3A_0 = arith.cmpi eq, %arg1, %eq3A : i32
    %convert_element_type3A = arith.extui %eq3A_0 : i1 to i32
    %cond3A = arith.constant 0 : i32
    %cond3A_1 = arith.cmpi ne, %convert_element_type3A, %cond3A : i32
    scf.if %cond3A_1 {
      %get3A_93 = arith.constant 0 : index
      %get3A_94 = arith.constant 0 : index
      %get3A_95 = vector.load %arg4[%get3A_93, %get3A_94] : memref<5000x128xf32, #tpu.memory_space<vmem>>, vector<5000x128xf32>
      %convert_element_type3A_96 = arith.truncf %get3A_95 : vector<5000x128xf32> to vector<5000x128xbf16>
      %swap3A_97 = arith.constant 0 : index
      %swap3A_98 = arith.constant 0 : index
      %swap3A_99 = vector.load %arg6[%swap3A_97, %swap3A_98] : memref<5000x128xbf16, #tpu.memory_space<vmem>>, vector<5000x128xbf16>
      tpu.vector_store %arg6[%swap3A_97, %swap3A_98], %convert_element_type3A_96 {strides = array<i32>} : memref<5000x128xbf16, #tpu.memory_space<vmem>>, vector<5000x128xbf16>,
    } else {
    }
    %get3A = arith.index_cast %arg1 : i32 to index
    %get3A_2 = arith.constant 0 : index
    %get3A_3 = memref.load %arg2[%get3A, %get3A_2] : memref<16x8xf32, #tpu.memory_space<smem>>
    %get3A_4 = arith.constant 0 : index
    %get3A_5 = arith.constant 0 : index
    %get3A_6 = arith.constant 0 : index
    %get3A_7 = vector.load %arg3[%get3A_4, %get3A_5, %get3A_6] : memref<8x128x128xf32, #tpu.memory_space<vmem>>, vector<1x128x128xf32>
    %get3A_8 = vector.shape_cast %get3A_7 : vector<1x128x128xf32> to vector<128x128xf32>
    %mul3A = vector.broadcast %get3A_3 : f32 to vector<128x128xf32>
    %mul3A_9 = arith.mulf %mul3A, %get3A_8 : vector<128x128xf32>
    %get3A_10 = arith.index_cast %arg1 : i32 to index
    %get3A_11 = arith.constant 1 : index
    %get3A_12 = memref.load %arg2[%get3A_10, %get3A_11] : memref<16x8xf32, #tpu.memory_space<smem>>
    %get3A_13 = arith.constant 1 : index
    %get3A_14 = arith.constant 0 : index
    %get3A_15 = arith.constant 0 : index
    %get3A_16 = vector.load %arg3[%get3A_13, %get3A_14, %get3A_15] : memref<8x128x128xf32, #tpu.memory_space<vmem>>, vector<1x128x128xf32>
    %get3A_17 = vector.shape_cast %get3A_16 : vector<1x128x128xf32> to vector<128x128xf32>
    %mul3A_18 = vector.broadcast %get3A_12 : f32 to vector<128x128xf32>
    %mul3A_19 = arith.mulf %mul3A_18, %get3A_17 : vector<128x128xf32>
    %add3A = arith.addf %mul3A_9, %mul3A_19 : vector<128x128xf32>
    %get3A_20 = arith.index_cast %arg1 : i32 to index
    %get3A_21 = arith.constant 2 : index
    %get3A_22 = memref.load %arg2[%get3A_20, %get3A_21] : memref<16x8xf32, #tpu.memory_space<smem>>
    %get3A_23 = arith.constant 2 : index
    %get3A_24 = arith.constant 0 : index
    %get3A_25 = arith.constant 0 : index
    %get3A_26 = vector.load %arg3[%get3A_23, %get3A_24, %get3A_25] : memref<8x128x128xf32, #tpu.memory_space<vmem>>, vector<1x128x128xf32>
    %get3A_27 = vector.shape_cast %get3A_26 : vector<1x128x128xf32> to vector<128x128xf32>
    %mul3A_28 = vector.broadcast %get3A_22 : f32 to vector<128x128xf32>
    %mul3A_29 = arith.mulf %mul3A_28, %get3A_27 : vector<128x128xf32>
    %add3A_30 = arith.addf %add3A, %mul3A_29 : vector<128x128xf32>
    %get3A_31 = arith.index_cast %arg1 : i32 to index
    %get3A_32 = arith.constant 3 : index
    %get3A_33 = memref.load %arg2[%get3A_31, %get3A_32] : memref<16x8xf32, #tpu.memory_space<smem>>
    %get3A_34 = arith.constant 3 : index
    %get3A_35 = arith.constant 0 : index
    %get3A_36 = arith.constant 0 : index
    %get3A_37 = vector.load %arg3[%get3A_34, %get3A_35, %get3A_36] : memref<8x128x128xf32, #tpu.memory_space<vmem>>, vector<1x128x128xf32>
    %get3A_38 = vector.shape_cast %get3A_37 : vector<1x128x128xf32> to vector<128x128xf32>
    %mul3A_39 = vector.broadcast %get3A_33 : f32 to vector<128x128xf32>
    %mul3A_40 = arith.mulf %mul3A_39, %get3A_38 : vector<128x128xf32>
    %add3A_41 = arith.addf %add3A_30, %mul3A_40 : vector<128x128xf32>
    %get3A_42 = arith.index_cast %arg1 : i32 to index
    %get3A_43 = arith.constant 4 : index
    %get3A_44 = memref.load %arg2[%get3A_42, %get3A_43] : memref<16x8xf32, #tpu.memory_space<smem>>
    %get3A_45 = arith.constant 4 : index
    %get3A_46 = arith.constant 0 : index
    %get3A_47 = arith.constant 0 : index
    %get3A_48 = vector.load %arg3[%get3A_45, %get3A_46, %get3A_47] : memref<8x128x128xf32, #tpu.memory_space<vmem>>, vector<1x128x128xf32>
    %get3A_49 = vector.shape_cast %get3A_48 : vector<1x128x128xf32> to vector<128x128xf32>
    %mul3A_50 = vector.broadcast %get3A_44 : f32 to vector<128x128xf32>
    %mul3A_51 = arith.mulf %mul3A_50, %get3A_49 : vector<128x128xf32>
    %add3A_52 = arith.addf %add3A_41, %mul3A_51 : vector<128x128xf32>
    %get3A_53 = arith.index_cast %arg1 : i32 to index
    %get3A_54 = arith.constant 5 : index
    %get3A_55 = memref.load %arg2[%get3A_53, %get3A_54] : memref<16x8xf32, #tpu.memory_space<smem>>
    %get3A_56 = arith.constant 5 : index
    %get3A_57 = arith.constant 0 : index
    %get3A_58 = arith.constant 0 : index
    %get3A_59 = vector.load %arg3[%get3A_56, %get3A_57, %get3A_58] : memref<8x128x128xf32, #tpu.memory_space<vmem>>, vector<1x128x128xf32>
    %get3A_60 = vector.shape_cast %get3A_59 : vector<1x128x128xf32> to vector<128x128xf32>
    %mul3A_61 = vector.broadcast %get3A_55 : f32 to vector<128x128xf32>
    %mul3A_62 = arith.mulf %mul3A_61, %get3A_60 : vector<128x128xf32>
    %add3A_63 = arith.addf %add3A_52, %mul3A_62 : vector<128x128xf32>
    %get3A_64 = arith.index_cast %arg1 : i32 to index
    %get3A_65 = arith.constant 6 : index
    %get3A_66 = memref.load %arg2[%get3A_64, %get3A_65] : memref<16x8xf32, #tpu.memory_space<smem>>
    %get3A_67 = arith.constant 6 : index
    %get3A_68 = arith.constant 0 : index
    %get3A_69 = arith.constant 0 : index
    %get3A_70 = vector.load %arg3[%get3A_67, %get3A_68, %get3A_69] : memref<8x128x128xf32, #tpu.memory_space<vmem>>, vector<1x128x128xf32>
    %get3A_71 = vector.shape_cast %get3A_70 : vector<1x128x128xf32> to vector<128x128xf32>
    %mul3A_72 = vector.broadcast %get3A_66 : f32 to vector<128x128xf32>
    %mul3A_73 = arith.mulf %mul3A_72, %get3A_71 : vector<128x128xf32>
    %add3A_74 = arith.addf %add3A_63, %mul3A_73 : vector<128x128xf32>
    %get3A_75 = arith.index_cast %arg1 : i32 to index
    %get3A_76 = arith.constant 7 : index
    %get3A_77 = memref.load %arg2[%get3A_75, %get3A_76] : memref<16x8xf32, #tpu.memory_space<smem>>
    %get3A_78 = arith.constant 7 : index
    %get3A_79 = arith.constant 0 : index
    %get3A_80 = arith.constant 0 : index
    %get3A_81 = vector.load %arg3[%get3A_78, %get3A_79, %get3A_80] : memref<8x128x128xf32, #tpu.memory_space<vmem>>, vector<1x128x128xf32>
    %get3A_82 = vector.shape_cast %get3A_81 : vector<1x128x128xf32> to vector<128x128xf32>
    %mul3A_83 = vector.broadcast %get3A_77 : f32 to vector<128x128xf32>
    %mul3A_84 = arith.mulf %mul3A_83, %get3A_82 : vector<128x128xf32>
    %add3A_85 = arith.addf %add3A_74, %mul3A_84 : vector<128x128xf32>
    %get3A_86 = arith.constant 0 : index
    %get3A_87 = arith.constant 0 : index
    %get3A_88 = vector.load %arg6[%get3A_86, %get3A_87] : memref<5000x128xbf16, #tpu.memory_space<vmem>>, vector<5000x128xbf16>
    %convert_element_type3A_89 = arith.truncf %add3A_85 : vector<128x128xf32> to vector<128x128xbf16>
    %dot_general3A = arith.constant dense<0.000000e+00> : vector<5000x128xf32>
    %dot_general3A_90 = tpu.matmul %get3A_88, %convert_element_type3A_89, %dot_general3A {dimension_numbers = #tpu.dot_dimension_numbers<[1], [0], [0], [1], [0, 0, 1, 1], [], []>, transpose_lhs_hint = false} : vector<5000x128xbf16>, vector<128x128xbf16>, vector<5000x128xf32> -> vector<5000x128xf32>
    %swap3A = arith.constant 0 : index
    %swap3A_91 = arith.constant 0 : index
    %swap3A_92 = vector.load %arg5[%swap3A, %swap3A_91] : memref<5000x128xf32, #tpu.memory_space<vmem>>, vector<5000x128xf32>
    tpu.vector_store %arg5[%swap3A, %swap3A_91], %dot_general3A_90 {strides = array<i32>} : memref<5000x128xf32, #tpu.memory_space<vmem>>, vector<5000x128xf32>,
    return
  }
  func.func @transform_0(%arg0: i32, %arg1: i32) -> (i32, i32) {
    %c0_i32 = arith.constant 0 : i32
    %c0_i32_0 = arith.constant 0 : i32
    %c0_i32_1 = arith.constant 0 : i32
    return %c0_i32, %c0_i32_0 : i32, i32
  }
  func.func @transform_1(%arg0: i32, %arg1: i32) -> (i32, i32, i32) {
    %c0_i32 = arith.constant 0 : i32
    %c0_i32_0 = arith.constant 0 : i32
    %c0_i32_1 = arith.constant 0 : i32
    %c0_i32_2 = arith.constant 0 : i32
    return %c0_i32, %c0_i32_0, %c0_i32_1 : i32, i32, i32
  }
  func.func @transform_2(%arg0: i32, %arg1: i32) -> (i32, i32) {
    %c0_i32 = arith.constant 0 : i32
    %c0_i32_0 = arith.constant 0 : i32
    return %arg0, %c0_i32 : i32, i32
  }
  func.func @transform_3(%arg0: i32, %arg1: i32) -> (i32, i32) {
    %mul3A = arith.constant 2 : i32
    %mul3A_0 = arith.muli %arg1, %mul3A : i32
    %add3A = arith.addi %mul3A_0, %arg0 : i32
    %c0_i32 = arith.constant 0 : i32
    %c0_i32_1 = arith.constant 0 : i32
    return %add3A, %c0_i32 : i32, i32
  }
}

module attributes {stable_mosaic.version = 14 : i64} {
  func.func @_upd_hr_body(%arg0: i32, %arg1: i32, %arg2: memref<16x8xf32, #tpu.memory_space<smem>>, %arg3: memref<8x128x128xf32, #tpu.memory_space<vmem>>, %arg4: memref<2x5000x1xf32, #tpu.memory_space<vmem>>, %arg5: memref<2x5000x128xf32, #tpu.memory_space<vmem>>, %arg6: memref<5000x128xf32, #tpu.memory_space<vmem>>, %arg7: memref<128x128xf32, #tpu.memory_space<vmem>>, %arg8: memref<128x128xf32, #tpu.memory_space<vmem>>, %arg9: memref<5000x128xf32, #tpu.memory_space<vmem>>, %arg10: memref<5000x128xf32, #tpu.memory_space<vmem>>, %arg11: memref<5000x128xf32, #tpu.memory_space<vmem>>, %arg12: memref<5000x128xbf16, #tpu.memory_space<vmem>>) attributes {dimension_semantics = [#tpu.dimension_semantics<arbitrary>, #tpu.dimension_semantics<arbitrary>], iteration_bounds = array<i64: 2, 16>, scalar_prefetch = 0 : i64, scratch_operands = 1 : i64, tpu.core_type = #tpu.core_type<tc>, window_params = [{transform_indices = @transform_0, window_bounds = array<i64: 16, 8>}, {pipeline_mode = #tpu.pipeline_mode<synchronous>, transform_indices = @transform_1, window_bounds = array<i64: 8, 128, 128>}, {transform_indices = @transform_2, window_bounds = array<i64: 2, 5000, 1>}, {transform_indices = @transform_3, window_bounds = array<i64: 2, 5000, 128>}, {transform_indices = @transform_4, window_bounds = array<i64: 5000, 128>}, {pipeline_mode = #tpu.pipeline_mode<synchronous>, transform_indices = @transform_5, window_bounds = array<i64: 128, 128>}, {pipeline_mode = #tpu.pipeline_mode<synchronous>, transform_indices = @transform_6, window_bounds = array<i64: 128, 128>}, {transform_indices = @transform_7, window_bounds = array<i64: 5000, 128>}, {transform_indices = @transform_8, window_bounds = array<i64: 5000, 128>}, {transform_indices = @transform_9, window_bounds = array<i64: 5000, 128>}]} {
    %eq3A = arith.constant 0 : i32
    %eq3A_0 = arith.cmpi eq, %arg1, %eq3A : i32
    %convert_element_type3A = arith.extui %eq3A_0 : i1 to i32
    %cond3A = arith.constant 0 : i32
    %cond3A_1 = arith.cmpi ne, %convert_element_type3A, %cond3A : i32
    scf.if %cond3A_1 {
      %get3A_93 = arith.constant 0 : index
      %get3A_94 = arith.constant 0 : index
      %get3A_95 = arith.constant 0 : index
      %get3A_96 = vector.load %arg4[%get3A_93, %get3A_94, %get3A_95] : memref<2x5000x1xf32, #tpu.memory_space<vmem>>, vector<1x5000x1xf32>
      %get3A_97 = vector.shape_cast %get3A_96 : vector<1x5000x1xf32> to vector<5000x1xf32>
      %get3A_98 = arith.constant 1 : index
      %get3A_99 = arith.constant 0 : index
      %get3A_100 = arith.constant 0 : index
      %get3A_101 = vector.load %arg4[%get3A_98, %get3A_99, %get3A_100] : memref<2x5000x1xf32, #tpu.memory_space<vmem>>, vector<1x5000x1xf32>
      %get3A_102 = vector.shape_cast %get3A_101 : vector<1x5000x1xf32> to vector<5000x1xf32>
      %add3A_103 = arith.addf %get3A_97, %get3A_102 : vector<5000x1xf32>
      %max3A = arith.constant 1.000000e+00 : f32
      %max3A_104 = vector.broadcast %max3A : f32 to vector<5000x1xf32>
      %max3A_105 = arith.maximumf %add3A_103, %max3A_104 : vector<5000x1xf32>
      %div3A = arith.constant 1.000000e+00 : f32
      %div3A_106 = vector.broadcast %div3A : f32 to vector<5000x1xf32>
      %div3A_107 = arith.divf %div3A_106, %max3A_105 : vector<5000x1xf32>
      %get3A_108 = arith.constant 0 : index
      %get3A_109 = arith.constant 0 : index
      %get3A_110 = arith.constant 0 : index
      %get3A_111 = vector.load %arg5[%get3A_108, %get3A_109, %get3A_110] : memref<2x5000x128xf32, #tpu.memory_space<vmem>>, vector<1x5000x128xf32>
      %get3A_112 = vector.shape_cast %get3A_111 : vector<1x5000x128xf32> to vector<5000x128xf32>
      %get3A_113 = arith.constant 1 : index
      %get3A_114 = arith.constant 0 : index
      %get3A_115 = arith.constant 0 : index
      %get3A_116 = vector.load %arg5[%get3A_113, %get3A_114, %get3A_115] : memref<2x5000x128xf32, #tpu.memory_space<vmem>>, vector<1x5000x128xf32>
      %get3A_117 = vector.shape_cast %get3A_116 : vector<1x5000x128xf32> to vector<5000x128xf32>
      %add3A_118 = arith.addf %get3A_112, %get3A_117 : vector<5000x128xf32>
      %mul3A_119 = vector.broadcast %div3A_107 : vector<5000x1xf32> to vector<5000x128xf32>
      %mul3A_120 = arith.mulf %add3A_118, %mul3A_119 : vector<5000x128xf32>
      %get3A_121 = arith.constant 0 : index
      %get3A_122 = arith.constant 0 : index
      %get3A_123 = vector.load %arg6[%get3A_121, %get3A_122] : memref<5000x128xf32, #tpu.memory_space<vmem>>, vector<5000x128xf32>
      %get3A_124 = arith.constant 0 : index
      %get3A_125 = arith.constant 0 : index
      %get3A_126 = vector.load %arg7[%get3A_124, %get3A_125] : memref<128x128xf32, #tpu.memory_space<vmem>>, vector<128x128xf32>
      %dot_general3A_127 = arith.constant dense<0.000000e+00> : vector<5000x128xf32>
      %dot_general3A_128 = tpu.matmul %get3A_123, %get3A_126, %dot_general3A_127 {dimension_numbers = #tpu.dot_dimension_numbers<[1], [0], [0], [1], [0, 0, 1, 1], [], []>, transpose_lhs_hint = false} : vector<5000x128xf32>, vector<128x128xf32>, vector<5000x128xf32> -> vector<5000x128xf32>
      %add3A_129 = arith.addf %mul3A_120, %dot_general3A_128 : vector<5000x128xf32>
      %max3A_130 = arith.constant 0.000000e+00 : f32
      %max3A_131 = vector.broadcast %max3A_130 : f32 to vector<5000x128xf32>
      %max3A_132 = arith.maximumf %add3A_129, %max3A_131 : vector<5000x128xf32>
      %convert_element_type3A_133 = arith.truncf %max3A_132 : vector<5000x128xf32> to vector<5000x128xbf16>
      %swap3A_134 = arith.constant 0 : index
      %swap3A_135 = arith.constant 0 : index
      %swap3A_136 = vector.load %arg12[%swap3A_134, %swap3A_135] : memref<5000x128xbf16, #tpu.memory_space<vmem>>, vector<5000x128xbf16>
      tpu.vector_store %arg12[%swap3A_134, %swap3A_135], %convert_element_type3A_133 {strides = array<i32>} : memref<5000x128xbf16, #tpu.memory_space<vmem>>, vector<5000x128xbf16>,
      %get3A_137 = arith.constant 0 : index
      %get3A_138 = arith.constant 0 : index
      %get3A_139 = vector.load %arg8[%get3A_137, %get3A_138] : memref<128x128xf32, #tpu.memory_space<vmem>>, vector<128x128xf32>
      %convert_element_type3A_140 = arith.truncf %get3A_139 : vector<128x128xf32> to vector<128x128xbf16>
      %dot_general3A_141 = arith.constant dense<0.000000e+00> : vector<5000x128xf32>
      %dot_general3A_142 = tpu.matmul %convert_element_type3A_133, %convert_element_type3A_140, %dot_general3A_141 {dimension_numbers = #tpu.dot_dimension_numbers<[1], [0], [0], [1], [0, 0, 1, 1], [], []>, transpose_lhs_hint = false} : vector<5000x128xbf16>, vector<128x128xbf16>, vector<5000x128xf32> -> vector<5000x128xf32>
      %swap3A_143 = arith.constant 0 : index
      %swap3A_144 = arith.constant 0 : index
      %swap3A_145 = vector.load %arg10[%swap3A_143, %swap3A_144] : memref<5000x128xf32, #tpu.memory_space<vmem>>, vector<5000x128xf32>
      tpu.vector_store %arg10[%swap3A_143, %swap3A_144], %dot_general3A_142 {strides = array<i32>} : memref<5000x128xf32, #tpu.memory_space<vmem>>, vector<5000x128xf32>,
      %broadcast_in_dim3A = arith.constant 1.000000e+00 : f32
      %broadcast_in_dim3A_146 = vector.broadcast %broadcast_in_dim3A : f32 to vector<1x128xf32>
      %mul3A_147 = vector.broadcast %div3A_107 : vector<5000x1xf32> to vector<5000x128xf32>
      %mul3A_148 = vector.broadcast %broadcast_in_dim3A_146 : vector<1x128xf32> to vector<5000x128xf32>
      %mul3A_149 = arith.mulf %mul3A_147, %mul3A_148 : vector<5000x128xf32>
      %swap3A_150 = arith.constant 0 : index
      %swap3A_151 = arith.constant 0 : index
      %swap3A_152 = vector.load %arg11[%swap3A_150, %swap3A_151] : memref<5000x128xf32, #tpu.memory_space<vmem>>, vector<5000x128xf32>
      tpu.vector_store %arg11[%swap3A_150, %swap3A_151], %mul3A_149 {strides = array<i32>} : memref<5000x128xf32, #tpu.memory_space<vmem>>, vector<5000x128xf32>,
    } else {
    }
    %get3A = arith.index_cast %arg1 : i32 to index
    %get3A_2 = arith.constant 0 : index
    %get3A_3 = memref.load %arg2[%get3A, %get3A_2] : memref<16x8xf32, #tpu.memory_space<smem>>
    %get3A_4 = arith.constant 0 : index
    %get3A_5 = arith.constant 0 : index
    %get3A_6 = arith.constant 0 : index
    %get3A_7 = vector.load %arg3[%get3A_4, %get3A_5, %get3A_6] : memref<8x128x128xf32, #tpu.memory_space<vmem>>, vector<1x128x128xf32>
    %get3A_8 = vector.shape_cast %get3A_7 : vector<1x128x128xf32> to vector<128x128xf32>
    %mul3A = vector.broadcast %get3A_3 : f32 to vector<128x128xf32>
    %mul3A_9 = arith.mulf %mul3A, %get3A_8 : vector<128x128xf32>
    %get3A_10 = arith.index_cast %arg1 : i32 to index
    %get3A_11 = arith.constant 1 : index
    %get3A_12 = memref.load %arg2[%get3A_10, %get3A_11] : memref<16x8xf32, #tpu.memory_space<smem>>
    %get3A_13 = arith.constant 1 : index
    %get3A_14 = arith.constant 0 : index
    %get3A_15 = arith.constant 0 : index
    %get3A_16 = vector.load %arg3[%get3A_13, %get3A_14, %get3A_15] : memref<8x128x128xf32, #tpu.memory_space<vmem>>, vector<1x128x128xf32>
    %get3A_17 = vector.shape_cast %get3A_16 : vector<1x128x128xf32> to vector<128x128xf32>
    %mul3A_18 = vector.broadcast %get3A_12 : f32 to vector<128x128xf32>
    %mul3A_19 = arith.mulf %mul3A_18, %get3A_17 : vector<128x128xf32>
    %add3A = arith.addf %mul3A_9, %mul3A_19 : vector<128x128xf32>
    %get3A_20 = arith.index_cast %arg1 : i32 to index
    %get3A_21 = arith.constant 2 : index
    %get3A_22 = memref.load %arg2[%get3A_20, %get3A_21] : memref<16x8xf32, #tpu.memory_space<smem>>
    %get3A_23 = arith.constant 2 : index
    %get3A_24 = arith.constant 0 : index
    %get3A_25 = arith.constant 0 : index
    %get3A_26 = vector.load %arg3[%get3A_23, %get3A_24, %get3A_25] : memref<8x128x128xf32, #tpu.memory_space<vmem>>, vector<1x128x128xf32>
    %get3A_27 = vector.shape_cast %get3A_26 : vector<1x128x128xf32> to vector<128x128xf32>
    %mul3A_28 = vector.broadcast %get3A_22 : f32 to vector<128x128xf32>
    %mul3A_29 = arith.mulf %mul3A_28, %get3A_27 : vector<128x128xf32>
    %add3A_30 = arith.addf %add3A, %mul3A_29 : vector<128x128xf32>
    %get3A_31 = arith.index_cast %arg1 : i32 to index
    %get3A_32 = arith.constant 3 : index
    %get3A_33 = memref.load %arg2[%get3A_31, %get3A_32] : memref<16x8xf32, #tpu.memory_space<smem>>
    %get3A_34 = arith.constant 3 : index
    %get3A_35 = arith.constant 0 : index
    %get3A_36 = arith.constant 0 : index
    %get3A_37 = vector.load %arg3[%get3A_34, %get3A_35, %get3A_36] : memref<8x128x128xf32, #tpu.memory_space<vmem>>, vector<1x128x128xf32>
    %get3A_38 = vector.shape_cast %get3A_37 : vector<1x128x128xf32> to vector<128x128xf32>
    %mul3A_39 = vector.broadcast %get3A_33 : f32 to vector<128x128xf32>
    %mul3A_40 = arith.mulf %mul3A_39, %get3A_38 : vector<128x128xf32>
    %add3A_41 = arith.addf %add3A_30, %mul3A_40 : vector<128x128xf32>
    %get3A_42 = arith.index_cast %arg1 : i32 to index
    %get3A_43 = arith.constant 4 : index
    %get3A_44 = memref.load %arg2[%get3A_42, %get3A_43] : memref<16x8xf32, #tpu.memory_space<smem>>
    %get3A_45 = arith.constant 4 : index
    %get3A_46 = arith.constant 0 : index
    %get3A_47 = arith.constant 0 : index
    %get3A_48 = vector.load %arg3[%get3A_45, %get3A_46, %get3A_47] : memref<8x128x128xf32, #tpu.memory_space<vmem>>, vector<1x128x128xf32>
    %get3A_49 = vector.shape_cast %get3A_48 : vector<1x128x128xf32> to vector<128x128xf32>
    %mul3A_50 = vector.broadcast %get3A_44 : f32 to vector<128x128xf32>
    %mul3A_51 = arith.mulf %mul3A_50, %get3A_49 : vector<128x128xf32>
    %add3A_52 = arith.addf %add3A_41, %mul3A_51 : vector<128x128xf32>
    %get3A_53 = arith.index_cast %arg1 : i32 to index
    %get3A_54 = arith.constant 5 : index
    %get3A_55 = memref.load %arg2[%get3A_53, %get3A_54] : memref<16x8xf32, #tpu.memory_space<smem>>
    %get3A_56 = arith.constant 5 : index
    %get3A_57 = arith.constant 0 : index
    %get3A_58 = arith.constant 0 : index
    %get3A_59 = vector.load %arg3[%get3A_56, %get3A_57, %get3A_58] : memref<8x128x128xf32, #tpu.memory_space<vmem>>, vector<1x128x128xf32>
    %get3A_60 = vector.shape_cast %get3A_59 : vector<1x128x128xf32> to vector<128x128xf32>
    %mul3A_61 = vector.broadcast %get3A_55 : f32 to vector<128x128xf32>
    %mul3A_62 = arith.mulf %mul3A_61, %get3A_60 : vector<128x128xf32>
    %add3A_63 = arith.addf %add3A_52, %mul3A_62 : vector<128x128xf32>
    %get3A_64 = arith.index_cast %arg1 : i32 to index
    %get3A_65 = arith.constant 6 : index
    %get3A_66 = memref.load %arg2[%get3A_64, %get3A_65] : memref<16x8xf32, #tpu.memory_space<smem>>
    %get3A_67 = arith.constant 6 : index
    %get3A_68 = arith.constant 0 : index
    %get3A_69 = arith.constant 0 : index
    %get3A_70 = vector.load %arg3[%get3A_67, %get3A_68, %get3A_69] : memref<8x128x128xf32, #tpu.memory_space<vmem>>, vector<1x128x128xf32>
    %get3A_71 = vector.shape_cast %get3A_70 : vector<1x128x128xf32> to vector<128x128xf32>
    %mul3A_72 = vector.broadcast %get3A_66 : f32 to vector<128x128xf32>
    %mul3A_73 = arith.mulf %mul3A_72, %get3A_71 : vector<128x128xf32>
    %add3A_74 = arith.addf %add3A_63, %mul3A_73 : vector<128x128xf32>
    %get3A_75 = arith.index_cast %arg1 : i32 to index
    %get3A_76 = arith.constant 7 : index
    %get3A_77 = memref.load %arg2[%get3A_75, %get3A_76] : memref<16x8xf32, #tpu.memory_space<smem>>
    %get3A_78 = arith.constant 7 : index
    %get3A_79 = arith.constant 0 : index
    %get3A_80 = arith.constant 0 : index
    %get3A_81 = vector.load %arg3[%get3A_78, %get3A_79, %get3A_80] : memref<8x128x128xf32, #tpu.memory_space<vmem>>, vector<1x128x128xf32>
    %get3A_82 = vector.shape_cast %get3A_81 : vector<1x128x128xf32> to vector<128x128xf32>
    %mul3A_83 = vector.broadcast %get3A_77 : f32 to vector<128x128xf32>
    %mul3A_84 = arith.mulf %mul3A_83, %get3A_82 : vector<128x128xf32>
    %add3A_85 = arith.addf %add3A_74, %mul3A_84 : vector<128x128xf32>
    %get3A_86 = arith.constant 0 : index
    %get3A_87 = arith.constant 0 : index
    %get3A_88 = vector.load %arg12[%get3A_86, %get3A_87] : memref<5000x128xbf16, #tpu.memory_space<vmem>>, vector<5000x128xbf16>
    %convert_element_type3A_89 = arith.truncf %add3A_85 : vector<128x128xf32> to vector<128x128xbf16>
    %dot_general3A = arith.constant dense<0.000000e+00> : vector<5000x128xf32>
    %dot_general3A_90 = tpu.matmul %get3A_88, %convert_element_type3A_89, %dot_general3A {dimension_numbers = #tpu.dot_dimension_numbers<[1], [0], [0], [1], [0, 0, 1, 1], [], []>, transpose_lhs_hint = false} : vector<5000x128xbf16>, vector<128x128xbf16>, vector<5000x128xf32> -> vector<5000x128xf32>
    %swap3A = arith.constant 0 : index
    %swap3A_91 = arith.constant 0 : index
    %swap3A_92 = vector.load %arg9[%swap3A, %swap3A_91] : memref<5000x128xf32, #tpu.memory_space<vmem>>, vector<5000x128xf32>
    tpu.vector_store %arg9[%swap3A, %swap3A_91], %dot_general3A_90 {strides = array<i32>} : memref<5000x128xf32, #tpu.memory_space<vmem>>, vector<5000x128xf32>,
    return
  }
  func.func @transform_0(%arg0: i32, %arg1: i32) -> (i32, i32) {
    %c0_i32 = arith.constant 0 : i32
    %c0_i32_0 = arith.constant 0 : i32
    %c0_i32_1 = arith.constant 0 : i32
    return %c0_i32, %c0_i32_0 : i32, i32
  }
  func.func @transform_1(%arg0: i32, %arg1: i32) -> (i32, i32, i32) {
    %c0_i32 = arith.constant 0 : i32
    %c0_i32_0 = arith.constant 0 : i32
    %c0_i32_1 = arith.constant 0 : i32
    %c0_i32_2 = arith.constant 0 : i32
    return %c0_i32, %c0_i32_0, %c0_i32_1 : i32, i32, i32
  }
  func.func @transform_2(%arg0: i32, %arg1: i32) -> (i32, i32, i32) {
    %c0_i32 = arith.constant 0 : i32
    %c0_i32_0 = arith.constant 0 : i32
    %c0_i32_1 = arith.constant 0 : i32
    return %c0_i32, %arg0, %c0_i32_0 : i32, i32, i32
  }
  func.func @transform_3(%arg0: i32, %arg1: i32) -> (i32, i32, i32) {
    %c0_i32 = arith.constant 0 : i32
    %c0_i32_0 = arith.constant 0 : i32
    %c0_i32_1 = arith.constant 0 : i32
    return %c0_i32, %arg0, %c0_i32_0 : i32, i32, i32
  }
  func.func @transform_4(%arg0: i32, %arg1: i32) -> (i32, i32) {
    %c0_i32 = arith.constant 0 : i32
    %c0_i32_0 = arith.constant 0 : i32
    return %arg0, %c0_i32 : i32, i32
  }
  func.func @transform_5(%arg0: i32, %arg1: i32) -> (i32, i32) {
    %c0_i32 = arith.constant 0 : i32
    %c0_i32_0 = arith.constant 0 : i32
    %c0_i32_1 = arith.constant 0 : i32
    return %c0_i32, %c0_i32_0 : i32, i32
  }
  func.func @transform_6(%arg0: i32, %arg1: i32) -> (i32, i32) {
    %c0_i32 = arith.constant 0 : i32
    %c0_i32_0 = arith.constant 0 : i32
    %c0_i32_1 = arith.constant 0 : i32
    return %c0_i32, %c0_i32_0 : i32, i32
  }
  func.func @transform_7(%arg0: i32, %arg1: i32) -> (i32, i32) {
    %mul3A = arith.constant 2 : i32
    %mul3A_0 = arith.muli %arg1, %mul3A : i32
    %add3A = arith.addi %mul3A_0, %arg0 : i32
    %c0_i32 = arith.constant 0 : i32
    %c0_i32_1 = arith.constant 0 : i32
    return %add3A, %c0_i32 : i32, i32
  }
  func.func @transform_8(%arg0: i32, %arg1: i32) -> (i32, i32) {
    %c0_i32 = arith.constant 0 : i32
    %c0_i32_0 = arith.constant 0 : i32
    return %arg0, %c0_i32 : i32, i32
  }
  func.func @transform_9(%arg0: i32, %arg1: i32) -> (i32, i32) {
    %c0_i32 = arith.constant 0 : i32
    %c0_i32_0 = arith.constant 0 : i32
    return %arg0, %c0_i32 : i32, i32
  }
}

</mosaic_0001>

<sc_bundles>
// kernel: kernel.12.cloned.1.call-start
scs
__scs_entry_jumppad:
0x0: {  	(pc) =	sbr.rel $0x88, $3  }
0x1: {  	(tag) =	ssettag $0x0;
	lr =	simm.s32 $0x1  }
0x2: {  	[smem:$0x3F9A] =	sst lr;
	_ =	strace $0xD0000000  }
0x3: {  	_ = 	snop  }
0x4: {  	_ = 	snop  }
0x5: {  	_ = 	snop  }
0x6: {  	_ = 	snop  }
0x7: {  	_ = 	snop  }
__scs_overlays_trampoline_lowered:
0x8: {  	[smem:$0x3FA9] =	sst s0  }
0x9: {  	[smem:$0x3FAA] =	sst s1  }
0xa: {  	[smem:$0x3FAB] =	sst s2  }
0xb: {  	[smem:$0x3FAC] =	sst s3  }
0xc: {  	[smem:$0x3FAD] =	sst s4  }
0xd: {  	[smem:$0x3FAE] =	sst s5  }
0xe: {  	[smem:$0x3FAF] =	sst s6  }
0xf: {  	[smem:$0x3FB0] =	sst s7  }
0x10: {  	[smem:$0x3FB1] =	sst s8  }
0x11: {  	[smem:$0x3FB2] =	sst s9;
	s0 =	simm.s32 @!p0 $0x0  }
0x12: {  	s1 =	sld [smem:$0x3F98];
	s0 =	simm.s32 @p0 $0x1  }
0x13: {  	[smem:$0x3FB3] =	sst s0;
	s0 =	simm.s32 @!p1 $0x0  }
0x14: {  	s2 =	sld [smem:$0x3F97];
	s0 =	simm.s32 @p1 $0x1  }
0x15: {  	[smem:$0x3FB4] =	sst s0;
	s0 =	simm.s32 @!p2 $0x0  }
0x16: {  	s3 =	sld [smem:$0x3FDB];
	s0 =	simm.s32 @p2 $0x1  }
0x17: {  	s4 =	simm.s32 $0x1BF5;
	[smem:$0x3FB6] =	sst s0  }
0x18: {  	s0 =	sld [smem:$0x3F99];
	_ =	swait.ge [sflag:s4], $0x0  }
0x19: {  	s7 =	sld [smem:$0x3F9A]  }
0x1a: {  	s8 =	sadd.s32 $0xFFFFE003, lr  }
0x1b: {  	s9 =	sadd.s32 $0xFFFFFEF7, lr;
	s5 =	simm.s32 $0xFFFFFFFF;
	p2 =	slt.u32 s8, $0xFFFFF086  }
0x1c: {  	p1 =	slt.u32 s9, $0xF7A;
	s5 =	simm.s32 @!p2 $0x0  }
0x1d: {  	s5 =	simm.s32 @p1 $0x1;
	p0 =	seq.s32 s7, s2  }
0x1e: {  	s7 =	smul.u32 @!p0 $0xF7A, s2;
	p2 =	seq.s32 @!p0 s5, $0x0  }
0x1f: {  	s9 =	smul.u32 $0xF7A, s1;
	s8 =	simm.s32 @!p0 $0x1BF5;
	p2 =	por !p2, p0  }
0x20: {  	[sflag:s8] =	ssyncset.s32 @!p0 $0xFFFFF086;
	s6 =	sadd.s32 @!p0 s3, s7;
	s7 =	simm.s32 @!p0 $0x108  }
0x21: {  	s3 =	sadd.s32 s3, s9;
	s6 =	sadd.s32 @!p0 $0x88, s6;
	s7 =	simm.s32 @p2 $0x1082  }
0x22: {  	[simem:s7], [sflag:s8] =	dma.local @!p0 [hbm:s6], $0xF7A  }
0x23: {  	s9 =	sor.u32 $0xD0000000, s2;
	s6 =	simm.s32 $0x108;
	_ =	swait.ge @!p0 [sflag:s8], $0x0  }
0x24: {  	s3 =	sadd.s32 $0x88, s3;
	s6 =	simm.s32 @!p1 $0x1082;
	[sflag:s4] =	ssyncset.s32 $0xFFFFF086  }
0x25: {  	[simem:s6], [sflag:s4] =	dma.local [hbm:s3], $0xF7A  }
0x26: {  	[smem:$0x3F9A] =	sst s1;
	(tag) =	ssettag s2;
	_ =	strace s9  }
0x27: {  	s1 =	sld [smem:$0x3FAA]  }
0x28: {  	s2 =	sld [smem:$0x3FAB]  }
0x29: {  	s4 =	sld [smem:$0x3FAD]  }
0x2a: {  	p0 =	seq.s32 s5, $0x0;
	s5 =	sld [smem:$0x3FAE]  }
0x2b: {  	s6 =	sld [smem:$0x3FAF]  }
0x2c: {  	s7 =	sld [smem:$0x3FB0]  }
0x2d: {  	s3 =	simm.s32 $0x108;
	s8 =	sld [smem:$0x3FB1]  }
0x2e: {  	s3 =	simm.s32 @!p0 $0x1082;
	s9 =	sld [smem:$0x3FB2]  }
0x2f: {  	lr =	sadd.s32 s0, s3;
	s0 =	sld [smem:$0x3FA9]  }
0x30: {  	s3 =	sld [smem:$0x3FAC]  }
0x31: {  	[smem:$0x3FB5] =	sst s10  }
0x32: {  	s10 =	sld [smem:$0x3FB3];
	_ =	sdelay $0x3  }
0x33: {  	p0 =	seq.s32 s10, $0x1;
	s10 =	sld [smem:$0x3FB5];
	_ =	sdelay $0x3  }
0x34: {  	[smem:$0x3FB5] =	sst s10  }
0x35: {  	s10 =	sld [smem:$0x3FB4];
	_ =	sdelay $0x3  }
0x36: {  	p1 =	seq.s32 s10, $0x1;
	s10 =	sld [smem:$0x3FB5];
	_ =	sdelay $0x3  }
0x37: {  	[smem:$0x3FB5] =	sst s10  }
0x38: {  	s10 =	sld [smem:$0x3FB6]  }
0x39: {  	_ = 	snop;
	(pc) =	sbr.ind lr, $3  }
0x3a: {  	_ = 	snop  }
0x3b: {  	_ = 	snop  }
0x3c: {  	p2 =	seq.s32 s10, $0x1;
	s10 =	sld [smem:$0x3FB5]  }
0x3d: {  	_ =	shalt  }
0x3e: {  	_ =	shalt  }
0x3f: {  	_ =	shalt  }
0x40: {  	_ =	shalt  }
0x41: {  	_ =	shalt  }
0x42: {  	_ =	shalt  }
0x43: {  	_ =	shalt  }
0x44: {  	_ =	shalt  }
0x45: {  	_ =	shalt  }
0x46: {  	_ =	shalt  }
0x47: {  	_ =	shalt  }
0x48: {  	_ =	shalt  }
0x49: {  	_ =	shalt  }
0x4a: {  	_ =	shalt  }
0x4b: {  	_ =	shalt  }
0x4c: {  	_ =	shalt  }
0x4d: {  	_ =	shalt  }
0x4e: {  	_ =	shalt  }
0x4f: {  	_ =	shalt  }
0x50: {  	_ =	shalt  }
0x51: {  	_ =	shalt  }
0x52: {  	_ =	shalt  }
0x53: {  	_ =	shalt  }
0x54: {  	_ =	shalt  }
0x55: {  	_ =	shalt  }
0x56: {  	_ =	shalt  }
0x57: {  	_ =	shalt  }
0x58: {  	_ =	shalt  }
0x59: {  	_ =	shalt  }
0x5a: {  	_ =	shalt  }
0x5b: {  	_ =	shalt  }
0x5c: {  	_ =	shalt  }
0x5d: {  	_ =	shalt  }
0x5e: {  	_ =	shalt  }
0x5f: {  	_ =	shalt  }
0x60: {  	_ =	shalt  }
0x61: {  	_ =	shalt  }
0x62: {  	_ =	shalt  }
0x63: {  	_ =	shalt  }
0x64: {  	_ =	shalt  }
0x65: {  	_ =	shalt  }
0x66: {  	_ =	shalt  }
0x67: {  	_ =	shalt  }
0x68: {  	_ =	shalt  }
0x69: {  	_ =	shalt  }
0x6a: {  	_ =	shalt  }
0x6b: {  	_ =	shalt  }
0x6c: {  	_ =	shalt  }
0x6d: {  	_ =	shalt  }
0x6e: {  	_ =	shalt  }
0x6f: {  	_ =	shalt  }
0x70: {  	_ =	shalt  }
0x71: {  	_ =	shalt  }
0x72: {  	_ =	shalt  }
0x73: {  	_ =	shalt  }
0x74: {  	_ =	shalt  }
0x75: {  	_ =	shalt  }
0x76: {  	_ =	shalt  }
0x77: {  	_ =	shalt  }
0x78: {  	_ =	shalt  }
0x79: {  	_ =	shalt  }
0x7a: {  	_ =	shalt  }
0x7b: {  	_ =	shalt  }
0x7c: {  	_ =	shalt  }
0x7d: {  	_ =	shalt  }
0x7e: {  	_ =	shalt  }
0x7f: {  	_ =	shalt  }
0x80: {  	_ =	shalt  }
0x81: {  	_ =	shalt  }
0x82: {  	_ =	shalt  }
0x83: {  	_ =	shalt  }
0x84: {  	_ =	shalt  }
0x85: {  	_ =	shalt  }
0x86: {  	_ =	shalt  }
0x87: {  	_ =	shalt  }
.Lfunc_end0:
.L_simem_size_0:
called_computation.1_lowered:
.L_overlay_start_0:
0x88: {  	s2 =	sld [smem:$0x3FD9]  }
0x89: {  	s3 =	sld [smem:$0x3FFE];
	_ =	sdelay $0x1  }
0x8a: {  	s1 =	srdreg.scid  }
0x8b: {  	s0 =	sand.u32 $0x1, s1  }
0x8c: {  	s17 =	sshll.u32 s0, $0xA;
	s2 =	sadd.s32 s3, s2  }
0x8d: {  	s2 =	sadd.s32 s2, s17  }
0x8e: {  	[smem:$0x3FC1] =	sst s2  }
0x8f: {  	_ = 	snop  }
0x90: {  	s18 =	sld [smem:$0x3FD0];
	(tm) =	ssettm $0x1  }
0x91: {  	s19 =	sld [smem:$0x3FFB];
	_ =	sdelay $0x3  }
0x92: {  	_ =	strace s19  }
0x93: {  	s2 =	sld [smem:$0x3FFC];
	_ =	sdelay $0x3  }
0x94: {  	_ =	strace s2  }
0x95: {  	s2 =	sld [smem:$0x3FFD];
	_ =	sdelay $0x3  }
0x96: {  	_ =	strace s2  }
0x97: {  	_ =	strace $0x8FFFFFFF  }
0x98: {  	s20 =	sld [smem:$0x3FDB];
	_ =	sdelay $0x1  }
0x99: {  	s4 =	simm.s32 $_scs_section_size  }
0x9a: {  	s5 =	simm.s32 $_size__tile_overlayer_lowered;
	s6 =	simm.s32 $_tile_overlayer_lowered  }
0x9b: {  	s7 =	simm.s32 $0x1BFF;
	s21 =	sshll.u32 s6, $0x1;
	s4 =	sadd.s32 s4, s20  }
0x9c: {  	s22 =	simm.s32 $0x0;
	s5 =	sshll.u32 s5, $0x1;
	s6 =	sadd.s32 s21, s4  }
0x9d: {  	[timem:s22], [sflag:s7] =	dma.local [hbm:s6], s5  }
0x9e: {  	_ =	swait.ge [sflag:s7], s5  }
0x9f: {  	s5 =	ssub.s32 $0x0, s5;
	[sflag:s7] =	ssyncset.done $0x0  }
0xa0: {  	[sflag:s7] =	ssyncadd.s32 s5;
	_ =	sdelay $0x1  }
0xa1: {  	s23 =	simm.s32 $0x1B8B  }
0xa2: {  	_ =	swait.ge [sflag:s23], $0x1  }
0xa3: {  	[sflag:s23] =	ssyncset.done $0x0  }
0xa4: {  	[sflag:s23] =	ssyncadd.s32 $0xFFFFFFFF  }
0xa5: {  	s5 =	sld [smem:$0x0]  }
0xa6: {  	s6 =	sand.u32 $0xFFFFFFFE, s1  }
0xa7: {  	p0 =	sne.s32 s1, s6  }
0xa8: {  	s6 =	sshll.u32 @p0 s6, $0xE  }
0xa9: {  	s6 =	sadd.s32 @p0 $0x11B8D, s6;
	s7 =	sshll.u32 @p0 s5, $0x11  }
0xaa: {  	s6 =	sor.u32 @p0 s7, s6  }
0xab: {  	[sflag:s6] =	ssyncadd.remote.s32 @p0 $0x1;
	_ =	sdelay $0x1  }
0xac: {  	s6 =	simm.s32 @p0 $0x1B8D  }
0xad: {  	_ =	swait.eq @p0 [sflag:s6], $0x1  }
0xae: {  	[sflag:s6] =	ssyncadd.s32 @p0 $0xFFFFFFFF  }
0xaf: {  	s7 =	sshll.u32 @!p0 s1, $0xE  }
0xb0: {  	s7 =	sor.u32 @!p0 $0x4000, s7;
	s6 =	simm.s32 @!p0 $0x1B8D  }
0xb1: {  	s5 =	sshll.u32 @!p0 s5, $0x11;
	s7 =	sadd.s32 @!p0 $0x11B8D, s7;
	_ =	swait.eq @!p0 [sflag:s6], $0x1  }
0xb2: {  	s5 =	sor.u32 @!p0 s5, s7;
	[sflag:s6] =	ssyncadd.s32 @!p0 $0xFFFFFFFF  }
0xb3: {  	s25 =	simm.s32 $0x1B8E;
	s24 =	sld [smem:$0x3FFE];
	[sflag:s5] =	ssyncadd.remote.s32 @!p0 $0x1  }
0xb4: {  	s26 =	simm.s32 $execute0_lowered;
	[smem:$0x3FD2] =	sst s25  }
0xb5: {  	s6 =	sshll.u32 s26, $0x1;
	_ =	strace $0x80000049;
	[dreg:$0x1] =	wrdreg $0xFFFFFFFF  }
0xb6: {  	s28 =	simm.s32 $_size_execute0_lowered;
	s4 =	sadd.s32 s4, s6;
	[dreg:$0x0] =	wrdreg $0x0  }
0xb7: {  	s6 =	sshll.u32 s28, $0x1;
	[dreg:$0x2] =	wrdreg s4  }
0xb8: {  	[dreg:$0x3] =	wrdreg s6  }
0xb9: {  	[dreg:$0x4] =	wrdreg $0xC0  }
0xba: {  	_ =	task [dreg:s22], $0x5FFFF  }
0xbb: {  	[dreg:$0x1] =	wrdreg $0xFFFFFFFF  }
0xbc: {  	[dreg:$0x0] =	wrdreg $0x60  }
0xbd: {  	[dreg:$0x2] =	wrdreg s24  }
0xbe: {  	[dreg:$0x3] =	wrdreg s18  }
0xbf: {  	[dreg:$0x4] =	wrdreg $0xA8000  }
0xc0: {  	[dreg:$0x5] =	wrdreg $0xA  }
0xc1: {  	_ =	task.clear_ibuf [dreg:s22], $0x6FFFF;
	_ =	strace $0x90000049  }
0xc2: {  	s29 =	simm.s32 $0xA;
	_ =	strace $0x8000004B  }
0xc3: {  	_ =	swait.ge [sflag:s29], $0x1  }
0xc4: {  	[sflag:s29] =	ssyncadd.s32 $0xFFFFFFFF  }
0xc5: {  	_ =	strace $0x9000004B  }
0xc6: {  	_ =	sfence  }
0xc7: {  	s30 =	sld [smem:$0x0];
	_ =	sdelay $0x2  }
0xc8: {  	s31 =	sshll.u32 s1, $0xD;
	s1 =	sshrl.u32 s1, $0x2  }
0xc9: {  	s4 =	sand.u32 $0x4000, s31;
	s1 =	sadd.s32 s1, s30  }
0xca: {  	s0 =	sor.u32 s4, s0;
	s1 =	sshll.u32 s1, $0x11  }
0xcb: {  	s0 =	sor.u32 s1, s0  }
0xcc: {  	s0 =	sadd.s32 $0x8F2B, s0  }
0xcd: {  	[sflag:s0] =	ssyncadd.remote.s32 $0x1  }
0xce: {  	_ =	sfence.sel $0xFFFF  }
0xcf: {  	[dreg:$0x0] =	wrdreg $0xFFFFFFFF;
	(pc) =	sbr.abs _section_cstart, $3  }
0xd0: {  	[dreg:$0x1] =	wrdreg $0xFFFFFFFF  }
0xd1: {  	_ =	task.clear_ibuf [dreg:s22], $0x2FFFF;
	_ =	strace $0x9FFFFFFF  }
0xd2: {  	(tm) =	ssettm $0x7FFFFFFF  }
0xd3: {  	_ =	shalt  }
tec
execute0_lowered:
.L_overlay_start_1:
0x0: {  	(tag) =	ssettag $0x1  }
0x1: {  	s5 =	rddreg [dreg:$0x0]  }
0x2: {  	s15 =	rddreg [dreg:$0x1];
	s0 =	srdreg.scid  }
0x3: {  	s2 =	rddreg [dreg:$0x2];
	s1 =	stileid.u32  }
0x4: {  	s3 =	simm.s32 $0x0;
	s17 =	simm.s32 $0x3;
	s18 =	simm.s32 $0x1400  }
0x5: {  	s19 =	simm.s32 $0x80;
	s20 =	simm.s32 $0x6800;
	s21 =	simm.s32 $0x1  }
0x6: {  	s22 =	simm.s32 $0x2;
	s23 =	simm.s32 $0x1380;
	s24 =	simm.s32 $0x2700  }
0x7: {  	s6 =	sand.u32 $0x1, s0;
	s0 =	rddreg [dreg:$0x3];
	s7 =	smul.u32 $0x14000, s1  }
0x8: {  	s25 =	simm.s32 $0x2780;
	[smem:$0x7FF] =	sst s3;
	s8 =	smul.u32 $0x50000, s1  }
0x9: {  	s14 =	sadd.s32 $0x3200, s5;
	s4 =	smul.u32 $0x140000, s6;
	_ =	strace $0x8000004A  }
0xa: {  	s29 =	ssub.s32 $0x2, s6;
	s6 =	sshll.u32 s6, $0x4;
	s30 =	sshrl.u32 s8, $0x2  }
0xb: {  	s31 =	sshrl.u32 s29, $0x1;
	s9 =	sor.u32 s1, s6;
	s7 =	sadd.s32 s7, s4  }
0xc: {  	s11 =	ssub.s32 s29, s31;
	s16 =	smul.u32 $0x500, s9;
	s7 =	sshrl.u32 s7, $0x3  }
0xd: {  	s4 =	sadd.s32 $0xD200, s5;
	s11 =	smax.u32 s11, $0x1;
	s10 =	sadd.s32 s7, s5  }
0xe: {  	s5 =	sadd.s32 s30, s2;
	s12 =	sadd.s32 s14, s16;
	s13 =	sadd.s32 s15, s16  }
0xf: {  	s16 =	sadd.s32 $0x280, s16;
	s6 =	sadd.s32 $0x4000, s5;
	s7 =	sadd.s32 $0x8000, s5  }
0x10: {  	s8 =	sadd.s32 $0xC000, s5;
	s9 =	sadd.s32 $0x10000, s5;
	s10 =	sadd.s32 $0x27E200, s10  }
0x11: {  	v0 =	vimm.f32 $0.0e+00;
	s14 =	sadd.s32 s14, s16;
	s15 =	sadd.s32 s15, s16;
	s16 =	simm.s32 $0x2800  }
.LBB2_1:
0x12: {  	s26 =	simm.s32 $0x0;
	s28 =	simm.s32 $0x200  }
.LBB2_2:
0x13: {  	p0 =	sne.s32 s28, $0xFE00;
	[tilespmem:s26+$0x2870] =	vst v0  }
0x14: {  	[tilespmem:s26+$0x2800] =	vst v0  }
0x15: {  	[tilespmem:s26+$0x2810] =	vst v0  }
.Ltmp0:
0x16: {  	[tilespmem:s26+$0x2820] =	vst v0;
	(pc) =	sbr.rel @p0 .LBB2_2-.Ltmp0, $4  }
0x17: {  	[tilespmem:s26+$0x2830] =	vst v0  }
0x18: {  	[tilespmem:s26+$0x2840] =	vst v0  }
0x19: {  	[tilespmem:s26+$0x2850] =	vst v0  }
0x1a: {  	[tilespmem:s26+$0x2860] =	vst v0;
	s26 =	sshra.s32 s28, $0x2;
	s28 =	sadd.s32 $0x200, s28  }
0x1b: {  	[tilespmem:s26+$0x2870] =	vst v0  }
0x1c: {  	[tilespmem:s26+$0x2800] =	vst v0  }
0x1d: {  	[tilespmem:s26+$0x2810] =	vst v0  }
0x1e: {  	[tilespmem:s26+$0x2820] =	vst v0  }
0x1f: {  	[tilespmem:s26+$0x2830] =	vst v0  }
0x20: {  	[tilespmem:s26+$0x2840] =	vst v0  }
0x21: {  	[tilespmem:s26+$0x2850] =	vst v0  }
0x22: {  	[tilespmem:s26+$0x2860] =	vst v0  }
0x23: {  	[spmem:s5] =	stream.linear.scatter [tilespmem:s16], [sflag:$0x3], $0x4000, $0x38;
	[tilespmem:$0x1E800] =	vst v63  }
0x24: {  	_ =	swait.ge [sflag:s17], $0x4000  }
0x25: {  	[sflag:s17] =	ssyncset.done $0x0  }
0x26: {  	[sflag:s17] =	ssyncadd.s32 $0xFFFFC000  }
0x27: {  	[spmem:s6] =	stream.linear.scatter [tilespmem:s16], [sflag:$0x3], $0x4000, $0x38;
	[tilespmem:$0x1E800] =	vst v63  }
0x28: {  	_ =	swait.ge [sflag:s17], $0x4000  }
0x29: {  	[sflag:s17] =	ssyncset.done $0x0  }
0x2a: {  	[sflag:s17] =	ssyncadd.s32 $0xFFFFC000  }
0x2b: {  	[spmem:s7] =	stream.linear.scatter [tilespmem:s16], [sflag:$0x3], $0x4000, $0x38;
	[tilespmem:$0x1E800] =	vst v63  }
0x2c: {  	_ =	swait.ge [sflag:s17], $0x4000  }
0x2d: {  	[sflag:s17] =	ssyncset.done $0x0  }
0x2e: {  	[sflag:s17] =	ssyncadd.s32 $0xFFFFC000  }
0x2f: {  	[spmem:s8] =	stream.linear.scatter [tilespmem:s16], [sflag:$0x3], $0x4000, $0x38;
	[tilespmem:$0x1E800] =	vst v63  }
0x30: {  	_ =	swait.ge [sflag:s17], $0x4000  }
0x31: {  	[sflag:s17] =	ssyncset.done $0x0  }
0x32: {  	[sflag:s17] =	ssyncadd.s32 $0xFFFFC000  }
0x33: {  	[spmem:s9] =	stream.linear.scatter [tilespmem:s16], [sflag:$0x3], $0x4000, $0x38;
	[tilespmem:$0x1E800] =	vst v63  }
0x34: {  	_ =	swait.ge [sflag:s17], $0x4000  }
0x35: {  	[sflag:s17] =	ssyncset.done $0x0  }
0x36: {  	[sflag:s17] =	ssyncadd.s32 $0xFFFFC000  }
0x37: {  	s30 =	simm.s32 $0x0;
	[bflag:$0x0] =	sbarrier.arrive $0xFFFF  }
0x38: {  	[tilespmem:s30], [sflag:$0x3] =	stream.linear.gather [hbm4b:s12+s30], $0x1400, $0x38;
	[tilespmem:$0x1E800] =	vst v63  }
0x39: {  	_ =	swait.ge [sflag:s17], $0x1400  }
0x3a: {  	[sflag:s17] =	ssyncset.done $0x0  }
0x3b: {  	[sflag:s17] =	ssyncadd.s32 $0xFFFFEC00  }
0x3c: {  	[tilespmem:s18], [sflag:$0x3] =	stream.linear.gather [hbm4b:s13+s30], $0x1400, $0x38;
	[tilespmem:$0x1E800] =	vst v63  }
0x3d: {  	_ =	swait.ge [sflag:s17], $0x1400  }
0x3e: {  	[sflag:s17] =	ssyncset.done $0x0  }
0x3f: {  	[sflag:s17] =	ssyncadd.s32 $0xFFFFEC00  }
0x40: {  	[tilespmem:s16], [sflag:$0x1] =	stream.indirect.gather [hbm4b:s4+s19], $0x80, s30, s19, $0xb8;
	[tilespmem:$0x1E800] =	vst v63  }
0x41: {  	s31 =	simm.s32 $0x80  }
0x42: {  	[tilespmem:s20], [sflag:$0x2] =	stream.indirect.gather [hbm4b:s4+s19], $0x80, s31, s19, $0xb8;
	[tilespmem:$0x1E800] =	vst v63  }
0x43: {  	_ =	swait.ge [sflag:s21], $0x4000  }
0x44: {  	[sflag:s21] =	ssyncset.done $0x0  }
0x45: {  	s29 =	simm.s32 $0x1400;
	[sflag:s21] =	ssyncadd.s32 $0xFFFFC000  }
0x46: {  	[spmem:s2] =	stream.indirect.scatter.add.f32 [tilespmem:s16], [sflag:$0x3], $0x80, s29, s19, $0xb8;
	[tilespmem:$0x1E800] =	vst v63  }
0x47: {  	_ =	swait.ge [sflag:s17], $0x4000  }
0x48: {  	[sflag:s17] =	ssyncset.done $0x0  }
0x49: {  	s30 =	simm.s32 $0x100;
	[sflag:s17] =	ssyncadd.s32 $0xFFFFC000  }
0x4a: {  	[tilespmem:s16], [sflag:$0x1] =	stream.indirect.gather [hbm4b:s4+s19], $0x80, s30, s19, $0xb8;
	[tilespmem:$0x1E800] =	vst v63  }
0x4b: {  	_ =	swait.ge [sflag:s22], $0x4000  }
0x4c: {  	[sflag:s22] =	ssyncset.done $0x0  }
0x4d: {  	s31 =	simm.s32 $0x1480;
	[sflag:s22] =	ssyncadd.s32 $0xFFFFC000  }
0x4e: {  	[spmem:s2] =	stream.indirect.scatter.add.f32 [tilespmem:s20], [sflag:$0x3], $0x80, s31, s19, $0xb8;
	[tilespmem:$0x1E800] =	vst v63  }
0x4f: {  	_ =	swait.ge [sflag:s17], $0x4000  }
0x50: {  	s28 =	simm.s32 $0x800;
	s26 =	simm.s32 $0x100;
	[sflag:s17] =	ssyncset.done $0x0  }
.LBB2_4:
0x51: {  	s29 =	sadd.s32 $0x80, s26  }
0x52: {  	[sflag:s17] =	ssyncadd.s32 $0xFFFFC000;
	s30 =	smov.u32 s28;
	s31 =	sadd.s32 $0x400, s28  }
0x53: {  	[tilespmem:s20], [sflag:$0x2] =	stream.indirect.gather [hbm4b:s4+s19], $0x80, s29, s19, $0xb8;
	[tilespmem:$0x1E800] =	vst v63  }
0x54: {  	p0 =	sne.s32 s28, $0x4800;
	_ =	swait.ge [sflag:s21], $0x4000  }
0x55: {  	[sflag:s21] =	ssyncset.done $0x0  }
0x56: {  	s28 =	sadd.s32 $0x1400, s26;
	[sflag:s21] =	ssyncadd.s32 $0xFFFFC000  }
0x57: {  	[spmem:s2] =	stream.indirect.scatter.add.f32 [tilespmem:s16], [sflag:$0x3], $0x80, s28, s19, $0xb8;
	[tilespmem:$0x1E800] =	vst v63  }
0x58: {  	_ =	swait.ge [sflag:s17], $0x4000  }
0x59: {  	[sflag:s17] =	ssyncset.done $0x0  }
0x5a: {  	s28 =	sadd.s32 $0x100, s26;
	[sflag:s17] =	ssyncadd.s32 $0xFFFFC000  }
0x5b: {  	[tilespmem:s16], [sflag:$0x1] =	stream.indirect.gather [hbm4b:s4+s19], $0x80, s28, s19, $0xb8;
	[tilespmem:$0x1E800] =	vst v63  }
0x5c: {  	_ =	swait.ge [sflag:s22], $0x4000  }
.Ltmp1:
0x5d: {  	[sflag:s22] =	ssyncset.done $0x0;
	(pc) =	sbr.rel @p0 .LBB2_4-.Ltmp1, $4  }
0x5e: {  	s26 =	sadd.s32 $0x1480, s26;
	[sflag:s22] =	ssyncadd.s32 $0xFFFFC000  }
0x5f: {  	[spmem:s2] =	stream.indirect.scatter.add.f32 [tilespmem:s20], [sflag:$0x3], $0x80, s26, s19, $0xb8;
	[tilespmem:$0x1E800] =	vst v63  }
0x60: {  	_ =	swait.ge [sflag:s17], $0x4000  }
0x61: {  	s28 =	smov.u32 s31;
	s26 =	sshra.s32 s30, $0x2;
	[sflag:s17] =	ssyncset.done $0x0  }
0x62: {  	s28 =	sadd.s32 $0x80, s26;
	[sflag:s17] =	ssyncadd.s32 $0xFFFFC000  }
0x63: {  	[tilespmem:s20], [sflag:$0x2] =	stream.indirect.gather [hbm4b:s4+s19], $0x80, s28, s19, $0xb8;
	[tilespmem:$0x1E800] =	vst v63  }
0x64: {  	_ =	swait.ge [sflag:s21], $0x4000  }
0x65: {  	[sflag:s21] =	ssyncset.done $0x0  }
0x66: {  	s28 =	sadd.s32 $0x1400, s26;
	[sflag:s21] =	ssyncadd.s32 $0xFFFFC000  }
0x67: {  	[spmem:s2] =	stream.indirect.scatter.add.f32 [tilespmem:s16], [sflag:$0x3], $0x80, s28, s19, $0xb8;
	[tilespmem:$0x1E800] =	vst v63  }
0x68: {  	_ =	swait.ge [sflag:s17], $0x4000  }
0x69: {  	[sflag:s17] =	ssyncset.done $0x0  }
0x6a: {  	s28 =	sadd.s32 $0x100, s26;
	[sflag:s17] =	ssyncadd.s32 $0xFFFFC000  }
0x6b: {  	[tilespmem:s16], [sflag:$0x1] =	stream.indirect.gather [hbm4b:s4+s19], $0x80, s28, s19, $0xb8;
	[tilespmem:$0x1E800] =	vst v63  }
0x6c: {  	_ =	swait.ge [sflag:s22], $0x4000  }
0x6d: {  	[sflag:s22] =	ssyncset.done $0x0  }
0x6e: {  	s29 =	sadd.s32 $0x1480, s26;
	[sflag:s22] =	ssyncadd.s32 $0xFFFFC000  }
0x6f: {  	[spmem:s2] =	stream.indirect.scatter.add.f32 [tilespmem:s20], [sflag:$0x3], $0x80, s29, s19, $0xb8;
	[tilespmem:$0x1E800] =	vst v63  }
0x70: {  	_ =	swait.ge [sflag:s17], $0x4000  }
0x71: {  	[sflag:s17] =	ssyncset.done $0x0  }
0x72: {  	[sflag:s17] =	ssyncadd.s32 $0xFFFFC000  }
0x73: {  	[tilespmem:s20], [sflag:$0x2] =	stream.indirect.gather [hbm4b:s4+s19], $0x80, s23, s19, $0xb8;
	[tilespmem:$0x1E800] =	vst v63  }
0x74: {  	_ =	swait.ge [sflag:s21], $0x4000  }
0x75: {  	[sflag:s21] =	ssyncset.done $0x0  }
0x76: {  	[sflag:s21] =	ssyncadd.s32 $0xFFFFC000  }
0x77: {  	[spmem:s2] =	stream.indirect.scatter.add.f32 [tilespmem:s16], [sflag:$0x3], $0x80, s24, s19, $0xb8;
	[tilespmem:$0x1E800] =	vst v63  }
0x78: {  	_ =	swait.ge [sflag:s17], $0x4000  }
0x79: {  	[sflag:s17] =	ssyncset.done $0x0  }
0x7a: {  	[sflag:s17] =	ssyncadd.s32 $0xFFFFC000  }
0x7b: {  	_ =	swait.ge [sflag:s22], $0x4000  }
0x7c: {  	[sflag:s22] =	ssyncset.done $0x0  }
0x7d: {  	[sflag:s22] =	ssyncadd.s32 $0xFFFFC000  }
0x7e: {  	[spmem:s2] =	stream.indirect.scatter.add.f32 [tilespmem:s20], [sflag:$0x3], $0x80, s25, s19, $0xb8;
	[tilespmem:$0x1E800] =	vst v63  }
0x7f: {  	_ =	swait.ge [sflag:s17], $0x4000  }
0x80: {  	[sflag:s17] =	ssyncset.done $0x0  }
0x81: {  	s30 =	simm.s32 $0x0;
	[sflag:s17] =	ssyncadd.s32 $0xFFFFC000  }
0x82: {  	[tilespmem:s30], [sflag:$0x3] =	stream.linear.gather [hbm4b:s14+s30], $0x1400, $0x38;
	[tilespmem:$0x1E800] =	vst v63  }
0x83: {  	_ =	swait.ge [sflag:s17], $0x1400  }
0x84: {  	[sflag:s17] =	ssyncset.done $0x0  }
0x85: {  	[sflag:s17] =	ssyncadd.s32 $0xFFFFEC00  }
0x86: {  	[tilespmem:s18], [sflag:$0x3] =	stream.linear.gather [hbm4b:s15+s30], $0x1400, $0x38;
	[tilespmem:$0x1E800] =	vst v63  }
0x87: {  	_ =	swait.ge [sflag:s17], $0x1400  }
0x88: {  	[sflag:s17] =	ssyncset.done $0x0  }
0x89: {  	[sflag:s17] =	ssyncadd.s32 $0xFFFFEC00  }
0x8a: {  	[tilespmem:s16], [sflag:$0x1] =	stream.indirect.gather [hbm4b:s4+s19], $0x80, s30, s19, $0xb8;
	[tilespmem:$0x1E800] =	vst v63  }
0x8b: {  	s31 =	simm.s32 $0x80  }
0x8c: {  	[tilespmem:s20], [sflag:$0x2] =	stream.indirect.gather [hbm4b:s4+s19], $0x80, s31, s19, $0xb8;
	[tilespmem:$0x1E800] =	vst v63  }
0x8d: {  	_ =	swait.ge [sflag:s21], $0x4000  }
0x8e: {  	[sflag:s21] =	ssyncset.done $0x0  }
0x8f: {  	s29 =	simm.s32 $0x1400;
	[sflag:s21] =	ssyncadd.s32 $0xFFFFC000  }
0x90: {  	[spmem:s2] =	stream.indirect.scatter.add.f32 [tilespmem:s16], [sflag:$0x3], $0x80, s29, s19, $0xb8;
	[tilespmem:$0x1E800] =	vst v63  }
0x91: {  	_ =	swait.ge [sflag:s17], $0x4000  }
0x92: {  	[sflag:s17] =	ssyncset.done $0x0  }
0x93: {  	s30 =	simm.s32 $0x100;
	[sflag:s17] =	ssyncadd.s32 $0xFFFFC000  }
0x94: {  	[tilespmem:s16], [sflag:$0x1] =	stream.indirect.gather [hbm4b:s4+s19], $0x80, s30, s19, $0xb8;
	[tilespmem:$0x1E800] =	vst v63  }
0x95: {  	_ =	swait.ge [sflag:s22], $0x4000  }
0x96: {  	[sflag:s22] =	ssyncset.done $0x0  }
0x97: {  	s31 =	simm.s32 $0x1480;
	[sflag:s22] =	ssyncadd.s32 $0xFFFFC000  }
0x98: {  	[spmem:s2] =	stream.indirect.scatter.add.f32 [tilespmem:s20], [sflag:$0x3], $0x80, s31, s19, $0xb8;
	[tilespmem:$0x1E800] =	vst v63  }
0x99: {  	_ =	swait.ge [sflag:s17], $0x4000  }
0x9a: {  	s26 =	simm.s32 $0x100;
	s28 =	simm.s32 $0x800;
	[sflag:s17] =	ssyncset.done $0x0  }
.LBB2_6:
0x9b: {  	s29 =	sadd.s32 $0x80, s26  }
0x9c: {  	[sflag:s17] =	ssyncadd.s32 $0xFFFFC000;
	s30 =	smov.u32 s28;
	s31 =	sadd.s32 $0x400, s28  }
0x9d: {  	[tilespmem:s20], [sflag:$0x2] =	stream.indirect.gather [hbm4b:s4+s19], $0x80, s29, s19, $0xb8;
	[tilespmem:$0x1E800] =	vst v63  }
0x9e: {  	p0 =	sne.s32 s28, $0x4800;
	_ =	swait.ge [sflag:s21], $0x4000  }
0x9f: {  	[sflag:s21] =	ssyncset.done $0x0  }
0xa0: {  	s28 =	sadd.s32 $0x1400, s26;
	[sflag:s21] =	ssyncadd.s32 $0xFFFFC000  }
0xa1: {  	[spmem:s2] =	stream.indirect.scatter.add.f32 [tilespmem:s16], [sflag:$0x3], $0x80, s28, s19, $0xb8;
	[tilespmem:$0x1E800] =	vst v63  }
0xa2: {  	_ =	swait.ge [sflag:s17], $0x4000  }
0xa3: {  	[sflag:s17] =	ssyncset.done $0x0  }
0xa4: {  	s28 =	sadd.s32 $0x100, s26;
	[sflag:s17] =	ssyncadd.s32 $0xFFFFC000  }
0xa5: {  	[tilespmem:s16], [sflag:$0x1] =	stream.indirect.gather [hbm4b:s4+s19], $0x80, s28, s19, $0xb8;
	[tilespmem:$0x1E800] =	vst v63  }
0xa6: {  	_ =	swait.ge [sflag:s22], $0x4000  }
.Ltmp2:
0xa7: {  	[sflag:s22] =	ssyncset.done $0x0;
	(pc) =	sbr.rel @p0 .LBB2_6-.Ltmp2, $4  }
0xa8: {  	s26 =	sadd.s32 $0x1480, s26;
	[sflag:s22] =	ssyncadd.s32 $0xFFFFC000  }
0xa9: {  	[spmem:s2] =	stream.indirect.scatter.add.f32 [tilespmem:s20], [sflag:$0x3], $0x80, s26, s19, $0xb8;
	[tilespmem:$0x1E800] =	vst v63  }
0xaa: {  	_ =	swait.ge [sflag:s17], $0x4000  }
0xab: {  	s28 =	smov.u32 s31;
	s26 =	sshra.s32 s30, $0x2;
	[sflag:s17] =	ssyncset.done $0x0  }
0xac: {  	s28 =	sadd.s32 $0x80, s26;
	[sflag:s17] =	ssyncadd.s32 $0xFFFFC000  }
0xad: {  	[tilespmem:s20], [sflag:$0x2] =	stream.indirect.gather [hbm4b:s4+s19], $0x80, s28, s19, $0xb8;
	[tilespmem:$0x1E800] =	vst v63  }
0xae: {  	_ =	swait.ge [sflag:s21], $0x4000  }
0xaf: {  	[sflag:s21] =	ssyncset.done $0x0  }
0xb0: {  	s30 =	sadd.s32 $0x1400, s26;
	[sflag:s21] =	ssyncadd.s32 $0xFFFFC000  }
0xb1: {  	[spmem:s2] =	stream.indirect.scatter.add.f32 [tilespmem:s16], [sflag:$0x3], $0x80, s30, s19, $0xb8;
	[tilespmem:$0x1E800] =	vst v63  }
0xb2: {  	_ =	swait.ge [sflag:s17], $0x4000  }
0xb3: {  	[sflag:s17] =	ssyncset.done $0x0  }
0xb4: {  	s31 =	sadd.s32 $0x100, s26;
	[sflag:s17] =	ssyncadd.s32 $0xFFFFC000  }
0xb5: {  	[tilespmem:s16], [sflag:$0x1] =	stream.indirect.gather [hbm4b:s4+s19], $0x80, s31, s19, $0xb8;
	[tilespmem:$0x1E800] =	vst v63  }
0xb6: {  	_ =	swait.ge [sflag:s22], $0x4000  }
0xb7: {  	[sflag:s22] =	ssyncset.done $0x0  }
0xb8: {  	s29 =	sadd.s32 $0x1480, s26;
	[sflag:s22] =	ssyncadd.s32 $0xFFFFC000  }
0xb9: {  	[spmem:s2] =	stream.indirect.scatter.add.f32 [tilespmem:s20], [sflag:$0x3], $0x80, s29, s19, $0xb8;
	[tilespmem:$0x1E800] =	vst v63  }
0xba: {  	_ =	swait.ge [sflag:s17], $0x4000  }
0xbb: {  	[sflag:s17] =	ssyncset.done $0x0  }
0xbc: {  	[sflag:s17] =	ssyncadd.s32 $0xFFFFC000  }
0xbd: {  	[tilespmem:s20], [sflag:$0x2] =	stream.indirect.gather [hbm4b:s4+s19], $0x80, s23, s19, $0xb8;
	[tilespmem:$0x1E800] =	vst v63  }
0xbe: {  	_ =	swait.ge [sflag:s21], $0x4000  }
0xbf: {  	[sflag:s21] =	ssyncset.done $0x0  }
0xc0: {  	[sflag:s21] =	ssyncadd.s32 $0xFFFFC000  }
0xc1: {  	[spmem:s2] =	stream.indirect.scatter.add.f32 [tilespmem:s16], [sflag:$0x3], $0x80, s24, s19, $0xb8;
	[tilespmem:$0x1E800] =	vst v63  }
0xc2: {  	_ =	swait.ge [sflag:s17], $0x4000  }
0xc3: {  	[sflag:s17] =	ssyncset.done $0x0  }
0xc4: {  	[sflag:s17] =	ssyncadd.s32 $0xFFFFC000  }
0xc5: {  	_ =	swait.ge [sflag:s22], $0x4000  }
0xc6: {  	[sflag:s22] =	ssyncset.done $0x0  }
0xc7: {  	[sflag:s22] =	ssyncadd.s32 $0xFFFFC000  }
0xc8: {  	[spmem:s2] =	stream.indirect.scatter.add.f32 [tilespmem:s20], [sflag:$0x3], $0x80, s25, s19, $0xb8;
	[tilespmem:$0x1E800] =	vst v63  }
0xc9: {  	_ =	swait.ge [sflag:s17], $0x4000  }
0xca: {  	s3 =	sadd.s32 $0x1, s3;
	s30 =	sshll.u32 s1, $0x6;
	[sflag:s17] =	ssyncset.done $0x0  }
0xcb: {  	p0 =	sne.s32 s3, s11;
	s26 =	sor.u32 $0x1C03, s30;
	[sflag:s17] =	ssyncadd.s32 $0xFFFFC000  }
.Ltmp3:
0xcc: {  	s31 =	sshrl.u32 s5, $0x3;
	[bflag:$0x0] =	sbarrier.arrive $0xFFFF;
	(pc) =	sbr.rel @p0 .LBB2_1-.Ltmp3, $4  }
0xcd: {  	[hbm:s10], [sflag:s26] =	dma.local [spmem:s31], $0x2800  }
0xce: {  	_ =	swait.ge [sflag:s17], $0x2800  }
0xcf: {  	[sflag:s17] =	ssyncset.done $0x0  }
0xd0: {  	[sflag:s17] =	ssyncadd.s32 $0xFFFFD800  }
0xd1: {  	_ =	sfence.sel $0x180000  }
0xd2: {  	[bflag:$0x0] =	sbarrier.arrive $0xFFFF  }
0xd3: {  	p0 =	sne.s32 s1, $0x0;
	_ =	strace $0x9000004A  }
0xd4: {  	s0 =	sadd.s32 @!p0 $0x100000, s0;
	[bflag:$0x2] =	sbarrier.arrive $0xFFFF  }
0xd5: {  	[sflag:s0] =	ssyncadd.tile.s32 @!p0 $0x1;
	_ =	shalt  }
.Lfunc_end2:
_tile_overlayer_lowered:
.L_overlay_start_2:
0xd6: {  	(tag) =	ssettag $0x2  }
0xd7: {  	s0 =	rddreg [dreg:$0x0];
	s2 =	stileid.u32  }
0xd8: {  	s1 =	rddreg [dreg:$0x1];
	p0 =	sne.s32 s2, $0x0  }
0xd9: {  	s3 =	rddreg [dreg:$0x2];
	[bflag:$0x3] =	sbarrier.arrive $0xFFFF;
	s2 =	simm.s32 @!p0 $0x1C03  }
0xda: {  	[timem:s3], [sflag:s2] =	dma.local @!p0 [hbm:s0], s1  }
0xdb: {  	s0 =	simm.s32 @!p0 $0x3  }
0xdc: {  	_ =	swait.ge @!p0 [sflag:s0], s1  }
0xdd: {  	s1 =	ssub.s32 @!p0 $0x0, s1;
	[sflag:s0] =	ssyncset.done @!p0 $0x0  }
0xde: {  	[sflag:s0] =	ssyncadd.s32 @!p0 s1  }
0xdf: {  	[bflag:$0x3] =	sbarrier.arrive $0xFFFF  }
0xe0: {  	_ =	shalt  }

// kernel: kernel.15.cloned.1.call-start
scs
__scs_entry_jumppad:
0x0: {  	(pc) =	sbr.rel $0x88, $3  }
0x1: {  	(tag) =	ssettag $0x0;
	lr =	simm.s32 $0x1  }
0x2: {  	[smem:$0x3F9A] =	sst lr;
	_ =	strace $0xD0000000  }
0x3: {  	_ = 	snop  }
0x4: {  	_ = 	snop  }
0x5: {  	_ = 	snop  }
0x6: {  	_ = 	snop  }
0x7: {  	_ = 	snop  }
__scs_overlays_trampoline_lowered:
0x8: {  	[smem:$0x3FA9] =	sst s0  }
0x9: {  	[smem:$0x3FAA] =	sst s1  }
0xa: {  	[smem:$0x3FAB] =	sst s2  }
0xb: {  	[smem:$0x3FAC] =	sst s3  }
0xc: {  	[smem:$0x3FAD] =	sst s4  }
0xd: {  	[smem:$0x3FAE] =	sst s5  }
0xe: {  	[smem:$0x3FAF] =	sst s6  }
0xf: {  	[smem:$0x3FB0] =	sst s7  }
0x10: {  	[smem:$0x3FB1] =	sst s8  }
0x11: {  	[smem:$0x3FB2] =	sst s9;
	s0 =	simm.s32 @!p0 $0x0  }
0x12: {  	s1 =	sld [smem:$0x3F98];
	s0 =	simm.s32 @p0 $0x1  }
0x13: {  	[smem:$0x3FB3] =	sst s0;
	s0 =	simm.s32 @!p1 $0x0  }
0x14: {  	s2 =	sld [smem:$0x3F97];
	s0 =	simm.s32 @p1 $0x1  }
0x15: {  	[smem:$0x3FB4] =	sst s0;
	s0 =	simm.s32 @!p2 $0x0  }
0x16: {  	s3 =	sld [smem:$0x3FDB];
	s0 =	simm.s32 @p2 $0x1  }
0x17: {  	s4 =	simm.s32 $0x1BF5;
	[smem:$0x3FB6] =	sst s0  }
0x18: {  	s0 =	sld [smem:$0x3F99];
	_ =	swait.ge [sflag:s4], $0x0  }
0x19: {  	s7 =	sld [smem:$0x3F9A]  }
0x1a: {  	s8 =	sadd.s32 $0xFFFFE003, lr  }
0x1b: {  	s9 =	sadd.s32 $0xFFFFFEF7, lr;
	s5 =	simm.s32 $0xFFFFFFFF;
	p2 =	slt.u32 s8, $0xFFFFF086  }
0x1c: {  	p1 =	slt.u32 s9, $0xF7A;
	s5 =	simm.s32 @!p2 $0x0  }
0x1d: {  	s5 =	simm.s32 @p1 $0x1;
	p0 =	seq.s32 s7, s2  }
0x1e: {  	s7 =	smul.u32 @!p0 $0xF7A, s2;
	p2 =	seq.s32 @!p0 s5, $0x0  }
0x1f: {  	s9 =	smul.u32 $0xF7A, s1;
	s8 =	simm.s32 @!p0 $0x1BF5;
	p2 =	por !p2, p0  }
0x20: {  	[sflag:s8] =	ssyncset.s32 @!p0 $0xFFFFF086;
	s6 =	sadd.s32 @!p0 s3, s7;
	s7 =	simm.s32 @!p0 $0x108  }
0x21: {  	s3 =	sadd.s32 s3, s9;
	s6 =	sadd.s32 @!p0 $0x88, s6;
	s7 =	simm.s32 @p2 $0x1082  }
0x22: {  	[simem:s7], [sflag:s8] =	dma.local @!p0 [hbm:s6], $0xF7A  }
0x23: {  	s9 =	sor.u32 $0xD0000000, s2;
	s6 =	simm.s32 $0x108;
	_ =	swait.ge @!p0 [sflag:s8], $0x0  }
0x24: {  	s3 =	sadd.s32 $0x88, s3;
	s6 =	simm.s32 @!p1 $0x1082;
	[sflag:s4] =	ssyncset.s32 $0xFFFFF086  }
0x25: {  	[simem:s6], [sflag:s4] =	dma.local [hbm:s3], $0xF7A  }
0x26: {  	[smem:$0x3F9A] =	sst s1;
	(tag) =	ssettag s2;
	_ =	strace s9  }
0x27: {  	s1 =	sld [smem:$0x3FAA]  }
0x28: {  	s2 =	sld [smem:$0x3FAB]  }
0x29: {  	s4 =	sld [smem:$0x3FAD]  }
0x2a: {  	p0 =	seq.s32 s5, $0x0;
	s5 =	sld [smem:$0x3FAE]  }
0x2b: {  	s6 =	sld [smem:$0x3FAF]  }
0x2c: {  	s7 =	sld [smem:$0x3FB0]  }
0x2d: {  	s3 =	simm.s32 $0x108;
	s8 =	sld [smem:$0x3FB1]  }
0x2e: {  	s3 =	simm.s32 @!p0 $0x1082;
	s9 =	sld [smem:$0x3FB2]  }
0x2f: {  	lr =	sadd.s32 s0, s3;
	s0 =	sld [smem:$0x3FA9]  }
0x30: {  	s3 =	sld [smem:$0x3FAC]  }
0x31: {  	[smem:$0x3FB5] =	sst s10  }
0x32: {  	s10 =	sld [smem:$0x3FB3];
	_ =	sdelay $0x3  }
0x33: {  	p0 =	seq.s32 s10, $0x1;
	s10 =	sld [smem:$0x3FB5];
	_ =	sdelay $0x3  }
0x34: {  	[smem:$0x3FB5] =	sst s10  }
0x35: {  	s10 =	sld [smem:$0x3FB4];
	_ =	sdelay $0x3  }
0x36: {  	p1 =	seq.s32 s10, $0x1;
	s10 =	sld [smem:$0x3FB5];
	_ =	sdelay $0x3  }
0x37: {  	[smem:$0x3FB5] =	sst s10  }
0x38: {  	s10 =	sld [smem:$0x3FB6]  }
0x39: {  	_ = 	snop;
	(pc) =	sbr.ind lr, $3  }
0x3a: {  	_ = 	snop  }
0x3b: {  	_ = 	snop  }
0x3c: {  	p2 =	seq.s32 s10, $0x1;
	s10 =	sld [smem:$0x3FB5]  }
0x3d: {  	_ =	shalt  }
0x3e: {  	_ =	shalt  }
0x3f: {  	_ =	shalt  }
0x40: {  	_ =	shalt  }
0x41: {  	_ =	shalt  }
0x42: {  	_ =	shalt  }
0x43: {  	_ =	shalt  }
0x44: {  	_ =	shalt  }
0x45: {  	_ =	shalt  }
0x46: {  	_ =	shalt  }
0x47: {  	_ =	shalt  }
0x48: {  	_ =	shalt  }
0x49: {  	_ =	shalt  }
0x4a: {  	_ =	shalt  }
0x4b: {  	_ =	shalt  }
0x4c: {  	_ =	shalt  }
0x4d: {  	_ =	shalt  }
0x4e: {  	_ =	shalt  }
0x4f: {  	_ =	shalt  }
0x50: {  	_ =	shalt  }
0x51: {  	_ =	shalt  }
0x52: {  	_ =	shalt  }
0x53: {  	_ =	shalt  }
0x54: {  	_ =	shalt  }
0x55: {  	_ =	shalt  }
0x56: {  	_ =	shalt  }
0x57: {  	_ =	shalt  }
0x58: {  	_ =	shalt  }
0x59: {  	_ =	shalt  }
0x5a: {  	_ =	shalt  }
0x5b: {  	_ =	shalt  }
0x5c: {  	_ =	shalt  }
0x5d: {  	_ =	shalt  }
0x5e: {  	_ =	shalt  }
0x5f: {  	_ =	shalt  }
0x60: {  	_ =	shalt  }
0x61: {  	_ =	shalt  }
0x62: {  	_ =	shalt  }
0x63: {  	_ =	shalt  }
0x64: {  	_ =	shalt  }
0x65: {  	_ =	shalt  }
0x66: {  	_ =	shalt  }
0x67: {  	_ =	shalt  }
0x68: {  	_ =	shalt  }
0x69: {  	_ =	shalt  }
0x6a: {  	_ =	shalt  }
0x6b: {  	_ =	shalt  }
0x6c: {  	_ =	shalt  }
0x6d: {  	_ =	shalt  }
0x6e: {  	_ =	shalt  }
0x6f: {  	_ =	shalt  }
0x70: {  	_ =	shalt  }
0x71: {  	_ =	shalt  }
0x72: {  	_ =	shalt  }
0x73: {  	_ =	shalt  }
0x74: {  	_ =	shalt  }
0x75: {  	_ =	shalt  }
0x76: {  	_ =	shalt  }
0x77: {  	_ =	shalt  }
0x78: {  	_ =	shalt  }
0x79: {  	_ =	shalt  }
0x7a: {  	_ =	shalt  }
0x7b: {  	_ =	shalt  }
0x7c: {  	_ =	shalt  }
0x7d: {  	_ =	shalt  }
0x7e: {  	_ =	shalt  }
0x7f: {  	_ =	shalt  }
0x80: {  	_ =	shalt  }
0x81: {  	_ =	shalt  }
0x82: {  	_ =	shalt  }
0x83: {  	_ =	shalt  }
0x84: {  	_ =	shalt  }
0x85: {  	_ =	shalt  }
0x86: {  	_ =	shalt  }
0x87: {  	_ =	shalt  }
.Lfunc_end0:
.L_simem_size_0:
called_computation.2_lowered:
.L_overlay_start_0:
0x88: {  	s2 =	sld [smem:$0x3FD9]  }
0x89: {  	s3 =	sld [smem:$0x3FFE];
	_ =	sdelay $0x1  }
0x8a: {  	s1 =	srdreg.scid  }
0x8b: {  	s0 =	sand.u32 $0x1, s1  }
0x8c: {  	s17 =	sshll.u32 s0, $0xA;
	s2 =	sadd.s32 s3, s2  }
0x8d: {  	s2 =	sadd.s32 s2, s17  }
0x8e: {  	[smem:$0x3FC1] =	sst s2  }
0x8f: {  	_ = 	snop  }
0x90: {  	s2 =	sld [smem:$0x3FD0];
	(tm) =	ssettm $0x1  }
0x91: {  	s18 =	sld [smem:$0x3FFB];
	_ =	sdelay $0x3  }
0x92: {  	_ =	strace s18  }
0x93: {  	s3 =	sld [smem:$0x3FFC];
	_ =	sdelay $0x3  }
0x94: {  	_ =	strace s3  }
0x95: {  	s3 =	sld [smem:$0x3FFD];
	_ =	sdelay $0x3  }
0x96: {  	_ =	strace s3  }
0x97: {  	_ =	strace $0x8FFFFFFF  }
0x98: {  	s19 =	sld [smem:$0x3FDB];
	_ =	sdelay $0x1  }
0x99: {  	s4 =	simm.s32 $_scs_section_size  }
0x9a: {  	s5 =	simm.s32 $_size__tile_overlayer_lowered;
	s6 =	simm.s32 $_tile_overlayer_lowered  }
0x9b: {  	s22 =	simm.s32 $0x1BFF;
	s21 =	sshll.u32 s6, $0x1;
	s3 =	sadd.s32 s4, s19  }
0x9c: {  	s7 =	simm.s32 $0x0;
	s20 =	sshll.u32 s5, $0x1;
	s5 =	sadd.s32 s21, s3  }
0x9d: {  	[timem:s7], [sflag:s22] =	dma.local [hbm:s5], s20  }
0x9e: {  	_ =	swait.ge [sflag:s22], s20  }
0x9f: {  	s4 =	ssub.s32 $0x0, s20;
	[sflag:s22] =	ssyncset.done $0x0  }
0xa0: {  	[sflag:s22] =	ssyncadd.s32 s4;
	_ =	sdelay $0x1  }
0xa1: {  	s23 =	simm.s32 $0x1B8B  }
0xa2: {  	_ =	swait.ge [sflag:s23], $0x1  }
0xa3: {  	[sflag:s23] =	ssyncset.done $0x0  }
0xa4: {  	s25 =	simm.s32 $0x1B8E;
	s24 =	sld [smem:$0x3FFE];
	[sflag:s23] =	ssyncadd.s32 $0xFFFFFFFF  }
0xa5: {  	s26 =	simm.s32 $execute0_lowered;
	[smem:$0x3FD2] =	sst s25  }
0xa6: {  	s5 =	sshll.u32 s26, $0x1;
	_ =	strace $0x8000004C;
	[dreg:$0x1] =	wrdreg $0xFFFFFFFF  }
0xa7: {  	s28 =	simm.s32 $_size_execute0_lowered;
	s3 =	sadd.s32 s3, s5;
	[dreg:$0x0] =	wrdreg $0x0  }
0xa8: {  	s5 =	sshll.u32 s28, $0x1;
	[dreg:$0x2] =	wrdreg s3  }
0xa9: {  	[dreg:$0x3] =	wrdreg s5  }
0xaa: {  	[dreg:$0x4] =	wrdreg $0xC0  }
0xab: {  	_ =	task [dreg:s7], $0x5FFFF  }
0xac: {  	[dreg:$0x1] =	wrdreg $0xFFFFFFFF  }
0xad: {  	[dreg:$0x0] =	wrdreg $0x60  }
0xae: {  	[dreg:$0x2] =	wrdreg s24  }
0xaf: {  	[dreg:$0x3] =	wrdreg s2  }
0xb0: {  	[dreg:$0x4] =	wrdreg $0xA8000  }
0xb1: {  	[dreg:$0x5] =	wrdreg $0x9  }
0xb2: {  	_ =	task.clear_ibuf [dreg:s7], $0x6FFFF;
	_ =	strace $0x9000004C  }
0xb3: {  	s29 =	simm.s32 $0x9;
	_ =	strace $0x8000004E  }
0xb4: {  	_ =	swait.ge [sflag:s29], $0x1  }
0xb5: {  	[sflag:s29] =	ssyncadd.s32 $0xFFFFFFFF  }
0xb6: {  	_ =	strace $0x9000004E  }
0xb7: {  	_ =	sfence  }
0xb8: {  	s30 =	sld [smem:$0x0];
	_ =	sdelay $0x2  }
0xb9: {  	s31 =	sshll.u32 s1, $0xD;
	s1 =	sshrl.u32 s1, $0x2  }
0xba: {  	s3 =	sand.u32 $0x4000, s31;
	s1 =	sadd.s32 s1, s30  }
0xbb: {  	s0 =	sor.u32 s3, s0;
	s1 =	sshll.u32 s1, $0x11  }
0xbc: {  	s0 =	sor.u32 s1, s0  }
0xbd: {  	s0 =	sadd.s32 $0x8F2B, s0  }
0xbe: {  	[sflag:s0] =	ssyncadd.remote.s32 $0x1  }
0xbf: {  	_ =	sfence.sel $0xFFFF  }
0xc0: {  	[dreg:$0x0] =	wrdreg $0xFFFFFFFF;
	(pc) =	sbr.abs _section_cstart, $3  }
0xc1: {  	[dreg:$0x1] =	wrdreg $0xFFFFFFFF  }
0xc2: {  	_ =	task.clear_ibuf [dreg:s7], $0x2FFFF;
	_ =	strace $0x9FFFFFFF  }
0xc3: {  	(tm) =	ssettm $0x7FFFFFFF  }
tec
execute0_lowered:
.L_overlay_start_1:
0x0: {  	(tag) =	ssettag $0x1  }
0x1: {  	s5 =	rddreg [dreg:$0x0]  }
0x2: {  	s15 =	rddreg [dreg:$0x1];
	s0 =	srdreg.scid  }
0x3: {  	s2 =	rddreg [dreg:$0x2];
	s1 =	stileid.u32  }
0x4: {  	s3 =	simm.s32 $0x0;
	s17 =	simm.s32 $0x3;
	s18 =	simm.s32 $0x1400  }
0x5: {  	s19 =	simm.s32 $0x80;
	s20 =	simm.s32 $0x6800;
	s21 =	simm.s32 $0x1  }
0x6: {  	s22 =	simm.s32 $0x2;
	s23 =	simm.s32 $0x1380;
	s24 =	simm.s32 $0x2700  }
0x7: {  	s6 =	sand.u32 $0x1, s0;
	s0 =	rddreg [dreg:$0x3];
	s7 =	smul.u32 $0x14000, s1  }
0x8: {  	s25 =	simm.s32 $0x2780;
	[smem:$0x7FF] =	sst s3;
	s8 =	smul.u32 $0x50000, s1  }
0x9: {  	s14 =	sadd.s32 $0x3200, s5;
	s4 =	smul.u32 $0x140000, s6;
	_ =	strace $0x8000004D  }
0xa: {  	s29 =	ssub.s32 $0x2, s6;
	s6 =	sshll.u32 s6, $0x4;
	s30 =	sshrl.u32 s8, $0x2  }
0xb: {  	s31 =	sshrl.u32 s29, $0x1;
	s9 =	sor.u32 s1, s6;
	s7 =	sadd.s32 s7, s4  }
0xc: {  	s11 =	ssub.s32 s29, s31;
	s16 =	smul.u32 $0x500, s9;
	s7 =	sshrl.u32 s7, $0x3  }
0xd: {  	s4 =	sadd.s32 $0xD200, s5;
	s11 =	smax.u32 s11, $0x1;
	s10 =	sadd.s32 s7, s5  }
0xe: {  	s5 =	sadd.s32 s30, s2;
	s12 =	sadd.s32 s14, s16;
	s13 =	sadd.s32 s15, s16  }
0xf: {  	s16 =	sadd.s32 $0x280, s16;
	s6 =	sadd.s32 $0x4000, s5;
	s7 =	sadd.s32 $0x8000, s5  }
0x10: {  	s8 =	sadd.s32 $0xC000, s5;
	s9 =	sadd.s32 $0x10000, s5;
	s10 =	sadd.s32 $0x2CC600, s10  }
0x11: {  	v0 =	vimm.f32 $0.0e+00;
	s14 =	sadd.s32 s14, s16;
	s15 =	sadd.s32 s15, s16;
	s16 =	simm.s32 $0x2800  }
.LBB2_1:
0x12: {  	s26 =	simm.s32 $0x0;
	s28 =	simm.s32 $0x200  }
.LBB2_2:
0x13: {  	p0 =	sne.s32 s28, $0xFE00;
	[tilespmem:s26+$0x2870] =	vst v0  }
0x14: {  	[tilespmem:s26+$0x2800] =	vst v0  }
0x15: {  	[tilespmem:s26+$0x2810] =	vst v0  }
.Ltmp0:
0x16: {  	[tilespmem:s26+$0x2820] =	vst v0;
	(pc) =	sbr.rel @p0 .LBB2_2-.Ltmp0, $4  }
0x17: {  	[tilespmem:s26+$0x2830] =	vst v0  }
0x18: {  	[tilespmem:s26+$0x2840] =	vst v0  }
0x19: {  	[tilespmem:s26+$0x2850] =	vst v0  }
0x1a: {  	[tilespmem:s26+$0x2860] =	vst v0;
	s26 =	sshra.s32 s28, $0x2;
	s28 =	sadd.s32 $0x200, s28  }
0x1b: {  	[tilespmem:s26+$0x2870] =	vst v0  }
0x1c: {  	[tilespmem:s26+$0x2800] =	vst v0  }
0x1d: {  	[tilespmem:s26+$0x2810] =	vst v0  }
0x1e: {  	[tilespmem:s26+$0x2820] =	vst v0  }
0x1f: {  	[tilespmem:s26+$0x2830] =	vst v0  }
0x20: {  	[tilespmem:s26+$0x2840] =	vst v0  }
0x21: {  	[tilespmem:s26+$0x2850] =	vst v0  }
0x22: {  	[tilespmem:s26+$0x2860] =	vst v0  }
0x23: {  	[spmem:s5] =	stream.linear.scatter [tilespmem:s16], [sflag:$0x3], $0x4000, $0x38;
	[tilespmem:$0x1E800] =	vst v63  }
0x24: {  	_ =	swait.ge [sflag:s17], $0x4000  }
0x25: {  	[sflag:s17] =	ssyncset.done $0x0  }
0x26: {  	[sflag:s17] =	ssyncadd.s32 $0xFFFFC000  }
0x27: {  	[spmem:s6] =	stream.linear.scatter [tilespmem:s16], [sflag:$0x3], $0x4000, $0x38;
	[tilespmem:$0x1E800] =	vst v63  }
0x28: {  	_ =	swait.ge [sflag:s17], $0x4000  }
0x29: {  	[sflag:s17] =	ssyncset.done $0x0  }
0x2a: {  	[sflag:s17] =	ssyncadd.s32 $0xFFFFC000  }
0x2b: {  	[spmem:s7] =	stream.linear.scatter [tilespmem:s16], [sflag:$0x3], $0x4000, $0x38;
	[tilespmem:$0x1E800] =	vst v63  }
0x2c: {  	_ =	swait.ge [sflag:s17], $0x4000  }
0x2d: {  	[sflag:s17] =	ssyncset.done $0x0  }
0x2e: {  	[sflag:s17] =	ssyncadd.s32 $0xFFFFC000  }
0x2f: {  	[spmem:s8] =	stream.linear.scatter [tilespmem:s16], [sflag:$0x3], $0x4000, $0x38;
	[tilespmem:$0x1E800] =	vst v63  }
0x30: {  	_ =	swait.ge [sflag:s17], $0x4000  }
0x31: {  	[sflag:s17] =	ssyncset.done $0x0  }
0x32: {  	[sflag:s17] =	ssyncadd.s32 $0xFFFFC000  }
0x33: {  	[spmem:s9] =	stream.linear.scatter [tilespmem:s16], [sflag:$0x3], $0x4000, $0x38;
	[tilespmem:$0x1E800] =	vst v63  }
0x34: {  	_ =	swait.ge [sflag:s17], $0x4000  }
0x35: {  	[sflag:s17] =	ssyncset.done $0x0  }
0x36: {  	[sflag:s17] =	ssyncadd.s32 $0xFFFFC000  }
0x37: {  	s30 =	simm.s32 $0x0;
	[bflag:$0x0] =	sbarrier.arrive $0xFFFF  }
0x38: {  	[tilespmem:s30], [sflag:$0x3] =	stream.linear.gather [hbm4b:s12+s30], $0x1400, $0x38;
	[tilespmem:$0x1E800] =	vst v63  }
0x39: {  	_ =	swait.ge [sflag:s17], $0x1400  }
0x3a: {  	[sflag:s17] =	ssyncset.done $0x0  }
0x3b: {  	[sflag:s17] =	ssyncadd.s32 $0xFFFFEC00  }
0x3c: {  	[tilespmem:s18], [sflag:$0x3] =	stream.linear.gather [hbm4b:s13+s30], $0x1400, $0x38;
	[tilespmem:$0x1E800] =	vst v63  }
0x3d: {  	_ =	swait.ge [sflag:s17], $0x1400  }
0x3e: {  	[sflag:s17] =	ssyncset.done $0x0  }
0x3f: {  	[sflag:s17] =	ssyncadd.s32 $0xFFFFEC00  }
0x40: {  	[tilespmem:s16], [sflag:$0x1] =	stream.indirect.gather [hbm4b:s4+s19], $0x80, s30, s19, $0xb8;
	[tilespmem:$0x1E800] =	vst v63  }
0x41: {  	s31 =	simm.s32 $0x80  }
0x42: {  	[tilespmem:s20], [sflag:$0x2] =	stream.indirect.gather [hbm4b:s4+s19], $0x80, s31, s19, $0xb8;
	[tilespmem:$0x1E800] =	vst v63  }
0x43: {  	_ =	swait.ge [sflag:s21], $0x4000  }
0x44: {  	[sflag:s21] =	ssyncset.done $0x0  }
0x45: {  	s29 =	simm.s32 $0x1400;
	[sflag:s21] =	ssyncadd.s32 $0xFFFFC000  }
0x46: {  	[spmem:s2] =	stream.indirect.scatter.add.f32 [tilespmem:s16], [sflag:$0x3], $0x80, s29, s19, $0xb8;
	[tilespmem:$0x1E800] =	vst v63  }
0x47: {  	_ =	swait.ge [sflag:s17], $0x4000  }
0x48: {  	[sflag:s17] =	ssyncset.done $0x0  }
0x49: {  	s30 =	simm.s32 $0x100;
	[sflag:s17] =	ssyncadd.s32 $0xFFFFC000  }
0x4a: {  	[tilespmem:s16], [sflag:$0x1] =	stream.indirect.gather [hbm4b:s4+s19], $0x80, s30, s19, $0xb8;
	[tilespmem:$0x1E800] =	vst v63  }
0x4b: {  	_ =	swait.ge [sflag:s22], $0x4000  }
0x4c: {  	[sflag:s22] =	ssyncset.done $0x0  }
0x4d: {  	s31 =	simm.s32 $0x1480;
	[sflag:s22] =	ssyncadd.s32 $0xFFFFC000  }
0x4e: {  	[spmem:s2] =	stream.indirect.scatter.add.f32 [tilespmem:s20], [sflag:$0x3], $0x80, s31, s19, $0xb8;
	[tilespmem:$0x1E800] =	vst v63  }
0x4f: {  	_ =	swait.ge [sflag:s17], $0x4000  }
0x50: {  	s28 =	simm.s32 $0x800;
	s26 =	simm.s32 $0x100;
	[sflag:s17] =	ssyncset.done $0x0  }
.LBB2_4:
0x51: {  	s29 =	sadd.s32 $0x80, s26  }
0x52: {  	[sflag:s17] =	ssyncadd.s32 $0xFFFFC000;
	s30 =	smov.u32 s28;
	s31 =	sadd.s32 $0x400, s28  }
0x53: {  	[tilespmem:s20], [sflag:$0x2] =	stream.indirect.gather [hbm4b:s4+s19], $0x80, s29, s19, $0xb8;
	[tilespmem:$0x1E800] =	vst v63  }
0x54: {  	p0 =	sne.s32 s28, $0x4800;
	_ =	swait.ge [sflag:s21], $0x4000  }
0x55: {  	[sflag:s21] =	ssyncset.done $0x0  }
0x56: {  	s28 =	sadd.s32 $0x1400, s26;
	[sflag:s21] =	ssyncadd.s32 $0xFFFFC000  }
0x57: {  	[spmem:s2] =	stream.indirect.scatter.add.f32 [tilespmem:s16], [sflag:$0x3], $0x80, s28, s19, $0xb8;
	[tilespmem:$0x1E800] =	vst v63  }
0x58: {  	_ =	swait.ge [sflag:s17], $0x4000  }
0x59: {  	[sflag:s17] =	ssyncset.done $0x0  }
0x5a: {  	s28 =	sadd.s32 $0x100, s26;
	[sflag:s17] =	ssyncadd.s32 $0xFFFFC000  }
0x5b: {  	[tilespmem:s16], [sflag:$0x1] =	stream.indirect.gather [hbm4b:s4+s19], $0x80, s28, s19, $0xb8;
	[tilespmem:$0x1E800] =	vst v63  }
0x5c: {  	_ =	swait.ge [sflag:s22], $0x4000  }
.Ltmp1:
0x5d: {  	[sflag:s22] =	ssyncset.done $0x0;
	(pc) =	sbr.rel @p0 .LBB2_4-.Ltmp1, $4  }
0x5e: {  	s26 =	sadd.s32 $0x1480, s26;
	[sflag:s22] =	ssyncadd.s32 $0xFFFFC000  }
0x5f: {  	[spmem:s2] =	stream.indirect.scatter.add.f32 [tilespmem:s20], [sflag:$0x3], $0x80, s26, s19, $0xb8;
	[tilespmem:$0x1E800] =	vst v63  }
0x60: {  	_ =	swait.ge [sflag:s17], $0x4000  }
0x61: {  	s28 =	smov.u32 s31;
	s26 =	sshra.s32 s30, $0x2;
	[sflag:s17] =	ssyncset.done $0x0  }
0x62: {  	s28 =	sadd.s32 $0x80, s26;
	[sflag:s17] =	ssyncadd.s32 $0xFFFFC000  }
0x63: {  	[tilespmem:s20], [sflag:$0x2] =	stream.indirect.gather [hbm4b:s4+s19], $0x80, s28, s19, $0xb8;
	[tilespmem:$0x1E800] =	vst v63  }
0x64: {  	_ =	swait.ge [sflag:s21], $0x4000  }
0x65: {  	[sflag:s21] =	ssyncset.done $0x0  }
0x66: {  	s28 =	sadd.s32 $0x1400, s26;
	[sflag:s21] =	ssyncadd.s32 $0xFFFFC000  }
0x67: {  	[spmem:s2] =	stream.indirect.scatter.add.f32 [tilespmem:s16], [sflag:$0x3], $0x80, s28, s19, $0xb8;
	[tilespmem:$0x1E800] =	vst v63  }
0x68: {  	_ =	swait.ge [sflag:s17], $0x4000  }
0x69: {  	[sflag:s17] =	ssyncset.done $0x0  }
0x6a: {  	s28 =	sadd.s32 $0x100, s26;
	[sflag:s17] =	ssyncadd.s32 $0xFFFFC000  }
0x6b: {  	[tilespmem:s16], [sflag:$0x1] =	stream.indirect.gather [hbm4b:s4+s19], $0x80, s28, s19, $0xb8;
	[tilespmem:$0x1E800] =	vst v63  }
0x6c: {  	_ =	swait.ge [sflag:s22], $0x4000  }
0x6d: {  	[sflag:s22] =	ssyncset.done $0x0  }
0x6e: {  	s29 =	sadd.s32 $0x1480, s26;
	[sflag:s22] =	ssyncadd.s32 $0xFFFFC000  }
0x6f: {  	[spmem:s2] =	stream.indirect.scatter.add.f32 [tilespmem:s20], [sflag:$0x3], $0x80, s29, s19, $0xb8;
	[tilespmem:$0x1E800] =	vst v63  }
0x70: {  	_ =	swait.ge [sflag:s17], $0x4000  }
0x71: {  	[sflag:s17] =	ssyncset.done $0x0  }
0x72: {  	[sflag:s17] =	ssyncadd.s32 $0xFFFFC000  }
0x73: {  	[tilespmem:s20], [sflag:$0x2] =	stream.indirect.gather [hbm4b:s4+s19], $0x80, s23, s19, $0xb8;
	[tilespmem:$0x1E800] =	vst v63  }
0x74: {  	_ =	swait.ge [sflag:s21], $0x4000  }
0x75: {  	[sflag:s21] =	ssyncset.done $0x0  }
0x76: {  	[sflag:s21] =	ssyncadd.s32 $0xFFFFC000  }
0x77: {  	[spmem:s2] =	stream.indirect.scatter.add.f32 [tilespmem:s16], [sflag:$0x3], $0x80, s24, s19, $0xb8;
	[tilespmem:$0x1E800] =	vst v63  }
0x78: {  	_ =	swait.ge [sflag:s17], $0x4000  }
0x79: {  	[sflag:s17] =	ssyncset.done $0x0  }
0x7a: {  	[sflag:s17] =	ssyncadd.s32 $0xFFFFC000  }
0x7b: {  	_ =	swait.ge [sflag:s22], $0x4000  }
0x7c: {  	[sflag:s22] =	ssyncset.done $0x0  }
0x7d: {  	[sflag:s22] =	ssyncadd.s32 $0xFFFFC000  }
0x7e: {  	[spmem:s2] =	stream.indirect.scatter.add.f32 [tilespmem:s20], [sflag:$0x3], $0x80, s25, s19, $0xb8;
	[tilespmem:$0x1E800] =	vst v63  }
0x7f: {  	_ =	swait.ge [sflag:s17], $0x4000  }
0x80: {  	[sflag:s17] =	ssyncset.done $0x0  }
0x81: {  	s30 =	simm.s32 $0x0;
	[sflag:s17] =	ssyncadd.s32 $0xFFFFC000  }
0x82: {  	[tilespmem:s30], [sflag:$0x3] =	stream.linear.gather [hbm4b:s14+s30], $0x1400, $0x38;
	[tilespmem:$0x1E800] =	vst v63  }
0x83: {  	_ =	swait.ge [sflag:s17], $0x1400  }
0x84: {  	[sflag:s17] =	ssyncset.done $0x0  }
0x85: {  	[sflag:s17] =	ssyncadd.s32 $0xFFFFEC00  }
0x86: {  	[tilespmem:s18], [sflag:$0x3] =	stream.linear.gather [hbm4b:s15+s30], $0x1400, $0x38;
	[tilespmem:$0x1E800] =	vst v63  }
0x87: {  	_ =	swait.ge [sflag:s17], $0x1400  }
0x88: {  	[sflag:s17] =	ssyncset.done $0x0  }
0x89: {  	[sflag:s17] =	ssyncadd.s32 $0xFFFFEC00  }
0x8a: {  	[tilespmem:s16], [sflag:$0x1] =	stream.indirect.gather [hbm4b:s4+s19], $0x80, s30, s19, $0xb8;
	[tilespmem:$0x1E800] =	vst v63  }
0x8b: {  	s31 =	simm.s32 $0x80  }
0x8c: {  	[tilespmem:s20], [sflag:$0x2] =	stream.indirect.gather [hbm4b:s4+s19], $0x80, s31, s19, $0xb8;
	[tilespmem:$0x1E800] =	vst v63  }
0x8d: {  	_ =	swait.ge [sflag:s21], $0x4000  }
0x8e: {  	[sflag:s21] =	ssyncset.done $0x0  }
0x8f: {  	s29 =	simm.s32 $0x1400;
	[sflag:s21] =	ssyncadd.s32 $0xFFFFC000  }
0x90: {  	[spmem:s2] =	stream.indirect.scatter.add.f32 [tilespmem:s16], [sflag:$0x3], $0x80, s29, s19, $0xb8;
	[tilespmem:$0x1E800] =	vst v63  }
0x91: {  	_ =	swait.ge [sflag:s17], $0x4000  }
0x92: {  	[sflag:s17] =	ssyncset.done $0x0  }
0x93: {  	s30 =	simm.s32 $0x100;
	[sflag:s17] =	ssyncadd.s32 $0xFFFFC000  }
0x94: {  	[tilespmem:s16], [sflag:$0x1] =	stream.indirect.gather [hbm4b:s4+s19], $0x80, s30, s19, $0xb8;
	[tilespmem:$0x1E800] =	vst v63  }
0x95: {  	_ =	swait.ge [sflag:s22], $0x4000  }
0x96: {  	[sflag:s22] =	ssyncset.done $0x0  }
0x97: {  	s31 =	simm.s32 $0x1480;
	[sflag:s22] =	ssyncadd.s32 $0xFFFFC000  }
0x98: {  	[spmem:s2] =	stream.indirect.scatter.add.f32 [tilespmem:s20], [sflag:$0x3], $0x80, s31, s19, $0xb8;
	[tilespmem:$0x1E800] =	vst v63  }
0x99: {  	_ =	swait.ge [sflag:s17], $0x4000  }
0x9a: {  	s26 =	simm.s32 $0x100;
	s28 =	simm.s32 $0x800;
	[sflag:s17] =	ssyncset.done $0x0  }
.LBB2_6:
0x9b: {  	s29 =	sadd.s32 $0x80, s26  }
0x9c: {  	[sflag:s17] =	ssyncadd.s32 $0xFFFFC000;
	s30 =	smov.u32 s28;
	s31 =	sadd.s32 $0x400, s28  }
0x9d: {  	[tilespmem:s20], [sflag:$0x2] =	stream.indirect.gather [hbm4b:s4+s19], $0x80, s29, s19, $0xb8;
	[tilespmem:$0x1E800] =	vst v63  }
0x9e: {  	p0 =	sne.s32 s28, $0x4800;
	_ =	swait.ge [sflag:s21], $0x4000  }
0x9f: {  	[sflag:s21] =	ssyncset.done $0x0  }
0xa0: {  	s28 =	sadd.s32 $0x1400, s26;
	[sflag:s21] =	ssyncadd.s32 $0xFFFFC000  }
0xa1: {  	[spmem:s2] =	stream.indirect.scatter.add.f32 [tilespmem:s16], [sflag:$0x3], $0x80, s28, s19, $0xb8;
	[tilespmem:$0x1E800] =	vst v63  }
0xa2: {  	_ =	swait.ge [sflag:s17], $0x4000  }
0xa3: {  	[sflag:s17] =	ssyncset.done $0x0  }
0xa4: {  	s28 =	sadd.s32 $0x100, s26;
	[sflag:s17] =	ssyncadd.s32 $0xFFFFC000  }
0xa5: {  	[tilespmem:s16], [sflag:$0x1] =	stream.indirect.gather [hbm4b:s4+s19], $0x80, s28, s19, $0xb8;
	[tilespmem:$0x1E800] =	vst v63  }
0xa6: {  	_ =	swait.ge [sflag:s22], $0x4000  }
.Ltmp2:
0xa7: {  	[sflag:s22] =	ssyncset.done $0x0;
	(pc) =	sbr.rel @p0 .LBB2_6-.Ltmp2, $4  }
0xa8: {  	s26 =	sadd.s32 $0x1480, s26;
	[sflag:s22] =	ssyncadd.s32 $0xFFFFC000  }
0xa9: {  	[spmem:s2] =	stream.indirect.scatter.add.f32 [tilespmem:s20], [sflag:$0x3], $0x80, s26, s19, $0xb8;
	[tilespmem:$0x1E800] =	vst v63  }
0xaa: {  	_ =	swait.ge [sflag:s17], $0x4000  }
0xab: {  	s28 =	smov.u32 s31;
	s26 =	sshra.s32 s30, $0x2;
	[sflag:s17] =	ssyncset.done $0x0  }
0xac: {  	s28 =	sadd.s32 $0x80, s26;
	[sflag:s17] =	ssyncadd.s32 $0xFFFFC000  }
0xad: {  	[tilespmem:s20], [sflag:$0x2] =	stream.indirect.gather [hbm4b:s4+s19], $0x80, s28, s19, $0xb8;
	[tilespmem:$0x1E800] =	vst v63  }
0xae: {  	_ =	swait.ge [sflag:s21], $0x4000  }
0xaf: {  	[sflag:s21] =	ssyncset.done $0x0  }
0xb0: {  	s30 =	sadd.s32 $0x1400, s26;
	[sflag:s21] =	ssyncadd.s32 $0xFFFFC000  }
0xb1: {  	[spmem:s2] =	stream.indirect.scatter.add.f32 [tilespmem:s16], [sflag:$0x3], $0x80, s30, s19, $0xb8;
	[tilespmem:$0x1E800] =	vst v63  }
0xb2: {  	_ =	swait.ge [sflag:s17], $0x4000  }
0xb3: {  	[sflag:s17] =	ssyncset.done $0x0  }
0xb4: {  	s31 =	sadd.s32 $0x100, s26;
	[sflag:s17] =	ssyncadd.s32 $0xFFFFC000  }
0xb5: {  	[tilespmem:s16], [sflag:$0x1] =	stream.indirect.gather [hbm4b:s4+s19], $0x80, s31, s19, $0xb8;
	[tilespmem:$0x1E800] =	vst v63  }
0xb6: {  	_ =	swait.ge [sflag:s22], $0x4000  }
0xb7: {  	[sflag:s22] =	ssyncset.done $0x0  }
0xb8: {  	s29 =	sadd.s32 $0x1480, s26;
	[sflag:s22] =	ssyncadd.s32 $0xFFFFC000  }
0xb9: {  	[spmem:s2] =	stream.indirect.scatter.add.f32 [tilespmem:s20], [sflag:$0x3], $0x80, s29, s19, $0xb8;
	[tilespmem:$0x1E800] =	vst v63  }
0xba: {  	_ =	swait.ge [sflag:s17], $0x4000  }
0xbb: {  	[sflag:s17] =	ssyncset.done $0x0  }
0xbc: {  	[sflag:s17] =	ssyncadd.s32 $0xFFFFC000  }
0xbd: {  	[tilespmem:s20], [sflag:$0x2] =	stream.indirect.gather [hbm4b:s4+s19], $0x80, s23, s19, $0xb8;
	[tilespmem:$0x1E800] =	vst v63  }
0xbe: {  	_ =	swait.ge [sflag:s21], $0x4000  }
0xbf: {  	[sflag:s21] =	ssyncset.done $0x0  }
0xc0: {  	[sflag:s21] =	ssyncadd.s32 $0xFFFFC000  }
0xc1: {  	[spmem:s2] =	stream.indirect.scatter.add.f32 [tilespmem:s16], [sflag:$0x3], $0x80, s24, s19, $0xb8;
	[tilespmem:$0x1E800] =	vst v63  }
0xc2: {  	_ =	swait.ge [sflag:s17], $0x4000  }
0xc3: {  	[sflag:s17] =	ssyncset.done $0x0  }
0xc4: {  	[sflag:s17] =	ssyncadd.s32 $0xFFFFC000  }
0xc5: {  	_ =	swait.ge [sflag:s22], $0x4000  }
0xc6: {  	[sflag:s22] =	ssyncset.done $0x0  }
0xc7: {  	[sflag:s22] =	ssyncadd.s32 $0xFFFFC000  }
0xc8: {  	[spmem:s2] =	stream.indirect.scatter.add.f32 [tilespmem:s20], [sflag:$0x3], $0x80, s25, s19, $0xb8;
	[tilespmem:$0x1E800] =	vst v63  }
0xc9: {  	_ =	swait.ge [sflag:s17], $0x4000  }
0xca: {  	s3 =	sadd.s32 $0x1, s3;
	s30 =	sshll.u32 s1, $0x6;
	[sflag:s17] =	ssyncset.done $0x0  }
0xcb: {  	p0 =	sne.s32 s3, s11;
	s26 =	sor.u32 $0x1C03, s30;
	[sflag:s17] =	ssyncadd.s32 $0xFFFFC000  }
.Ltmp3:
0xcc: {  	s31 =	sshrl.u32 s5, $0x3;
	[bflag:$0x0] =	sbarrier.arrive $0xFFFF;
	(pc) =	sbr.rel @p0 .LBB2_1-.Ltmp3, $4  }
0xcd: {  	[hbm:s10], [sflag:s26] =	dma.local [spmem:s31], $0x2800  }
0xce: {  	_ =	swait.ge [sflag:s17], $0x2800  }
0xcf: {  	[sflag:s17] =	ssyncset.done $0x0  }
0xd0: {  	[sflag:s17] =	ssyncadd.s32 $0xFFFFD800  }
0xd1: {  	_ =	sfence.sel $0x180000  }
0xd2: {  	[bflag:$0x0] =	sbarrier.arrive $0xFFFF  }
0xd3: {  	p0 =	sne.s32 s1, $0x0;
	_ =	strace $0x9000004D  }
0xd4: {  	s0 =	sadd.s32 @!p0 $0x100000, s0;
	[bflag:$0x2] =	sbarrier.arrive $0xFFFF  }
0xd5: {  	[sflag:s0] =	ssyncadd.tile.s32 @!p0 $0x1;
	_ =	shalt  }
.Lfunc_end2:
_tile_overlayer_lowered:
.L_overlay_start_2:
0xd6: {  	(tag) =	ssettag $0x2  }
0xd7: {  	s0 =	rddreg [dreg:$0x0];
	s2 =	stileid.u32  }
0xd8: {  	s1 =	rddreg [dreg:$0x1];
	p0 =	sne.s32 s2, $0x0  }
0xd9: {  	s3 =	rddreg [dreg:$0x2];
	[bflag:$0x3] =	sbarrier.arrive $0xFFFF;
	s2 =	simm.s32 @!p0 $0x1C03  }
0xda: {  	[timem:s3], [sflag:s2] =	dma.local @!p0 [hbm:s0], s1  }
0xdb: {  	s0 =	simm.s32 @!p0 $0x3  }
0xdc: {  	_ =	swait.ge @!p0 [sflag:s0], s1  }
0xdd: {  	s1 =	ssub.s32 @!p0 $0x0, s1;
	[sflag:s0] =	ssyncset.done @!p0 $0x0  }
0xde: {  	[sflag:s0] =	ssyncadd.s32 @!p0 s1  }
0xdf: {  	[bflag:$0x3] =	sbarrier.arrive $0xFFFF  }
0xe0: {  	_ =	shalt  }

// kernel: kernel.18.cloned.1.call-start
scs
__scs_entry_jumppad:
0x0: {  	(pc) =	sbr.rel $0x88, $3  }
0x1: {  	(tag) =	ssettag $0x0;
	lr =	simm.s32 $0x1  }
0x2: {  	[smem:$0x3F9A] =	sst lr;
	_ =	strace $0xD0000000  }
0x3: {  	_ = 	snop  }
0x4: {  	_ = 	snop  }
0x5: {  	_ = 	snop  }
0x6: {  	_ = 	snop  }
0x7: {  	_ = 	snop  }
__scs_overlays_trampoline_lowered:
0x8: {  	[smem:$0x3FA9] =	sst s0  }
0x9: {  	[smem:$0x3FAA] =	sst s1  }
0xa: {  	[smem:$0x3FAB] =	sst s2  }
0xb: {  	[smem:$0x3FAC] =	sst s3  }
0xc: {  	[smem:$0x3FAD] =	sst s4  }
0xd: {  	[smem:$0x3FAE] =	sst s5  }
0xe: {  	[smem:$0x3FAF] =	sst s6  }
0xf: {  	[smem:$0x3FB0] =	sst s7  }
0x10: {  	[smem:$0x3FB1] =	sst s8  }
0x11: {  	[smem:$0x3FB2] =	sst s9;
	s0 =	simm.s32 @!p0 $0x0  }
0x12: {  	s1 =	sld [smem:$0x3F98];
	s0 =	simm.s32 @p0 $0x1  }
0x13: {  	[smem:$0x3FB3] =	sst s0;
	s0 =	simm.s32 @!p1 $0x0  }
0x14: {  	s2 =	sld [smem:$0x3F97];
	s0 =	simm.s32 @p1 $0x1  }
0x15: {  	[smem:$0x3FB4] =	sst s0;
	s0 =	simm.s32 @!p2 $0x0  }
0x16: {  	s3 =	sld [smem:$0x3FDB];
	s0 =	simm.s32 @p2 $0x1  }
0x17: {  	s4 =	simm.s32 $0x1BF5;
	[smem:$0x3FB6] =	sst s0  }
0x18: {  	s0 =	sld [smem:$0x3F99];
	_ =	swait.ge [sflag:s4], $0x0  }
0x19: {  	s7 =	sld [smem:$0x3F9A]  }
0x1a: {  	s8 =	sadd.s32 $0xFFFFE003, lr  }
0x1b: {  	s9 =	sadd.s32 $0xFFFFFEF7, lr;
	s5 =	simm.s32 $0xFFFFFFFF;
	p2 =	slt.u32 s8, $0xFFFFF086  }
0x1c: {  	p1 =	slt.u32 s9, $0xF7A;
	s5 =	simm.s32 @!p2 $0x0  }
0x1d: {  	s5 =	simm.s32 @p1 $0x1;
	p0 =	seq.s32 s7, s2  }
0x1e: {  	s7 =	smul.u32 @!p0 $0xF7A, s2;
	p2 =	seq.s32 @!p0 s5, $0x0  }
0x1f: {  	s9 =	smul.u32 $0xF7A, s1;
	s8 =	simm.s32 @!p0 $0x1BF5;
	p2 =	por !p2, p0  }
0x20: {  	[sflag:s8] =	ssyncset.s32 @!p0 $0xFFFFF086;
	s6 =	sadd.s32 @!p0 s3, s7;
	s7 =	simm.s32 @!p0 $0x108  }
0x21: {  	s3 =	sadd.s32 s3, s9;
	s6 =	sadd.s32 @!p0 $0x88, s6;
	s7 =	simm.s32 @p2 $0x1082  }
0x22: {  	[simem:s7], [sflag:s8] =	dma.local @!p0 [hbm:s6], $0xF7A  }
0x23: {  	s9 =	sor.u32 $0xD0000000, s2;
	s6 =	simm.s32 $0x108;
	_ =	swait.ge @!p0 [sflag:s8], $0x0  }
0x24: {  	s3 =	sadd.s32 $0x88, s3;
	s6 =	simm.s32 @!p1 $0x1082;
	[sflag:s4] =	ssyncset.s32 $0xFFFFF086  }
0x25: {  	[simem:s6], [sflag:s4] =	dma.local [hbm:s3], $0xF7A  }
0x26: {  	[smem:$0x3F9A] =	sst s1;
	(tag) =	ssettag s2;
	_ =	strace s9  }
0x27: {  	s1 =	sld [smem:$0x3FAA]  }
0x28: {  	s2 =	sld [smem:$0x3FAB]  }
0x29: {  	s4 =	sld [smem:$0x3FAD]  }
0x2a: {  	p0 =	seq.s32 s5, $0x0;
	s5 =	sld [smem:$0x3FAE]  }
0x2b: {  	s6 =	sld [smem:$0x3FAF]  }
0x2c: {  	s7 =	sld [smem:$0x3FB0]  }
0x2d: {  	s3 =	simm.s32 $0x108;
	s8 =	sld [smem:$0x3FB1]  }
0x2e: {  	s3 =	simm.s32 @!p0 $0x1082;
	s9 =	sld [smem:$0x3FB2]  }
0x2f: {  	lr =	sadd.s32 s0, s3;
	s0 =	sld [smem:$0x3FA9]  }
0x30: {  	s3 =	sld [smem:$0x3FAC]  }
0x31: {  	[smem:$0x3FB5] =	sst s10  }
0x32: {  	s10 =	sld [smem:$0x3FB3];
	_ =	sdelay $0x3  }
0x33: {  	p0 =	seq.s32 s10, $0x1;
	s10 =	sld [smem:$0x3FB5];
	_ =	sdelay $0x3  }
0x34: {  	[smem:$0x3FB5] =	sst s10  }
0x35: {  	s10 =	sld [smem:$0x3FB4];
	_ =	sdelay $0x3  }
0x36: {  	p1 =	seq.s32 s10, $0x1;
	s10 =	sld [smem:$0x3FB5];
	_ =	sdelay $0x3  }
0x37: {  	[smem:$0x3FB5] =	sst s10  }
0x38: {  	s10 =	sld [smem:$0x3FB6]  }
0x39: {  	_ = 	snop;
	(pc) =	sbr.ind lr, $3  }
0x3a: {  	_ = 	snop  }
0x3b: {  	_ = 	snop  }
0x3c: {  	p2 =	seq.s32 s10, $0x1;
	s10 =	sld [smem:$0x3FB5]  }
0x3d: {  	_ =	shalt  }
0x3e: {  	_ =	shalt  }
0x3f: {  	_ =	shalt  }
0x40: {  	_ =	shalt  }
0x41: {  	_ =	shalt  }
0x42: {  	_ =	shalt  }
0x43: {  	_ =	shalt  }
0x44: {  	_ =	shalt  }
0x45: {  	_ =	shalt  }
0x46: {  	_ =	shalt  }
0x47: {  	_ =	shalt  }
0x48: {  	_ =	shalt  }
0x49: {  	_ =	shalt  }
0x4a: {  	_ =	shalt  }
0x4b: {  	_ =	shalt  }
0x4c: {  	_ =	shalt  }
0x4d: {  	_ =	shalt  }
0x4e: {  	_ =	shalt  }
0x4f: {  	_ =	shalt  }
0x50: {  	_ =	shalt  }
0x51: {  	_ =	shalt  }
0x52: {  	_ =	shalt  }
0x53: {  	_ =	shalt  }
0x54: {  	_ =	shalt  }
0x55: {  	_ =	shalt  }
0x56: {  	_ =	shalt  }
0x57: {  	_ =	shalt  }
0x58: {  	_ =	shalt  }
0x59: {  	_ =	shalt  }
0x5a: {  	_ =	shalt  }
0x5b: {  	_ =	shalt  }
0x5c: {  	_ =	shalt  }
0x5d: {  	_ =	shalt  }
0x5e: {  	_ =	shalt  }
0x5f: {  	_ =	shalt  }
0x60: {  	_ =	shalt  }
0x61: {  	_ =	shalt  }
0x62: {  	_ =	shalt  }
0x63: {  	_ =	shalt  }
0x64: {  	_ =	shalt  }
0x65: {  	_ =	shalt  }
0x66: {  	_ =	shalt  }
0x67: {  	_ =	shalt  }
0x68: {  	_ =	shalt  }
0x69: {  	_ =	shalt  }
0x6a: {  	_ =	shalt  }
0x6b: {  	_ =	shalt  }
0x6c: {  	_ =	shalt  }
0x6d: {  	_ =	shalt  }
0x6e: {  	_ =	shalt  }
0x6f: {  	_ =	shalt  }
0x70: {  	_ =	shalt  }
0x71: {  	_ =	shalt  }
0x72: {  	_ =	shalt  }
0x73: {  	_ =	shalt  }
0x74: {  	_ =	shalt  }
0x75: {  	_ =	shalt  }
0x76: {  	_ =	shalt  }
0x77: {  	_ =	shalt  }
0x78: {  	_ =	shalt  }
0x79: {  	_ =	shalt  }
0x7a: {  	_ =	shalt  }
0x7b: {  	_ =	shalt  }
0x7c: {  	_ =	shalt  }
0x7d: {  	_ =	shalt  }
0x7e: {  	_ =	shalt  }
0x7f: {  	_ =	shalt  }
0x80: {  	_ =	shalt  }
0x81: {  	_ =	shalt  }
0x82: {  	_ =	shalt  }
0x83: {  	_ =	shalt  }
0x84: {  	_ =	shalt  }
0x85: {  	_ =	shalt  }
0x86: {  	_ =	shalt  }
0x87: {  	_ =	shalt  }
.Lfunc_end0:
.L_simem_size_0:
called_computation.3_lowered:
.L_overlay_start_0:
0x88: {  	s2 =	sld [smem:$0x3FD9]  }
0x89: {  	s3 =	sld [smem:$0x3FFE];
	_ =	sdelay $0x1  }
0x8a: {  	s1 =	srdreg.scid  }
0x8b: {  	s0 =	sand.u32 $0x1, s1  }
0x8c: {  	s17 =	sshll.u32 s0, $0xA;
	s2 =	sadd.s32 s3, s2  }
0x8d: {  	s2 =	sadd.s32 s2, s17  }
0x8e: {  	[smem:$0x3FC1] =	sst s2  }
0x8f: {  	_ = 	snop  }
0x90: {  	s2 =	sld [smem:$0x3FC3]  }
0x91: {  	s18 =	sld [smem:$0x3FD0];
	(tm) =	ssettm $0x1  }
0x92: {  	s4 =	sld [smem:$0x3FFB];
	_ =	sdelay $0x3  }
0x93: {  	_ =	strace s4  }
0x94: {  	s4 =	sld [smem:$0x3FFC];
	_ =	sdelay $0x3  }
0x95: {  	_ =	strace s4  }
0x96: {  	s4 =	sld [smem:$0x3FFD];
	_ =	sdelay $0x3  }
0x97: {  	_ =	strace s4  }
0x98: {  	_ =	strace $0x8FFFFFFF  }
0x99: {  	s19 =	sld [smem:$0x3FDB];
	_ =	sdelay $0x1  }
0x9a: {  	s5 =	simm.s32 $_scs_section_size  }
0x9b: {  	s6 =	simm.s32 $_size__tile_overlayer_lowered;
	s7 =	simm.s32 $_tile_overlayer_lowered  }
0x9c: {  	s22 =	simm.s32 $0x1BFF;
	s21 =	sshll.u32 s7, $0x1;
	s4 =	sadd.s32 s5, s19  }
0x9d: {  	s8 =	simm.s32 $0x0;
	s20 =	sshll.u32 s6, $0x1;
	s6 =	sadd.s32 s21, s4  }
0x9e: {  	[timem:s8], [sflag:s22] =	dma.local [hbm:s6], s20  }
0x9f: {  	_ =	swait.ge [sflag:s22], s20  }
0xa0: {  	s5 =	ssub.s32 $0x0, s20;
	[sflag:s22] =	ssyncset.done $0x0  }
0xa1: {  	[sflag:s22] =	ssyncadd.s32 s5;
	_ =	sdelay $0x1  }
0xa2: {  	s23 =	simm.s32 $0x1B8B  }
0xa3: {  	_ =	swait.ge [sflag:s23], $0x1  }
0xa4: {  	[sflag:s23] =	ssyncset.done $0x0  }
0xa5: {  	s25 =	simm.s32 $0x1B8E;
	s24 =	sld [smem:$0x3FFE];
	[sflag:s23] =	ssyncadd.s32 $0xFFFFFFFF  }
0xa6: {  	s26 =	simm.s32 $execute0_lowered;
	[smem:$0x3FD2] =	sst s25  }
0xa7: {  	s6 =	sshll.u32 s26, $0x1;
	_ =	strace $0x8000004F;
	[dreg:$0x1] =	wrdreg $0xFFFFFFFF  }
0xa8: {  	s28 =	simm.s32 $_size_execute0_lowered;
	s4 =	sadd.s32 s4, s6;
	[dreg:$0x0] =	wrdreg $0x0  }
0xa9: {  	s6 =	sshll.u32 s28, $0x1;
	[dreg:$0x2] =	wrdreg s4  }
0xaa: {  	[dreg:$0x3] =	wrdreg s6  }
0xab: {  	[dreg:$0x4] =	wrdreg $0xC0  }
0xac: {  	_ =	task [dreg:s8], $0x5FFFF  }
0xad: {  	[dreg:$0x1] =	wrdreg $0xFFFFFFFF  }
0xae: {  	[dreg:$0x0] =	wrdreg $0x60  }
0xaf: {  	[dreg:$0x2] =	wrdreg s24  }
0xb0: {  	[dreg:$0x3] =	wrdreg s2  }
0xb1: {  	[dreg:$0x4] =	wrdreg s18  }
0xb2: {  	[dreg:$0x5] =	wrdreg $0x9  }
0xb3: {  	_ =	task.clear_ibuf [dreg:s8], $0x6FFFF;
	_ =	strace $0x9000004F  }
0xb4: {  	s29 =	simm.s32 $0x9;
	_ =	strace $0x80000051  }
0xb5: {  	_ =	swait.ge [sflag:s29], $0x1  }
0xb6: {  	[sflag:s29] =	ssyncadd.s32 $0xFFFFFFFF  }
0xb7: {  	_ =	strace $0x90000051  }
0xb8: {  	_ =	sfence  }
0xb9: {  	s30 =	sld [smem:$0x0];
	_ =	sdelay $0x2  }
0xba: {  	s31 =	sshll.u32 s1, $0xD;
	s1 =	sshrl.u32 s1, $0x2  }
0xbb: {  	s3 =	sand.u32 $0x4000, s31;
	s1 =	sadd.s32 s1, s30  }
0xbc: {  	s0 =	sor.u32 s3, s0;
	s1 =	sshll.u32 s1, $0x11  }
0xbd: {  	s0 =	sor.u32 s1, s0  }
0xbe: {  	s0 =	sadd.s32 $0x8F2B, s0  }
0xbf: {  	[sflag:s0] =	ssyncadd.remote.s32 $0x1  }
0xc0: {  	_ =	sfence.sel $0xFFFF  }
0xc1: {  	[dreg:$0x0] =	wrdreg $0xFFFFFFFF;
	(pc) =	sbr.abs _section_cstart, $3  }
0xc2: {  	[dreg:$0x1] =	wrdreg $0xFFFFFFFF  }
0xc3: {  	_ =	task.clear_ibuf [dreg:s8], $0x2FFFF;
	_ =	strace $0x9FFFFFFF  }
0xc4: {  	(tm) =	ssettm $0x7FFFFFFF  }
0xc5: {  	_ =	shalt  }
tec
execute0_lowered:
.L_overlay_start_1:
0x0: {  	(tag) =	ssettag $0x1  }
0x1: {  	s7 =	rddreg [dreg:$0x0]  }
0x2: {  	s6 =	rddreg [dreg:$0x1]  }
0x3: {  	s8 =	rddreg [dreg:$0x2]  }
0x4: {  	s0 =	rddreg [dreg:$0x3];
	s1 =	simm.s32 $0x0  }
0x5: {  	s4 =	srdreg.scid;
	s2 =	stileid.u32;
	s12 =	simm.s32 $0x4080  }
0x6: {  	s13 =	simm.s32 $0x8080;
	s14 =	simm.s32 $0xC080;
	s15 =	simm.s32 $0x1  }
0x7: {  	s16 =	simm.s32 $0x0;
	[smem:$0x7FF] =	sst s1;
	s3 =	sadd.s32 $0x2CC600, s7  }
0x8: {  	s4 =	sand.u32 $0x1, s4;
	s10 =	sshll.u32 s2, $0x7;
	_ =	strace $0x80000050  }
0x9: {  	s9 =	ssub.s32 $0x2, s4;
	s5 =	sshll.u32 s4, $0xB;
	s4 =	sadd.s32 $0x2A5400, s7  }
0xa: {  	s11 =	sshrl.u32 s9, $0x1;
	s10 =	sor.u32 s10, s5;
	s5 =	sadd.s32 $0x27E200, s7  }
0xb: {  	s7 =	sadd.s32 $0x2F4600, s7;
	s9 =	ssub.s32 s9, s11;
	s31 =	sshrl.u32 s10, $0x3  }
0xc: {  	s10 =	sshll.u32 s10, $0x4;
	s11 =	simm.s32 $0x80;
	s6 =	sadd.s32 s6, s31  }
0xd: {  	s8 =	sadd.s32 s8, s10;
	s9 =	smax.u32 s9, $0x1;
	s10 =	simm.s32 $0x2  }
.LBB2_1:
0xe: {  	[tilespmem:s1], [sflag:$0x2] =	stream.linear.gather [hbm4b:s6+s1], $0x80, $0x38;
	[tilespmem:$0x10080] =	vst v63  }
0xf: {  	_ =	swait.ge [sflag:s10], $0x80  }
0x10: {  	[sflag:s10] =	ssyncset.done $0x0  }
0x11: {  	[sflag:s10] =	ssyncadd.s32 $0xFFFFFF80  }
0x12: {  	[tilespmem:s11], [sflag:$0x1] =	stream.indirect.gather [hbm4b:s3+s11], $0x80, s1, s11, $0xb8;
	[tilespmem:$0x10080] =	vst v63  }
0x13: {  	_ = 	snop  }
0x14: {  	[tilespmem:s12], [sflag:$0x1] =	stream.indirect.gather [hbm4b:s7+s11], $0x80, s1, s11, $0xb8;
	[tilespmem:$0x10080] =	vst v63  }
0x15: {  	_ = 	snop  }
0x16: {  	[tilespmem:s13], [sflag:$0x1] =	stream.indirect.gather [hbm4b:s4+s11], $0x80, s1, s11, $0xb8;
	[tilespmem:$0x10080] =	vst v63  }
0x17: {  	_ = 	snop  }
0x18: {  	[tilespmem:s14], [sflag:$0x1] =	stream.indirect.gather [hbm4b:s5+s11], $0x80, s1, s11, $0xb8;
	[tilespmem:$0x10080] =	vst v63  }
0x19: {  	_ =	swait.ge [sflag:s15], $0x4000  }
0x1a: {  	[sflag:s15] =	ssyncset.done $0x0  }
0x1b: {  	[sflag:s15] =	ssyncadd.s32 $0xFFFFC000  }
0x1c: {  	_ =	swait.ge [sflag:s15], $0x4000  }
0x1d: {  	[sflag:s15] =	ssyncset.done $0x0  }
0x1e: {  	[sflag:s15] =	ssyncadd.s32 $0xFFFFC000  }
0x1f: {  	_ =	swait.ge [sflag:s15], $0x4000  }
0x20: {  	[sflag:s15] =	ssyncset.done $0x0  }
0x21: {  	[sflag:s15] =	ssyncadd.s32 $0xFFFFC000  }
0x22: {  	_ =	swait.ge [sflag:s15], $0x4000  }
0x23: {  	[sflag:s15] =	ssyncset.done $0x0  }
0x24: {  	s17 =	simm.s32 $0x0;
	[sflag:s15] =	ssyncadd.s32 $0xFFFFC000  }
0x25: {  	v4 =	vld [tilespmem:s17+$0xC080]  }
0x26: {  	v5 =	vld [tilespmem:s17+$0xC090]  }
0x27: {  	v3 =	vld [tilespmem:s17+$0xC0A0]  }
0x28: {  	v2 =	vld [tilespmem:s17+$0xC0B0]  }
0x29: {  	v1 =	vld [tilespmem:s17+$0xC0C0]  }
0x2a: {  	v0 =	vld [tilespmem:s17+$0xC0D0]  }
0x2b: {  	v16 =	vld [tilespmem:s17+$0x8080]  }
0x2c: {  	v21 =	vld [tilespmem:s17+$0x8090]  }
0x2d: {  	v9 =	vld [tilespmem:s17+$0x80A0]  }
0x2e: {  	v8 =	vld [tilespmem:s17+$0x80B0]  }
0x2f: {  	v7 =	vld [tilespmem:s17+$0x80C0]  }
0x30: {  	v6 =	vld [tilespmem:s17+$0x80D0]  }
0x31: {  	v17 =	vld [tilespmem:s17+$0x4080]  }
0x32: {  	v18 =	vld [tilespmem:s17+$0x4090]  }
0x33: {  	v15 =	vld [tilespmem:s17+$0x40A0]  }
0x34: {  	v14 =	vld [tilespmem:s17+$0x40B0]  }
0x35: {  	v13 =	vld [tilespmem:s17+$0x40C0]  }
0x36: {  	v12 =	vld [tilespmem:s17+$0x40D0]  }
0x37: {  	v22 =	vld [tilespmem:s17+$0x80]  }
0x38: {  	v23 =	vld [tilespmem:s17+$0x90]  }
0x39: {  	v11 =	vld [tilespmem:s17+$0x40E0]  }
0x3a: {  	v10 =	vld [tilespmem:s17+$0x40F0]  }
0x3b: {  	v20 =	vld [tilespmem:s17+$0xA0]  }
0x3c: {  	v19 =	vld [tilespmem:s17+$0xB0];
	v22 =	vadd.f32 v17, v22  }
0x3d: {  	v23 =	vadd.f32 v18, v23;
	v18 =	vld [tilespmem:s17+$0xC0]  }
0x3e: {  	v17 =	vld [tilespmem:s17+$0xD0];
	v22 =	vmul.f32 v16, v22  }
0x3f: {  	s18 =	simm.s32 $0x200;
	v21 =	vmul.f32 v21, v23;
	v16 =	vld [tilespmem:s17+$0xE0]  }
.LBB2_2:
0x40: {  	p0 =	sne.s32 s18, $0xFE00;
	v4 =	vadd.f32 v4, v22;
	v15 =	vadd.f32 v15, v20;
	v20 =	vld [tilespmem:s17+$0xF0]  }
0x41: {  	v5 =	vadd.f32 v5, v21;
	v14 =	vadd.f32 v14, v19;
	v19 =	vld [tilespmem:s17+$0x80E0]  }
0x42: {  	v21 =	vmax.f32 v4, $0.0e+00;
	v4 =	vmul.f32 v9, v15;
	v9 =	vadd.f32 v13, v18;
	v13 =	vld [tilespmem:s17+$0x80F0]  }
0x43: {  	v15 =	vmax.f32 v5, $0.0e+00;
	v5 =	vmul.f32 v8, v14;
	v8 =	vadd.f32 v12, v17;
	v12 =	vld [tilespmem:s17+$0xC0E0]  }
0x44: {  	s19 =	sshra.s32 s18, $0x2;
	v3 =	vadd.f32 v3, v4;
	v7 =	vmul.f32 v7, v9;
	v9 =	vadd.f32 v11, v16;
	v11 =	vld [tilespmem:s17+$0xC0F0]  }
0x45: {  	v4 =	vld [tilespmem:s19+$0xC080];
	[tilespmem:s17+$0x80] =	vst v21;
	v2 =	vadd.f32 v2, v5;
	v6 =	vmul.f32 v6, v8;
	v8 =	vadd.f32 v10, v20  }
0x46: {  	v5 =	vld [tilespmem:s19+$0xC090];
	[tilespmem:s17+$0x90] =	vst v15;
	v10 =	vmax.f32 v3, $0.0e+00;
	v1 =	vadd.f32 v1, v7;
	v7 =	vmul.f32 v19, v9  }
0x47: {  	v3 =	vld [tilespmem:s19+$0xC0A0];
	[tilespmem:s17+$0xA0] =	vst v10;
	v9 =	vmax.f32 v2, $0.0e+00;
	v0 =	vadd.f32 v0, v6;
	v6 =	vmul.f32 v13, v8  }
0x48: {  	v2 =	vld [tilespmem:s19+$0xC0B0];
	[tilespmem:s17+$0xB0] =	vst v9;
	v8 =	vmax.f32 v1, $0.0e+00;
	v7 =	vadd.f32 v12, v7  }
0x49: {  	v1 =	vld [tilespmem:s19+$0xC0C0];
	[tilespmem:s17+$0xC0] =	vst v8;
	v8 =	vmax.f32 v0, $0.0e+00;
	v6 =	vadd.f32 v11, v6  }
0x4a: {  	v0 =	vld [tilespmem:s19+$0xC0D0];
	[tilespmem:s17+$0xD0] =	vst v8;
	v7 =	vmax.f32 v7, $0.0e+00  }
0x4b: {  	v16 =	vld [tilespmem:s19+$0x8080];
	[tilespmem:s17+$0xE0] =	vst v7;
	v6 =	vmax.f32 v6, $0.0e+00  }
0x4c: {  	v21 =	vld [tilespmem:s19+$0x8090];
	[tilespmem:s17+$0xF0] =	vst v6;
	s17 =	smov.u32 s19  }
0x4d: {  	v9 =	vld [tilespmem:s17+$0x80A0]  }
0x4e: {  	v8 =	vld [tilespmem:s17+$0x80B0]  }
0x4f: {  	v7 =	vld [tilespmem:s17+$0x80C0]  }
0x50: {  	v6 =	vld [tilespmem:s17+$0x80D0]  }
0x51: {  	v17 =	vld [tilespmem:s17+$0x4080]  }
0x52: {  	v18 =	vld [tilespmem:s17+$0x4090]  }
0x53: {  	v15 =	vld [tilespmem:s17+$0x40A0]  }
0x54: {  	v14 =	vld [tilespmem:s17+$0x40B0]  }
0x55: {  	v13 =	vld [tilespmem:s17+$0x40C0]  }
0x56: {  	v12 =	vld [tilespmem:s17+$0x40D0]  }
0x57: {  	v19 =	vld [tilespmem:s17+$0x80]  }
0x58: {  	v22 =	vld [tilespmem:s17+$0x90]  }
0x59: {  	v11 =	vld [tilespmem:s17+$0x40E0]  }
0x5a: {  	v10 =	vld [tilespmem:s17+$0x40F0]  }
.Ltmp0:
0x5b: {  	v20 =	vld [tilespmem:s17+$0xA0];
	(pc) =	sbr.rel @p0 .LBB2_2-.Ltmp0, $4  }
0x5c: {  	v17 =	vadd.f32 v17, v19;
	v19 =	vld [tilespmem:s17+$0xB0]  }
0x5d: {  	v23 =	vadd.f32 v18, v22;
	v18 =	vld [tilespmem:s17+$0xC0]  }
0x5e: {  	v22 =	vmul.f32 v16, v17;
	v17 =	vld [tilespmem:s17+$0xD0]  }
0x5f: {  	s18 =	sadd.s32 $0x200, s18;
	v21 =	vmul.f32 v21, v23;
	v16 =	vld [tilespmem:s17+$0xE0]  }
0x60: {  	v4 =	vadd.f32 v4, v22;
	v15 =	vadd.f32 v15, v20;
	v50 =	vld [tilespmem:s17+$0xF0]  }
0x61: {  	v51 =	vld [tilespmem:s17+$0x80E0];
	v5 =	vadd.f32 v5, v21;
	v14 =	vadd.f32 v14, v19  }
0x62: {  	v52 =	vld [tilespmem:s17+$0x80F0];
	v4 =	vmax.f32 v4, $0.0e+00;
	v9 =	vmul.f32 v9, v15;
	v13 =	vadd.f32 v13, v18  }
0x63: {  	v53 =	vld [tilespmem:s17+$0xC0E0];
	v5 =	vmax.f32 v5, $0.0e+00;
	v8 =	vmul.f32 v8, v14;
	v12 =	vadd.f32 v12, v17  }
0x64: {  	v55 =	vld [tilespmem:s17+$0xC0F0];
	v3 =	vadd.f32 v3, v9;
	v7 =	vmul.f32 v7, v13;
	v54 =	vadd.f32 v11, v16  }
0x65: {  	[tilespmem:s17+$0x80] =	vst v4;
	v2 =	vadd.f32 v2, v8;
	v56 =	vmul.f32 v6, v12;
	v57 =	vadd.f32 v10, v50  }
0x66: {  	[tilespmem:s17+$0x90] =	vst v5;
	v3 =	vmax.f32 v3, $0.0e+00;
	v1 =	vadd.f32 v1, v7;
	v58 =	vmul.f32 v51, v54  }
0x67: {  	[tilespmem:s17+$0xA0] =	vst v3;
	v2 =	vmax.f32 v2, $0.0e+00;
	v0 =	vadd.f32 v0, v56;
	v59 =	vmul.f32 v52, v57  }
0x68: {  	[tilespmem:s17+$0xB0] =	vst v2;
	v1 =	vmax.f32 v1, $0.0e+00;
	v60 =	vadd.f32 v53, v58  }
0x69: {  	[tilespmem:s17+$0xC0] =	vst v1;
	v0 =	vmax.f32 v0, $0.0e+00;
	v61 =	vadd.f32 v55, v59  }
0x6a: {  	s16 =	sadd.s32 $0x1, s16;
	[tilespmem:s17+$0xD0] =	vst v0;
	v62 =	vmax.f32 v60, $0.0e+00  }
0x6b: {  	p0 =	sne.s32 s16, s9;
	[tilespmem:s17+$0xE0] =	vst v62;
	v63 =	vmax.f32 v61, $0.0e+00  }
.Ltmp1:
0x6c: {  	[tilespmem:s17+$0xF0] =	vst v63;
	(pc) =	sbr.rel @p0 .LBB2_1-.Ltmp1, $4  }
0x6d: {  	[hbm4b:s8+s1] =	stream.linear.scatter [tilespmem:s11], [sflag:$0x2], $0x4000, $0x38;
	[tilespmem:$0x10080] =	vst v63  }
0x6e: {  	_ =	swait.ge [sflag:s10], $0x4000  }
0x6f: {  	[sflag:s10] =	ssyncset.done $0x0  }
0x70: {  	[sflag:s10] =	ssyncadd.s32 $0xFFFFC000  }
0x71: {  	_ =	sfence.sel $0x180000  }
0x72: {  	[bflag:$0x0] =	sbarrier.arrive $0xFFFF  }
0x73: {  	p0 =	sne.s32 s2, $0x0;
	_ =	strace $0x90000050  }
0x74: {  	s0 =	sadd.s32 @!p0 $0x100000, s0;
	[bflag:$0x2] =	sbarrier.arrive $0xFFFF  }
0x75: {  	[sflag:s0] =	ssyncadd.tile.s32 @!p0 $0x1;
	_ =	shalt  }
.Lfunc_end2:
_tile_overlayer_lowered:
.L_overlay_start_2:
0x76: {  	(tag) =	ssettag $0x2  }
0x77: {  	s0 =	rddreg [dreg:$0x0];
	s2 =	stileid.u32  }
0x78: {  	s1 =	rddreg [dreg:$0x1];
	p0 =	sne.s32 s2, $0x0  }
0x79: {  	s3 =	rddreg [dreg:$0x2];
	[bflag:$0x3] =	sbarrier.arrive $0xFFFF;
	s2 =	simm.s32 @!p0 $0x1C02  }
0x7a: {  	[timem:s3], [sflag:s2] =	dma.local @!p0 [hbm:s0], s1  }
0x7b: {  	s0 =	simm.s32 @!p0 $0x2  }
0x7c: {  	_ =	swait.ge @!p0 [sflag:s0], s1  }
0x7d: {  	s1 =	ssub.s32 @!p0 $0x0, s1;
	[sflag:s0] =	ssyncset.done @!p0 $0x0  }
0x7e: {  	[sflag:s0] =	ssyncadd.s32 @!p0 s1  }
0x7f: {  	[bflag:$0x3] =	sbarrier.arrive $0xFFFF  }
0x80: {  	_ =	shalt  }

// kernel: kernel.9.cloned.1.call-start
scs
__scs_entry_jumppad:
0x0: {  	(pc) =	sbr.rel $0x88, $3  }
0x1: {  	(tag) =	ssettag $0x0;
	lr =	simm.s32 $0x1  }
0x2: {  	[smem:$0x3F9A] =	sst lr;
	_ =	strace $0xD0000000  }
0x3: {  	_ = 	snop  }
0x4: {  	_ = 	snop  }
0x5: {  	_ = 	snop  }
0x6: {  	_ = 	snop  }
0x7: {  	_ = 	snop  }
__scs_overlays_trampoline_lowered:
0x8: {  	[smem:$0x3FA9] =	sst s0  }
0x9: {  	[smem:$0x3FAA] =	sst s1  }
0xa: {  	[smem:$0x3FAB] =	sst s2  }
0xb: {  	[smem:$0x3FAC] =	sst s3  }
0xc: {  	[smem:$0x3FAD] =	sst s4  }
0xd: {  	[smem:$0x3FAE] =	sst s5  }
0xe: {  	[smem:$0x3FAF] =	sst s6  }
0xf: {  	[smem:$0x3FB0] =	sst s7  }
0x10: {  	[smem:$0x3FB1] =	sst s8  }
0x11: {  	[smem:$0x3FB2] =	sst s9;
	s0 =	simm.s32 @!p0 $0x0  }
0x12: {  	s1 =	sld [smem:$0x3F98];
	s0 =	simm.s32 @p0 $0x1  }
0x13: {  	[smem:$0x3FB3] =	sst s0;
	s0 =	simm.s32 @!p1 $0x0  }
0x14: {  	s2 =	sld [smem:$0x3F97];
	s0 =	simm.s32 @p1 $0x1  }
0x15: {  	[smem:$0x3FB4] =	sst s0;
	s0 =	simm.s32 @!p2 $0x0  }
0x16: {  	s3 =	sld [smem:$0x3FDB];
	s0 =	simm.s32 @p2 $0x1  }
0x17: {  	s4 =	simm.s32 $0x1BF5;
	[smem:$0x3FB6] =	sst s0  }
0x18: {  	s0 =	sld [smem:$0x3F99];
	_ =	swait.ge [sflag:s4], $0x0  }
0x19: {  	s7 =	sld [smem:$0x3F9A]  }
0x1a: {  	s8 =	sadd.s32 $0xFFFFE003, lr  }
0x1b: {  	s9 =	sadd.s32 $0xFFFFFEF7, lr;
	s5 =	simm.s32 $0xFFFFFFFF;
	p2 =	slt.u32 s8, $0xFFFFF086  }
0x1c: {  	p1 =	slt.u32 s9, $0xF7A;
	s5 =	simm.s32 @!p2 $0x0  }
0x1d: {  	s5 =	simm.s32 @p1 $0x1;
	p0 =	seq.s32 s7, s2  }
0x1e: {  	s7 =	smul.u32 @!p0 $0xF7A, s2;
	p2 =	seq.s32 @!p0 s5, $0x0  }
0x1f: {  	s9 =	smul.u32 $0xF7A, s1;
	s8 =	simm.s32 @!p0 $0x1BF5;
	p2 =	por !p2, p0  }
0x20: {  	[sflag:s8] =	ssyncset.s32 @!p0 $0xFFFFF086;
	s6 =	sadd.s32 @!p0 s3, s7;
	s7 =	simm.s32 @!p0 $0x108  }
0x21: {  	s3 =	sadd.s32 s3, s9;
	s6 =	sadd.s32 @!p0 $0x88, s6;
	s7 =	simm.s32 @p2 $0x1082  }
0x22: {  	[simem:s7], [sflag:s8] =	dma.local @!p0 [hbm:s6], $0xF7A  }
0x23: {  	s9 =	sor.u32 $0xD0000000, s2;
	s6 =	simm.s32 $0x108;
	_ =	swait.ge @!p0 [sflag:s8], $0x0  }
0x24: {  	s3 =	sadd.s32 $0x88, s3;
	s6 =	simm.s32 @!p1 $0x1082;
	[sflag:s4] =	ssyncset.s32 $0xFFFFF086  }
0x25: {  	[simem:s6], [sflag:s4] =	dma.local [hbm:s3], $0xF7A  }
0x26: {  	[smem:$0x3F9A] =	sst s1;
	(tag) =	ssettag s2;
	_ =	strace s9  }
0x27: {  	s1 =	sld [smem:$0x3FAA]  }
0x28: {  	s2 =	sld [smem:$0x3FAB]  }
0x29: {  	s4 =	sld [smem:$0x3FAD]  }
0x2a: {  	p0 =	seq.s32 s5, $0x0;
	s5 =	sld [smem:$0x3FAE]  }
0x2b: {  	s6 =	sld [smem:$0x3FAF]  }
0x2c: {  	s7 =	sld [smem:$0x3FB0]  }
0x2d: {  	s3 =	simm.s32 $0x108;
	s8 =	sld [smem:$0x3FB1]  }
0x2e: {  	s3 =	simm.s32 @!p0 $0x1082;
	s9 =	sld [smem:$0x3FB2]  }
0x2f: {  	lr =	sadd.s32 s0, s3;
	s0 =	sld [smem:$0x3FA9]  }
0x30: {  	s3 =	sld [smem:$0x3FAC]  }
0x31: {  	[smem:$0x3FB5] =	sst s10  }
0x32: {  	s10 =	sld [smem:$0x3FB3];
	_ =	sdelay $0x3  }
0x33: {  	p0 =	seq.s32 s10, $0x1;
	s10 =	sld [smem:$0x3FB5];
	_ =	sdelay $0x3  }
0x34: {  	[smem:$0x3FB5] =	sst s10  }
0x35: {  	s10 =	sld [smem:$0x3FB4];
	_ =	sdelay $0x3  }
0x36: {  	p1 =	seq.s32 s10, $0x1;
	s10 =	sld [smem:$0x3FB5];
	_ =	sdelay $0x3  }
0x37: {  	[smem:$0x3FB5] =	sst s10  }
0x38: {  	s10 =	sld [smem:$0x3FB6]  }
0x39: {  	_ = 	snop;
	(pc) =	sbr.ind lr, $3  }
0x3a: {  	_ = 	snop  }
0x3b: {  	_ = 	snop  }
0x3c: {  	p2 =	seq.s32 s10, $0x1;
	s10 =	sld [smem:$0x3FB5]  }
0x3d: {  	_ =	shalt  }
0x3e: {  	_ =	shalt  }
0x3f: {  	_ =	shalt  }
0x40: {  	_ =	shalt  }
0x41: {  	_ =	shalt  }
0x42: {  	_ =	shalt  }
0x43: {  	_ =	shalt  }
0x44: {  	_ =	shalt  }
0x45: {  	_ =	shalt  }
0x46: {  	_ =	shalt  }
0x47: {  	_ =	shalt  }
0x48: {  	_ =	shalt  }
0x49: {  	_ =	shalt  }
0x4a: {  	_ =	shalt  }
0x4b: {  	_ =	shalt  }
0x4c: {  	_ =	shalt  }
0x4d: {  	_ =	shalt  }
0x4e: {  	_ =	shalt  }
0x4f: {  	_ =	shalt  }
0x50: {  	_ =	shalt  }
0x51: {  	_ =	shalt  }
0x52: {  	_ =	shalt  }
0x53: {  	_ =	shalt  }
0x54: {  	_ =	shalt  }
0x55: {  	_ =	shalt  }
0x56: {  	_ =	shalt  }
0x57: {  	_ =	shalt  }
0x58: {  	_ =	shalt  }
0x59: {  	_ =	shalt  }
0x5a: {  	_ =	shalt  }
0x5b: {  	_ =	shalt  }
0x5c: {  	_ =	shalt  }
0x5d: {  	_ =	shalt  }
0x5e: {  	_ =	shalt  }
0x5f: {  	_ =	shalt  }
0x60: {  	_ =	shalt  }
0x61: {  	_ =	shalt  }
0x62: {  	_ =	shalt  }
0x63: {  	_ =	shalt  }
0x64: {  	_ =	shalt  }
0x65: {  	_ =	shalt  }
0x66: {  	_ =	shalt  }
0x67: {  	_ =	shalt  }
0x68: {  	_ =	shalt  }
0x69: {  	_ =	shalt  }
0x6a: {  	_ =	shalt  }
0x6b: {  	_ =	shalt  }
0x6c: {  	_ =	shalt  }
0x6d: {  	_ =	shalt  }
0x6e: {  	_ =	shalt  }
0x6f: {  	_ =	shalt  }
0x70: {  	_ =	shalt  }
0x71: {  	_ =	shalt  }
0x72: {  	_ =	shalt  }
0x73: {  	_ =	shalt  }
0x74: {  	_ =	shalt  }
0x75: {  	_ =	shalt  }
0x76: {  	_ =	shalt  }
0x77: {  	_ =	shalt  }
0x78: {  	_ =	shalt  }
0x79: {  	_ =	shalt  }
0x7a: {  	_ =	shalt  }
0x7b: {  	_ =	shalt  }
0x7c: {  	_ =	shalt  }
0x7d: {  	_ =	shalt  }
0x7e: {  	_ =	shalt  }
0x7f: {  	_ =	shalt  }
0x80: {  	_ =	shalt  }
0x81: {  	_ =	shalt  }
0x82: {  	_ =	shalt  }
0x83: {  	_ =	shalt  }
0x84: {  	_ =	shalt  }
0x85: {  	_ =	shalt  }
0x86: {  	_ =	shalt  }
0x87: {  	_ =	shalt  }
.Lfunc_end0:
.L_simem_size_0:
called_computation_lowered:
.L_overlay_start_0:
0x88: {  	s2 =	sld [smem:$0x3FD9]  }
0x89: {  	s3 =	sld [smem:$0x3FFE];
	_ =	sdelay $0x1  }
0x8a: {  	s1 =	srdreg.scid  }
0x8b: {  	s0 =	sand.u32 $0x1, s1  }
0x8c: {  	s17 =	sshll.u32 s0, $0xA;
	s2 =	sadd.s32 s3, s2  }
0x8d: {  	s2 =	sadd.s32 s2, s17  }
0x8e: {  	[smem:$0x3FC1] =	sst s2  }
0x8f: {  	_ = 	snop  }
0x90: {  	s2 =	sld [smem:$0x3FD0];
	(tm) =	ssettm $0x1  }
0x91: {  	s18 =	sld [smem:$0x3FFB];
	_ =	sdelay $0x3  }
0x92: {  	_ =	strace s18  }
0x93: {  	s3 =	sld [smem:$0x3FFC];
	_ =	sdelay $0x3  }
0x94: {  	_ =	strace s3  }
0x95: {  	s3 =	sld [smem:$0x3FFD];
	_ =	sdelay $0x3  }
0x96: {  	_ =	strace s3  }
0x97: {  	_ =	strace $0x8FFFFFFF  }
0x98: {  	s19 =	sld [smem:$0x3FDB];
	_ =	sdelay $0x1  }
0x99: {  	s4 =	simm.s32 $_scs_section_size  }
0x9a: {  	s5 =	simm.s32 $_size__tile_overlayer_lowered;
	s6 =	simm.s32 $_tile_overlayer_lowered  }
0x9b: {  	s22 =	simm.s32 $0x1BFF;
	s21 =	sshll.u32 s6, $0x1;
	s3 =	sadd.s32 s4, s19  }
0x9c: {  	s7 =	simm.s32 $0x0;
	s20 =	sshll.u32 s5, $0x1;
	s5 =	sadd.s32 s21, s3  }
0x9d: {  	[timem:s7], [sflag:s22] =	dma.local [hbm:s5], s20  }
0x9e: {  	_ =	swait.ge [sflag:s22], s20  }
0x9f: {  	s4 =	ssub.s32 $0x0, s20;
	[sflag:s22] =	ssyncset.done $0x0  }
0xa0: {  	[sflag:s22] =	ssyncadd.s32 s4;
	_ =	sdelay $0x1  }
0xa1: {  	s23 =	simm.s32 $0x1B8B  }
0xa2: {  	_ =	swait.ge [sflag:s23], $0x1  }
0xa3: {  	[sflag:s23] =	ssyncset.done $0x0  }
0xa4: {  	s25 =	simm.s32 $0x1B8E;
	s24 =	sld [smem:$0x3FFE];
	[sflag:s23] =	ssyncadd.s32 $0xFFFFFFFF  }
0xa5: {  	s26 =	simm.s32 $execute0_lowered;
	[smem:$0x3FD2] =	sst s25  }
0xa6: {  	s5 =	sshll.u32 s26, $0x1;
	_ =	strace $0x80000046;
	[dreg:$0x1] =	wrdreg $0xFFFFFFFF  }
0xa7: {  	s28 =	simm.s32 $_size_execute0_lowered;
	s3 =	sadd.s32 s3, s5;
	[dreg:$0x0] =	wrdreg $0x0  }
0xa8: {  	s5 =	sshll.u32 s28, $0x1;
	[dreg:$0x2] =	wrdreg s3  }
0xa9: {  	[dreg:$0x3] =	wrdreg s5  }
0xaa: {  	[dreg:$0x4] =	wrdreg $0xC0  }
0xab: {  	_ =	task [dreg:s7], $0x5FFFF  }
0xac: {  	[dreg:$0x1] =	wrdreg $0xFFFFFFFF  }
0xad: {  	[dreg:$0x0] =	wrdreg $0x60  }
0xae: {  	[dreg:$0x2] =	wrdreg s2  }
0xaf: {  	[dreg:$0x3] =	wrdreg s24  }
0xb0: {  	[dreg:$0x4] =	wrdreg $0xB000  }
0xb1: {  	[dreg:$0x5] =	wrdreg $0x9  }
0xb2: {  	_ =	task.clear_ibuf [dreg:s7], $0x6FFFF;
	_ =	strace $0x90000046  }
0xb3: {  	s29 =	simm.s32 $0x9;
	_ =	strace $0x80000048  }
0xb4: {  	_ =	swait.ge [sflag:s29], $0x1  }
0xb5: {  	[sflag:s29] =	ssyncadd.s32 $0xFFFFFFFF  }
0xb6: {  	_ =	strace $0x90000048  }
0xb7: {  	_ =	sfence  }
0xb8: {  	s30 =	sld [smem:$0x0];
	_ =	sdelay $0x2  }
0xb9: {  	s31 =	sshll.u32 s1, $0xD;
	s1 =	sshrl.u32 s1, $0x2  }
0xba: {  	s3 =	sand.u32 $0x4000, s31;
	s1 =	sadd.s32 s1, s30  }
0xbb: {  	s0 =	sor.u32 s3, s0;
	s1 =	sshll.u32 s1, $0x11  }
0xbc: {  	s0 =	sor.u32 s1, s0  }
0xbd: {  	s0 =	sadd.s32 $0x8F2B, s0  }
0xbe: {  	[sflag:s0] =	ssyncadd.remote.s32 $0x1  }
0xbf: {  	_ =	sfence.sel $0xFFFF  }
0xc0: {  	[dreg:$0x0] =	wrdreg $0xFFFFFFFF;
	(pc) =	sbr.abs _section_cstart, $3  }
0xc1: {  	[dreg:$0x1] =	wrdreg $0xFFFFFFFF  }
0xc2: {  	_ =	task.clear_ibuf [dreg:s7], $0x2FFFF;
	_ =	strace $0x9FFFFFFF  }
0xc3: {  	(tm) =	ssettm $0x7FFFFFFF  }
tec
execute0_lowered:
.L_overlay_start_1:
0x0: {  	(tag) =	ssettag $0x1  }
0x1: {  	s1 =	rddreg [dreg:$0x0]  }
0x2: {  	s4 =	rddreg [dreg:$0x1];
	s3 =	srdreg.scid  }
0x3: {  	s0 =	stileid.u32;
	s2 =	rddreg [dreg:$0x2];
	s10 =	simm.s32 $0x80  }
0x4: {  	s11 =	simm.s32 $0x800;
	s12 =	simm.s32 $0x100;
	s13 =	simm.s32 $0x180  }
0x5: {  	s14 =	simm.s32 $0x200;
	s15 =	simm.s32 $0x280;
	s16 =	simm.s32 $0x300  }
0x6: {  	s17 =	simm.s32 $0x380;
	s18 =	simm.s32 $0x400;
	s19 =	simm.s32 $0x480  }
0x7: {  	s20 =	simm.s32 $0x500;
	s21 =	simm.s32 $0x580;
	s22 =	simm.s32 $0x600  }
0x8: {  	s23 =	simm.s32 $0x680;
	s24 =	simm.s32 $0x700;
	s6 =	smul.u32 $0x500, s0  }
0x9: {  	s25 =	simm.s32 $0x780;
	s28 =	simm.s32 $0x10;
	s8 =	smul.u32 $0xA00, s0  }
0xa: {  	s29 =	simm.s32 $0x0;
	s5 =	sand.u32 $0x1, s3;
	s9 =	smul.u32 $0x2800, s0  }
0xb: {  	s3 =	simm.s32 $0x0;
	s7 =	sshll.u32 s5, $0x7;
	s26 =	smul.u32 $0x28000, s5  }
0xc: {  	[smem:$0x7FF] =	sst s3;
	s30 =	ssub.s32 $0x2, s5;
	s6 =	sor.u32 s7, s6  }
0xd: {  	_ =	strace $0x80000047;
	s5 =	sshrl.u32 s30, $0x1;
	s8 =	sshrl.u32 s8, $0x2  }
0xe: {  	s6 =	sshrl.u32 s6, $0x3;
	s7 =	sadd.s32 s9, s26;
	s31 =	ssub.s32 s30, s5  }
0xf: {  	s9 =	simm.s32 $0x1;
	s26 =	simm.s32 $0x20;
	s6 =	sadd.s32 s6, s4  }
0x10: {  	s4 =	sadd.s32 s8, s2;
	s7 =	sshrl.u32 s7, $0x3;
	s8 =	simm.s32 $0x880  }
0x11: {  	v0 =	vimm.f32 $1.000000000e+00;
	v1 =	vimm.f32 $0.0e+00;
	s5 =	sadd.s32 $0x2800, s6;
	s6 =	smax.u32 s31, $0x1;
	s7 =	sadd.s32 s7, s1  }
.LBB2_1:
0x12: {  	s1 =	sand.u32 $0x70, s3  }
0x13: {  	[tilespmem:s1+$0x800] =	vst v0  }
0x14: {  	s30 =	simm.s32 $0x10;
	s1 =	simm.s32 $0x880;
	[tilespmem:s8+$0x0] =	vst v1  }
.LBB2_2:
0x15: {  	p0 =	sne.s32 s30, $0x270  }
.Ltmp0:
0x16: {  	_ = 	snop;
	(pc) =	sbr.rel @p0 .LBB2_2-.Ltmp0, $4  }
0x17: {  	_ = 	snop  }
0x18: {  	s31 =	sand.u32 $0x70, s30  }
0x19: {  	s30 =	sadd.s32 $0x10, s30;
	s1 =	sadd.s32 $0x10, s1;
	[tilespmem:s31+$0x800] =	vst v0  }
0x1a: {  	[tilespmem:s1+$0x0] =	vst v1  }
0x1b: {  	[spmem:s4] =	stream.linear.scatter [tilespmem:s8], [sflag:$0x1], $0x280, $0x38;
	[tilespmem:$0xD80] =	vst v63  }
0x1c: {  	_ =	swait.ge [sflag:s9], $0x280  }
0x1d: {  	[sflag:s9] =	ssyncset.done $0x0  }
0x1e: {  	[sflag:s9] =	ssyncadd.s32 $0xFFFFFD80  }
0x1f: {  	s1 =	sadd.s32 $0x0, s7;
	[bflag:$0x0] =	sbarrier.arrive $0xFFFF  }
0x20: {  	[tilespmem:s3], [sflag:$0x1] =	stream.linear.gather [hbm4b:s1+s3], $0x800, $0x38;
	[tilespmem:$0xD80] =	vst v63  }
0x21: {  	_ =	swait.ge [sflag:s9], $0x800  }
0x22: {  	[sflag:s9] =	ssyncset.done $0x0  }
0x23: {  	[sflag:s9] =	ssyncadd.s32 $0xFFFFF800  }
0x24: {  	[spmem:s2] =	stream.indirect.scatter.add.f32 [tilespmem:s11], [sflag:$0x1], $0x1, s3, s10, $0xb8;
	[tilespmem:$0xD80] =	vst v63  }
0x25: {  	_ =	swait.ge [sflag:s9], $0x80  }
0x26: {  	[sflag:s9] =	ssyncset.done $0x0  }
0x27: {  	[sflag:s9] =	ssyncadd.s32 $0xFFFFFF80  }
0x28: {  	[spmem:s2] =	stream.indirect.scatter.add.f32 [tilespmem:s11], [sflag:$0x1], $0x1, s10, s10, $0xb8;
	[tilespmem:$0xD80] =	vst v63  }
0x29: {  	_ =	swait.ge [sflag:s9], $0x80  }
0x2a: {  	[sflag:s9] =	ssyncset.done $0x0  }
0x2b: {  	[sflag:s9] =	ssyncadd.s32 $0xFFFFFF80  }
0x2c: {  	[spmem:s2] =	stream.indirect.scatter.add.f32 [tilespmem:s11], [sflag:$0x1], $0x1, s12, s10, $0xb8;
	[tilespmem:$0xD80] =	vst v63  }
0x2d: {  	_ =	swait.ge [sflag:s9], $0x80  }
0x2e: {  	[sflag:s9] =	ssyncset.done $0x0  }
0x2f: {  	[sflag:s9] =	ssyncadd.s32 $0xFFFFFF80  }
0x30: {  	[spmem:s2] =	stream.indirect.scatter.add.f32 [tilespmem:s11], [sflag:$0x1], $0x1, s13, s10, $0xb8;
	[tilespmem:$0xD80] =	vst v63  }
0x31: {  	_ =	swait.ge [sflag:s9], $0x80  }
0x32: {  	[sflag:s9] =	ssyncset.done $0x0  }
0x33: {  	[sflag:s9] =	ssyncadd.s32 $0xFFFFFF80  }
0x34: {  	[spmem:s2] =	stream.indirect.scatter.add.f32 [tilespmem:s11], [sflag:$0x1], $0x1, s14, s10, $0xb8;
	[tilespmem:$0xD80] =	vst v63  }
0x35: {  	_ =	swait.ge [sflag:s9], $0x80  }
0x36: {  	[sflag:s9] =	ssyncset.done $0x0  }
0x37: {  	[sflag:s9] =	ssyncadd.s32 $0xFFFFFF80  }
0x38: {  	[spmem:s2] =	stream.indirect.scatter.add.f32 [tilespmem:s11], [sflag:$0x1], $0x1, s15, s10, $0xb8;
	[tilespmem:$0xD80] =	vst v63  }
0x39: {  	_ =	swait.ge [sflag:s9], $0x80  }
0x3a: {  	[sflag:s9] =	ssyncset.done $0x0  }
0x3b: {  	[sflag:s9] =	ssyncadd.s32 $0xFFFFFF80  }
0x3c: {  	[spmem:s2] =	stream.indirect.scatter.add.f32 [tilespmem:s11], [sflag:$0x1], $0x1, s16, s10, $0xb8;
	[tilespmem:$0xD80] =	vst v63  }
0x3d: {  	_ =	swait.ge [sflag:s9], $0x80  }
0x3e: {  	[sflag:s9] =	ssyncset.done $0x0  }
0x3f: {  	[sflag:s9] =	ssyncadd.s32 $0xFFFFFF80  }
0x40: {  	[spmem:s2] =	stream.indirect.scatter.add.f32 [tilespmem:s11], [sflag:$0x1], $0x1, s17, s10, $0xb8;
	[tilespmem:$0xD80] =	vst v63  }
0x41: {  	_ =	swait.ge [sflag:s9], $0x80  }
0x42: {  	[sflag:s9] =	ssyncset.done $0x0  }
0x43: {  	[sflag:s9] =	ssyncadd.s32 $0xFFFFFF80  }
0x44: {  	[spmem:s2] =	stream.indirect.scatter.add.f32 [tilespmem:s11], [sflag:$0x1], $0x1, s18, s10, $0xb8;
	[tilespmem:$0xD80] =	vst v63  }
0x45: {  	_ =	swait.ge [sflag:s9], $0x80  }
0x46: {  	[sflag:s9] =	ssyncset.done $0x0  }
0x47: {  	[sflag:s9] =	ssyncadd.s32 $0xFFFFFF80  }
0x48: {  	[spmem:s2] =	stream.indirect.scatter.add.f32 [tilespmem:s11], [sflag:$0x1], $0x1, s19, s10, $0xb8;
	[tilespmem:$0xD80] =	vst v63  }
0x49: {  	_ =	swait.ge [sflag:s9], $0x80  }
0x4a: {  	[sflag:s9] =	ssyncset.done $0x0  }
0x4b: {  	[sflag:s9] =	ssyncadd.s32 $0xFFFFFF80  }
0x4c: {  	[spmem:s2] =	stream.indirect.scatter.add.f32 [tilespmem:s11], [sflag:$0x1], $0x1, s20, s10, $0xb8;
	[tilespmem:$0xD80] =	vst v63  }
0x4d: {  	_ =	swait.ge [sflag:s9], $0x80  }
0x4e: {  	[sflag:s9] =	ssyncset.done $0x0  }
0x4f: {  	[sflag:s9] =	ssyncadd.s32 $0xFFFFFF80  }
0x50: {  	[spmem:s2] =	stream.indirect.scatter.add.f32 [tilespmem:s11], [sflag:$0x1], $0x1, s21, s10, $0xb8;
	[tilespmem:$0xD80] =	vst v63  }
0x51: {  	_ =	swait.ge [sflag:s9], $0x80  }
0x52: {  	[sflag:s9] =	ssyncset.done $0x0  }
0x53: {  	[sflag:s9] =	ssyncadd.s32 $0xFFFFFF80  }
0x54: {  	[spmem:s2] =	stream.indirect.scatter.add.f32 [tilespmem:s11], [sflag:$0x1], $0x1, s22, s10, $0xb8;
	[tilespmem:$0xD80] =	vst v63  }
0x55: {  	_ =	swait.ge [sflag:s9], $0x80  }
0x56: {  	[sflag:s9] =	ssyncset.done $0x0  }
0x57: {  	[sflag:s9] =	ssyncadd.s32 $0xFFFFFF80  }
0x58: {  	[spmem:s2] =	stream.indirect.scatter.add.f32 [tilespmem:s11], [sflag:$0x1], $0x1, s23, s10, $0xb8;
	[tilespmem:$0xD80] =	vst v63  }
0x59: {  	_ =	swait.ge [sflag:s9], $0x80  }
0x5a: {  	[sflag:s9] =	ssyncset.done $0x0  }
0x5b: {  	[sflag:s9] =	ssyncadd.s32 $0xFFFFFF80  }
0x5c: {  	[spmem:s2] =	stream.indirect.scatter.add.f32 [tilespmem:s11], [sflag:$0x1], $0x1, s24, s10, $0xb8;
	[tilespmem:$0xD80] =	vst v63  }
0x5d: {  	_ =	swait.ge [sflag:s9], $0x80  }
0x5e: {  	[sflag:s9] =	ssyncset.done $0x0  }
0x5f: {  	[sflag:s9] =	ssyncadd.s32 $0xFFFFFF80  }
0x60: {  	[spmem:s2] =	stream.indirect.scatter.add.f32 [tilespmem:s11], [sflag:$0x1], $0x1, s25, s10, $0xb8;
	[tilespmem:$0xD80] =	vst v63  }
0x61: {  	_ =	swait.ge [sflag:s9], $0x80  }
0x62: {  	s30 =	simm.s32 $0x100;
	s31 =	simm.s32 $0x200;
	[sflag:s9] =	ssyncset.done $0x0  }
.LBB2_4:
0x63: {  	s0 =	sadd.s32 s30, s7  }
0x64: {  	[sflag:s9] =	ssyncadd.s32 $0xFFFFFF80;
	s30 =	smov.u32 s31;
	s1 =	sadd.s32 $0x100, s31  }
0x65: {  	[tilespmem:s3], [sflag:$0x1] =	stream.linear.gather [hbm4b:s0+s3], $0x800, $0x38;
	[tilespmem:$0xD80] =	vst v63  }
0x66: {  	p0 =	sne.s32 s31, $0x400;
	_ =	swait.ge [sflag:s9], $0x800  }
0x67: {  	[sflag:s9] =	ssyncset.done $0x0  }
0x68: {  	[sflag:s9] =	ssyncadd.s32 $0xFFFFF800  }
0x69: {  	[spmem:s2] =	stream.indirect.scatter.add.f32 [tilespmem:s11], [sflag:$0x1], $0x1, s3, s10, $0xb8;
	[tilespmem:$0xD80] =	vst v63  }
0x6a: {  	_ =	swait.ge [sflag:s9], $0x80  }
0x6b: {  	[sflag:s9] =	ssyncset.done $0x0  }
0x6c: {  	[sflag:s9] =	ssyncadd.s32 $0xFFFFFF80  }
0x6d: {  	[spmem:s2] =	stream.indirect.scatter.add.f32 [tilespmem:s11], [sflag:$0x1], $0x1, s10, s10, $0xb8;
	[tilespmem:$0xD80] =	vst v63  }
0x6e: {  	_ =	swait.ge [sflag:s9], $0x80  }
0x6f: {  	[sflag:s9] =	ssyncset.done $0x0  }
0x70: {  	[sflag:s9] =	ssyncadd.s32 $0xFFFFFF80  }
0x71: {  	[spmem:s2] =	stream.indirect.scatter.add.f32 [tilespmem:s11], [sflag:$0x1], $0x1, s12, s10, $0xb8;
	[tilespmem:$0xD80] =	vst v63  }
0x72: {  	_ =	swait.ge [sflag:s9], $0x80  }
0x73: {  	[sflag:s9] =	ssyncset.done $0x0  }
0x74: {  	[sflag:s9] =	ssyncadd.s32 $0xFFFFFF80  }
0x75: {  	[spmem:s2] =	stream.indirect.scatter.add.f32 [tilespmem:s11], [sflag:$0x1], $0x1, s13, s10, $0xb8;
	[tilespmem:$0xD80] =	vst v63  }
0x76: {  	_ =	swait.ge [sflag:s9], $0x80  }
0x77: {  	[sflag:s9] =	ssyncset.done $0x0  }
0x78: {  	[sflag:s9] =	ssyncadd.s32 $0xFFFFFF80  }
0x79: {  	[spmem:s2] =	stream.indirect.scatter.add.f32 [tilespmem:s11], [sflag:$0x1], $0x1, s14, s10, $0xb8;
	[tilespmem:$0xD80] =	vst v63  }
0x7a: {  	_ =	swait.ge [sflag:s9], $0x80  }
0x7b: {  	[sflag:s9] =	ssyncset.done $0x0  }
0x7c: {  	[sflag:s9] =	ssyncadd.s32 $0xFFFFFF80  }
0x7d: {  	[spmem:s2] =	stream.indirect.scatter.add.f32 [tilespmem:s11], [sflag:$0x1], $0x1, s15, s10, $0xb8;
	[tilespmem:$0xD80] =	vst v63  }
0x7e: {  	_ =	swait.ge [sflag:s9], $0x80  }
0x7f: {  	[sflag:s9] =	ssyncset.done $0x0  }
0x80: {  	[sflag:s9] =	ssyncadd.s32 $0xFFFFFF80  }
0x81: {  	[spmem:s2] =	stream.indirect.scatter.add.f32 [tilespmem:s11], [sflag:$0x1], $0x1, s16, s10, $0xb8;
	[tilespmem:$0xD80] =	vst v63  }
0x82: {  	_ =	swait.ge [sflag:s9], $0x80  }
0x83: {  	[sflag:s9] =	ssyncset.done $0x0  }
0x84: {  	[sflag:s9] =	ssyncadd.s32 $0xFFFFFF80  }
0x85: {  	[spmem:s2] =	stream.indirect.scatter.add.f32 [tilespmem:s11], [sflag:$0x1], $0x1, s17, s10, $0xb8;
	[tilespmem:$0xD80] =	vst v63  }
0x86: {  	_ =	swait.ge [sflag:s9], $0x80  }
0x87: {  	[sflag:s9] =	ssyncset.done $0x0  }
0x88: {  	[sflag:s9] =	ssyncadd.s32 $0xFFFFFF80  }
0x89: {  	[spmem:s2] =	stream.indirect.scatter.add.f32 [tilespmem:s11], [sflag:$0x1], $0x1, s18, s10, $0xb8;
	[tilespmem:$0xD80] =	vst v63  }
0x8a: {  	_ =	swait.ge [sflag:s9], $0x80  }
0x8b: {  	[sflag:s9] =	ssyncset.done $0x0  }
0x8c: {  	[sflag:s9] =	ssyncadd.s32 $0xFFFFFF80  }
0x8d: {  	[spmem:s2] =	stream.indirect.scatter.add.f32 [tilespmem:s11], [sflag:$0x1], $0x1, s19, s10, $0xb8;
	[tilespmem:$0xD80] =	vst v63  }
0x8e: {  	_ =	swait.ge [sflag:s9], $0x80  }
0x8f: {  	[sflag:s9] =	ssyncset.done $0x0  }
0x90: {  	[sflag:s9] =	ssyncadd.s32 $0xFFFFFF80  }
0x91: {  	[spmem:s2] =	stream.indirect.scatter.add.f32 [tilespmem:s11], [sflag:$0x1], $0x1, s20, s10, $0xb8;
	[tilespmem:$0xD80] =	vst v63  }
0x92: {  	_ =	swait.ge [sflag:s9], $0x80  }
0x93: {  	[sflag:s9] =	ssyncset.done $0x0  }
0x94: {  	[sflag:s9] =	ssyncadd.s32 $0xFFFFFF80  }
0x95: {  	[spmem:s2] =	stream.indirect.scatter.add.f32 [tilespmem:s11], [sflag:$0x1], $0x1, s21, s10, $0xb8;
	[tilespmem:$0xD80] =	vst v63  }
0x96: {  	_ =	swait.ge [sflag:s9], $0x80  }
0x97: {  	[sflag:s9] =	ssyncset.done $0x0  }
0x98: {  	[sflag:s9] =	ssyncadd.s32 $0xFFFFFF80  }
0x99: {  	[spmem:s2] =	stream.indirect.scatter.add.f32 [tilespmem:s11], [sflag:$0x1], $0x1, s22, s10, $0xb8;
	[tilespmem:$0xD80] =	vst v63  }
0x9a: {  	_ =	swait.ge [sflag:s9], $0x80  }
0x9b: {  	[sflag:s9] =	ssyncset.done $0x0  }
0x9c: {  	[sflag:s9] =	ssyncadd.s32 $0xFFFFFF80  }
0x9d: {  	[spmem:s2] =	stream.indirect.scatter.add.f32 [tilespmem:s11], [sflag:$0x1], $0x1, s23, s10, $0xb8;
	[tilespmem:$0xD80] =	vst v63  }
0x9e: {  	_ =	swait.ge [sflag:s9], $0x80  }
0x9f: {  	[sflag:s9] =	ssyncset.done $0x0  }
0xa0: {  	[sflag:s9] =	ssyncadd.s32 $0xFFFFFF80  }
0xa1: {  	[spmem:s2] =	stream.indirect.scatter.add.f32 [tilespmem:s11], [sflag:$0x1], $0x1, s24, s10, $0xb8;
	[tilespmem:$0xD80] =	vst v63  }
0xa2: {  	_ =	swait.ge [sflag:s9], $0x80  }
.Ltmp1:
0xa3: {  	[sflag:s9] =	ssyncset.done $0x0;
	(pc) =	sbr.rel @p0 .LBB2_4-.Ltmp1, $4  }
0xa4: {  	[sflag:s9] =	ssyncadd.s32 $0xFFFFFF80  }
0xa5: {  	[spmem:s2] =	stream.indirect.scatter.add.f32 [tilespmem:s11], [sflag:$0x1], $0x1, s25, s10, $0xb8;
	[tilespmem:$0xD80] =	vst v63  }
0xa6: {  	_ =	swait.ge [sflag:s9], $0x80  }
0xa7: {  	s31 =	smov.u32 s1;
	[sflag:s9] =	ssyncset.done $0x0  }
0xa8: {  	s0 =	sadd.s32 s30, s7;
	[sflag:s9] =	ssyncadd.s32 $0xFFFFFF80  }
0xa9: {  	[tilespmem:s3], [sflag:$0x1] =	stream.linear.gather [hbm4b:s0+s3], $0x800, $0x38;
	[tilespmem:$0xD80] =	vst v63  }
0xaa: {  	_ =	swait.ge [sflag:s9], $0x800  }
0xab: {  	[sflag:s9] =	ssyncset.done $0x0  }
0xac: {  	[sflag:s9] =	ssyncadd.s32 $0xFFFFF800  }
0xad: {  	[spmem:s2] =	stream.indirect.scatter.add.f32 [tilespmem:s11], [sflag:$0x1], $0x1, s3, s10, $0xb8;
	[tilespmem:$0xD80] =	vst v63  }
0xae: {  	_ =	swait.ge [sflag:s9], $0x80  }
0xaf: {  	[sflag:s9] =	ssyncset.done $0x0  }
0xb0: {  	[sflag:s9] =	ssyncadd.s32 $0xFFFFFF80  }
0xb1: {  	[spmem:s2] =	stream.indirect.scatter.add.f32 [tilespmem:s11], [sflag:$0x1], $0x1, s10, s10, $0xb8;
	[tilespmem:$0xD80] =	vst v63  }
0xb2: {  	_ =	swait.ge [sflag:s9], $0x80  }
0xb3: {  	[sflag:s9] =	ssyncset.done $0x0  }
0xb4: {  	[sflag:s9] =	ssyncadd.s32 $0xFFFFFF80  }
0xb5: {  	[spmem:s2] =	stream.indirect.scatter.add.f32 [tilespmem:s11], [sflag:$0x1], $0x1, s12, s10, $0xb8;
	[tilespmem:$0xD80] =	vst v63  }
0xb6: {  	_ =	swait.ge [sflag:s9], $0x80  }
0xb7: {  	[sflag:s9] =	ssyncset.done $0x0  }
0xb8: {  	[sflag:s9] =	ssyncadd.s32 $0xFFFFFF80  }
0xb9: {  	[spmem:s2] =	stream.indirect.scatter.add.f32 [tilespmem:s11], [sflag:$0x1], $0x1, s13, s10, $0xb8;
	[tilespmem:$0xD80] =	vst v63  }
0xba: {  	_ =	swait.ge [sflag:s9], $0x80  }
0xbb: {  	[sflag:s9] =	ssyncset.done $0x0  }
0xbc: {  	[sflag:s9] =	ssyncadd.s32 $0xFFFFFF80  }
0xbd: {  	[spmem:s2] =	stream.indirect.scatter.add.f32 [tilespmem:s11], [sflag:$0x1], $0x1, s14, s10, $0xb8;
	[tilespmem:$0xD80] =	vst v63  }
0xbe: {  	_ =	swait.ge [sflag:s9], $0x80  }
0xbf: {  	[sflag:s9] =	ssyncset.done $0x0  }
0xc0: {  	[sflag:s9] =	ssyncadd.s32 $0xFFFFFF80  }
0xc1: {  	[spmem:s2] =	stream.indirect.scatter.add.f32 [tilespmem:s11], [sflag:$0x1], $0x1, s15, s10, $0xb8;
	[tilespmem:$0xD80] =	vst v63  }
0xc2: {  	_ =	swait.ge [sflag:s9], $0x80  }
0xc3: {  	[sflag:s9] =	ssyncset.done $0x0  }
0xc4: {  	[sflag:s9] =	ssyncadd.s32 $0xFFFFFF80  }
0xc5: {  	[spmem:s2] =	stream.indirect.scatter.add.f32 [tilespmem:s11], [sflag:$0x1], $0x1, s16, s10, $0xb8;
	[tilespmem:$0xD80] =	vst v63  }
0xc6: {  	_ =	swait.ge [sflag:s9], $0x80  }
0xc7: {  	[sflag:s9] =	ssyncset.done $0x0  }
0xc8: {  	[sflag:s9] =	ssyncadd.s32 $0xFFFFFF80  }
0xc9: {  	[spmem:s2] =	stream.indirect.scatter.add.f32 [tilespmem:s11], [sflag:$0x1], $0x1, s17, s10, $0xb8;
	[tilespmem:$0xD80] =	vst v63  }
0xca: {  	_ =	swait.ge [sflag:s9], $0x80  }
0xcb: {  	[sflag:s9] =	ssyncset.done $0x0  }
0xcc: {  	[sflag:s9] =	ssyncadd.s32 $0xFFFFFF80  }
0xcd: {  	[spmem:s2] =	stream.indirect.scatter.add.f32 [tilespmem:s11], [sflag:$0x1], $0x1, s18, s10, $0xb8;
	[tilespmem:$0xD80] =	vst v63  }
0xce: {  	_ =	swait.ge [sflag:s9], $0x80  }
0xcf: {  	[sflag:s9] =	ssyncset.done $0x0  }
0xd0: {  	[sflag:s9] =	ssyncadd.s32 $0xFFFFFF80  }
0xd1: {  	[spmem:s2] =	stream.indirect.scatter.add.f32 [tilespmem:s11], [sflag:$0x1], $0x1, s19, s10, $0xb8;
	[tilespmem:$0xD80] =	vst v63  }
0xd2: {  	_ =	swait.ge [sflag:s9], $0x80  }
0xd3: {  	[sflag:s9] =	ssyncset.done $0x0  }
0xd4: {  	[sflag:s9] =	ssyncadd.s32 $0xFFFFFF80  }
0xd5: {  	[spmem:s2] =	stream.indirect.scatter.add.f32 [tilespmem:s11], [sflag:$0x1], $0x1, s20, s10, $0xb8;
	[tilespmem:$0xD80] =	vst v63  }
0xd6: {  	_ =	swait.ge [sflag:s9], $0x80  }
0xd7: {  	[sflag:s9] =	ssyncset.done $0x0  }
0xd8: {  	[sflag:s9] =	ssyncadd.s32 $0xFFFFFF80  }
0xd9: {  	[spmem:s2] =	stream.indirect.scatter.add.f32 [tilespmem:s11], [sflag:$0x1], $0x1, s21, s10, $0xb8;
	[tilespmem:$0xD80] =	vst v63  }
0xda: {  	_ =	swait.ge [sflag:s9], $0x80  }
0xdb: {  	[sflag:s9] =	ssyncset.done $0x0  }
0xdc: {  	[sflag:s9] =	ssyncadd.s32 $0xFFFFFF80  }
0xdd: {  	[spmem:s2] =	stream.indirect.scatter.add.f32 [tilespmem:s11], [sflag:$0x1], $0x1, s22, s10, $0xb8;
	[tilespmem:$0xD80] =	vst v63  }
0xde: {  	_ =	swait.ge [sflag:s9], $0x80  }
0xdf: {  	[sflag:s9] =	ssyncset.done $0x0  }
0xe0: {  	[sflag:s9] =	ssyncadd.s32 $0xFFFFFF80  }
0xe1: {  	[spmem:s2] =	stream.indirect.scatter.add.f32 [tilespmem:s11], [sflag:$0x1], $0x1, s23, s10, $0xb8;
	[tilespmem:$0xD80] =	vst v63  }
0xe2: {  	_ =	swait.ge [sflag:s9], $0x80  }
0xe3: {  	[sflag:s9] =	ssyncset.done $0x0  }
0xe4: {  	[sflag:s9] =	ssyncadd.s32 $0xFFFFFF80  }
0xe5: {  	[spmem:s2] =	stream.indirect.scatter.add.f32 [tilespmem:s11], [sflag:$0x1], $0x1, s24, s10, $0xb8;
	[tilespmem:$0xD80] =	vst v63  }
0xe6: {  	_ =	swait.ge [sflag:s9], $0x80  }
0xe7: {  	[sflag:s9] =	ssyncset.done $0x0  }
0xe8: {  	[sflag:s9] =	ssyncadd.s32 $0xFFFFFF80  }
0xe9: {  	[spmem:s2] =	stream.indirect.scatter.add.f32 [tilespmem:s11], [sflag:$0x1], $0x1, s25, s10, $0xb8;
	[tilespmem:$0xD80] =	vst v63  }
0xea: {  	s31 =	stileid.u32;
	_ =	swait.ge [sflag:s9], $0x80  }
0xeb: {  	s1 =	sshrl.u32 s4, $0x3;
	s29 =	sadd.s32 $0x1, s29;
	[sflag:s9] =	ssyncset.done $0x0  }
0xec: {  	s0 =	sshll.u32 s31, $0x6;
	p0 =	sne.s32 s29, s6;
	[sflag:s9] =	ssyncadd.s32 $0xFFFFFF80  }
.Ltmp2:
0xed: {  	s0 =	sor.u32 $0x1C01, s0;
	[bflag:$0x0] =	sbarrier.arrive $0xFFFF;
	(pc) =	sbr.rel @p0 .LBB2_1-.Ltmp2, $4  }
0xee: {  	[hbm:s5@s26], [sflag:s0] =	dma.strided [spmem:s1@s28], $0x50, s9, $0x10   }
0xef: {  	_ =	swait.ge [sflag:s9], $0x50  }
0xf0: {  	[sflag:s9] =	ssyncset.done $0x0  }
0xf1: {  	[sflag:s9] =	ssyncadd.s32 $0xFFFFFFB0  }
0xf2: {  	_ =	sfence.sel $0x180000  }
0xf3: {  	[bflag:$0x0] =	sbarrier.arrive $0xFFFF  }
0xf4: {  	_ =	strace $0x90000047  }
0xf5: {  	s0 =	stileid.u32;
	[bflag:$0x2] =	sbarrier.arrive $0xFFFF  }
0xf6: {  	p0 =	sne.s32 s0, $0x0;
	s0 =	rddreg [dreg:$0x3]  }
0xf7: {  	s0 =	sadd.s32 @!p0 $0x100000, s0  }
0xf8: {  	[sflag:s0] =	ssyncadd.tile.s32 @!p0 $0x1;
	_ =	shalt  }
.Lfunc_end2:
_tile_overlayer_lowered:
.L_overlay_start_2:
0xf9: {  	(tag) =	ssettag $0x2  }
0xfa: {  	s0 =	rddreg [dreg:$0x0];
	s2 =	stileid.u32  }
0xfb: {  	s1 =	rddreg [dreg:$0x1];
	p0 =	sne.s32 s2, $0x0  }
0xfc: {  	s3 =	rddreg [dreg:$0x2];
	[bflag:$0x3] =	sbarrier.arrive $0xFFFF;
	s2 =	simm.s32 @!p0 $0x1C01  }
0xfd: {  	[timem:s3], [sflag:s2] =	dma.local @!p0 [hbm:s0], s1  }
0xfe: {  	s0 =	simm.s32 @!p0 $0x1  }
0xff: {  	_ =	swait.ge @!p0 [sflag:s0], s1  }
0x100: {  	s1 =	ssub.s32 @!p0 $0x0, s1;
	[sflag:s0] =	ssyncset.done @!p0 $0x0  }
0x101: {  	[sflag:s0] =	ssyncadd.s32 @!p0 s1  }
0x102: {  	[bflag:$0x3] =	sbarrier.arrive $0xFFFF  }
0x103: {  	_ =	shalt  }

</sc_bundles>
